<compile_context>
chip_gen: v7x
topology: tpu7x:2x2x1
jax: 0.10.2.dev20260603
libtpu: 0.0.44.dev20260713+nightly
codegen_flags: <defaults>
</compile_context>

<pallas_src>
import functools

import jax
import jax.numpy as jnp
from jax.experimental import pallas as pl
from jax.experimental.pallas import tpu as pltpu
from jax.experimental.pallas import tpu_sc as plsc

HEADS = 8
DIM = 64
K = 1024
TB = 2048
NP = HEADS // 2
AUG = 144


def _argmin_body(x_ref, e_ref, idx_ref, ea_ref):
    xb = x_ref[...]
    em = e_ref[...]

    @pl.when((pl.program_id(0) == 0) & (pl.program_id(1) == 0))
    def _():
        em16 = (em * -2.0).astype(jnp.bfloat16)
        z = jnp.zeros((K, DIM), jnp.bfloat16)
        y2 = jnp.sum(em * em, axis=1)
        h1 = y2.astype(jnp.bfloat16)
        r1 = y2 - h1.astype(jnp.float32)
        h2 = r1.astype(jnp.bfloat16)
        h3 = (r1 - h2.astype(jnp.float32)).astype(jnp.bfloat16)
        ztail = jnp.zeros((K, AUG - 2 * DIM - 3), jnp.bfloat16)
        top = jnp.concatenate(
            [em16, z, h1[:, None], h2[:, None], h3[:, None], ztail], axis=1)
        bot = jnp.concatenate(
            [z, em16, h1[:, None], h2[:, None], h3[:, None], ztail], axis=1)
        ea_ref[...] = jnp.concatenate([top, bot], axis=0)

    xa = jnp.concatenate(
        [xb.astype(jnp.bfloat16),
         jnp.ones((TB, 3), jnp.bfloat16),
         jnp.zeros((TB, AUG - 2 * DIM - 3), jnp.bfloat16)], axis=1)
    s = jax.lax.dot_general(
        ea_ref[...], xa,
        (((1,), (1,)), ((), ())),
        preferred_element_type=jnp.float32)
    ie = jnp.argmin(s[:K], axis=0).astype(jnp.int32)
    io = jnp.argmin(s[K:], axis=0).astype(jnp.int32)
    p = pl.program_id(1)
    lane = jax.lax.broadcasted_iota(jnp.int32, (TB, HEADS), 1)
    vals = jnp.where(lane == 2 * p, ie[:, None],
                     jnp.where(lane == 2 * p + 1, io[:, None], idx_ref[...]))
    idx_ref[...] = vals


def _tc_argmin(x2d, em, interpret=False):
    nt = x2d.shape[0]
    nb = nt // TB
    idx2 = pl.pallas_call(
        _argmin_body,
        grid=(nb, NP),
        in_specs=[
            pl.BlockSpec((TB, 2 * DIM), lambda t, p: (t, p)),
            pl.BlockSpec((K, DIM), lambda t, p: (0, 0)),
        ],
        out_specs=pl.BlockSpec((TB, HEADS), lambda t, p: (t, 0)),
        out_shape=jax.ShapeDtypeStruct((nt, HEADS), jnp.int32),
        scratch_shapes=[pltpu.VMEM((2 * K, AUG), jnp.bfloat16)],
        interpret=interpret,
    )(x2d, em)
    return idx2.reshape(nt * HEADS)


def _sc_gather(epad, ind2):
    m = ind2.shape[1]
    nt = m // HEADS
    w = 256
    wt = w // HEADS

    @functools.partial(
        pl.kernel,
        out_type=jax.ShapeDtypeStruct((nt, HEADS * DIM), jnp.float32),
        mesh=plsc.VectorSubcoreMesh(core_axis_name="c", subcore_axis_name="s"),
        scratch_types=[pltpu.VMEM_SHARED((K, 2 * DIM), jnp.float32),
                       pltpu.VMEM((w, 2 * DIM), jnp.float32)],
    )
    def gather_kernel(e_hbm, i_hbm, o_hbm, tbl_ref, g_ref):
        @pl.when(jax.lax.axis_index("s") == 0)
        def _():
            pltpu.sync_copy(e_hbm, tbl_ref)
        plsc.subcore_barrier()

        def body(i_vmem, o_vmem):
            pltpu.sync_copy(tbl_ref.at[i_vmem.at[0]], g_ref)
            o_vmem[...] = g_ref[:, 0:DIM].reshape(wt, HEADS * DIM)

        pltpu.emit_pipeline(
            body,
            grid=(m // w,),
            in_specs=[pl.BlockSpec((1, w), index_map=lambda i: (0, i))],
            out_specs=[pl.BlockSpec((wt, HEADS * DIM),
                                    index_map=lambda i: (i, 0))],
            core_axis_name=("c", "s"),
            dimension_semantics=(pltpu.PARALLEL,),
        )(i_hbm, o_hbm)

    return gather_kernel(epad, ind2)


def kernel(x, embed):
    b, n, _ = x.shape
    nt = b * n
    em = embed[0]
    x2d = x.reshape(nt, HEADS * DIM)
    ind = _tc_argmin(x2d, em)
    epad = jnp.pad(em, ((0, 0), (0, DIM)))
    q = _sc_gather(epad, ind.reshape(1, nt * HEADS))
    return q.reshape(b, n, HEADS * DIM), ind.reshape(b, n, HEADS)

# --- scband reference (transcript-rebuilt; emitter-appended) ---
"""Pipeline reference for scband-vector-quantize-24189255811230 (READ-ONLY COPY).

The authoritative reference and input builder live on the scoring server;
editing this copy changes nothing except your own understanding.
"""

import jax, jax.numpy as jnp
import numpy as np

HEADS = 8
DIM = 64
CODEBOOK_SIZE = 1024

def setup_inputs(seed: int = 0) -> dict:
    key = jax.random.key(seed)
    k1, k2 = jax.random.split(key)
    x = jax.random.normal(k1, (8, 1024, HEADS * DIM), dtype=jnp.float32)
    # EuclideanCodebook registers an (uninitialized) buffer embed[num_codebooks=1, K, dim];
    # we materialize it with random normal values here.
    embed = jax.random.normal(k2, (1, CODEBOOK_SIZE, DIM), dtype=jnp.float32)
    return {"x": x, "embed": embed}

def reference(x, embed):
    b, n, D = x.shape
    h, d = HEADS, DIM
    # rearrange 'b n (h d) -> 1 (b h) n d'
    xh = x.reshape(b, n, h, d).transpose(0, 2, 1, 3).reshape(1, b * h, n, d)
    xh = xh.astype(jnp.float32)
    # pack_one 'h * d'
    flatten = xh.reshape(1, b * h * n, d)
    # dist = -cdist(flatten, embed)
    x2 = jnp.sum(flatten ** 2, axis=-1)               # [1, M]
    y2 = jnp.sum(embed ** 2, axis=-1)                 # [1, K]
    xy = jnp.einsum('hnd,hcd->hnc', flatten, embed) * -2.0
    dist = -jnp.sqrt(x2[:, :, None] + y2[:, None, :] + xy)  # [1, M, K]
    embed_ind_flat = jnp.argmax(dist, axis=-1)        # [1, M]
    # batched_embedding: gather codes per codebook (num_codebooks == 1)
    quantize = jnp.take(embed[0], embed_ind_flat[0], axis=0).reshape(1, b * h, n, d)
    embed_ind = embed_ind_flat.reshape(1, b * h, n)
    # rearrange '1 (b h) n d -> b n (h d)'
    quantize = quantize.reshape(b, h, n, d).transpose(0, 2, 1, 3).reshape(b, n, h * d)
    # rearrange '1 (b h) n -> b n h'
    embed_ind = embed_ind.reshape(b, h, n).transpose(0, 2, 1)
    return quantize, embed_ind

if __name__ == "__main__":
    import jax
    _d = setup_inputs()
    print(jax.jit(kernel)(*tuple(_d.values())))

</pallas_src>

<mosaic_0001>
#map = affine_map<(d0, d1) -> (0, 0)>
module attributes {stable_mosaic.version = 14 : i64} {
  func.func @gather_kernel(%arg0: i32, %arg1: i32, %arg2: memref<1024x128xf32, #tpu.memory_space<hbm>>, %arg3: memref<1x65536xi32, #tpu.memory_space<hbm>>, %arg4: memref<8192x512xf32, #tpu.memory_space<hbm>>, %arg5: memref<1024x128xf32, #tpu.memory_space<vmem_shared>>, %arg6: memref<256x128xf32, #tpu.memory_space<vmem>>) attributes {dimension_semantics = [#tpu.dimension_semantics<core_parallel>, #tpu.dimension_semantics<subcore_parallel>], iteration_bounds = array<i64: 2, 16>, scalar_prefetch = 0 : i64, scratch_operands = 2 : i64, tpu.core_type = #tpu.core_type<sc_vector_subcore>, window_params = [{transform_indices = #map}, {transform_indices = #map}, {transform_indices = #map}]} {
    %eq3A = arith.constant 0 : i32
    %eq3A_0 = arith.cmpi eq, %arg1, %eq3A : i32
    %convert_element_type3A = arith.extui %eq3A_0 : i1 to i32
    %cond3A = arith.constant 0 : i32
    %cond3A_1 = arith.cmpi ne, %convert_element_type3A, %cond3A : i32
    scf.if %cond3A_1 {
      "tpu.region"() ({
        %run_scoped3A = tpu.sem_alloc : memref<!tpu.dma_semaphore, #tpu.memory_space<semaphore_mem>>
        tpu.enqueue_dma source(%arg2 : memref<1024x128xf32, #tpu.memory_space<hbm>>) target(%arg5 : memref<1024x128xf32, #tpu.memory_space<vmem_shared>>) target_semaphore(%run_scoped3A : memref<!tpu.dma_semaphore, #tpu.memory_space<semaphore_mem>>)
        tpu.wait_dma2 semaphore(%run_scoped3A : memref<!tpu.dma_semaphore, #tpu.memory_space<semaphore_mem>>) src(%arg2 : memref<1024x128xf32, #tpu.memory_space<hbm>>) dst(%arg5 : memref<1024x128xf32, #tpu.memory_space<vmem_shared>>)
        tpu.yield
      }) : () -> ()
    } else {
    }
    %barrier3A = arith.constant 0 : index
    tpu.barrier barrier_id(%barrier3A)
    %mul3A = arith.constant 1 : i32
    %mul3A_2 = arith.muli %arg1, %mul3A : i32
    %add3A = arith.constant 0 : i32
    %add3A_3 = arith.addi %add3A, %mul3A_2 : i32
    %mul3A_4 = arith.constant 16 : i32
    %mul3A_5 = arith.muli %arg0, %mul3A_4 : i32
    %add3A_6 = arith.addi %add3A_3, %mul3A_5 : i32
    %mul3A_7 = arith.constant 8 : i32
    %mul3A_8 = arith.muli %add3A_6, %mul3A_7 : i32
    "tpu.region"() ({
      %run_scoped3A = memref.alloca() : memref<2x1x256xi32, #tpu.memory_space<vmem>>
      %run_scoped3A_9 = tpu.sem_alloc : memref<2x!tpu.dma_semaphore, #tpu.memory_space<semaphore_mem>>
      %run_scoped3A_10 = memref.alloca() : memref<2x32x512xf32, #tpu.memory_space<vmem>>
      %run_scoped3A_11 = tpu.sem_alloc : memref<2x!tpu.dma_semaphore, #tpu.memory_space<semaphore_mem>>
      %add3A_12 = arith.constant 0 : i32
      %add3A_13 = arith.addi %add3A_12, %mul3A_8 : i32
      %select_n3A = arith.constant true
      %select_n3A_14 = arith.constant 0 : i32
      %select_n3A_15 = arith.constant -1 : i32
      %select_n3A_16 = arith.select %select_n3A, %select_n3A_15, %select_n3A_14 : i32
      %eq3A_17 = arith.constant -1 : i32
      %eq3A_18 = arith.cmpi eq, %select_n3A_16, %eq3A_17 : i32
      %select_n3A_19 = arith.constant 7 : i32
      %select_n3A_20 = arith.select %eq3A_18, %select_n3A_19, %select_n3A_16 : i32
      %add3A_21 = arith.addi %select_n3A_20, %mul3A_8 : i32
      %select_n3A_22 = arith.constant true
      %select_n3A_23 = arith.constant 0 : i32
      %select_n3A_24 = arith.constant 1 : i32
      %select_n3A_25 = arith.select %select_n3A_22, %select_n3A_24, %select_n3A_23 : i32
      %eq3A_26 = arith.constant 8 : i32
      %eq3A_27 = arith.cmpi eq, %select_n3A_25, %eq3A_26 : i32
      %select_n3A_28 = arith.constant 0 : i32
      %select_n3A_29 = arith.select %eq3A_27, %select_n3A_28, %select_n3A_25 : i32
      %add3A_30 = arith.addi %select_n3A_29, %mul3A_8 : i32
      %add3A_31 = arith.constant 1 : i32
      %add3A_32 = arith.addi %select_n3A_29, %add3A_31 : i32
      %select_n3A_33 = arith.constant true
      %select_n3A_34 = arith.select %select_n3A_33, %add3A_32, %select_n3A_29 : i32
      %eq3A_35 = arith.constant 8 : i32
      %eq3A_36 = arith.cmpi eq, %select_n3A_34, %eq3A_35 : i32
      %select_n3A_37 = arith.constant 0 : i32
      %select_n3A_38 = arith.select %eq3A_36, %select_n3A_37, %select_n3A_34 : i32
      %add3A_39 = arith.addi %select_n3A_38, %mul3A_8 : i32
      "tpu.trace_start"() <{level = 10 : i32, message = "ep_initialize_0"}> : () -> ()
      %rem3A = arith.constant 0 : i32
      %rem3A_40 = arith.constant 2 : i32
      %rem3A_41 = arith.remui %rem3A, %rem3A_40 : i32
      %mul3A_42 = arith.constant 256 : i32
      %mul3A_43 = arith.muli %mul3A_42, %add3A_13 : i32
      %dma_start3A = arith.constant 0 : i32
      %dma_start3A_44 = arith.constant 0 : i32
      %dma_start3A_45 = tpu.memref_slice %run_scoped3A[%rem3A_41, %dma_start3A, %dma_start3A_44] : memref<2x1x256xi32, #tpu.memory_space<vmem>> -> memref<1x1x256xi32, #tpu.memory_space<vmem>>
      %dma_start3A_46 = tpu.memref_squeeze %dma_start3A_45 : memref<1x1x256xi32, #tpu.memory_space<vmem>> -> memref<1x256xi32, #tpu.memory_space<vmem>>
      %dma_start3A_47 = arith.constant 0 : i32
      %dma_start3A_48 = tpu.memref_slice %arg3[%dma_start3A_47, %mul3A_43] : memref<1x65536xi32, #tpu.memory_space<hbm>> -> memref<1x256xi32, #tpu.memory_space<hbm>>
      %dma_start3A_49 = tpu.memref_slice %run_scoped3A_9[%rem3A_41] : memref<2x!tpu.dma_semaphore, #tpu.memory_space<semaphore_mem>> -> memref<1x!tpu.dma_semaphore, #tpu.memory_space<semaphore_mem>>
      %dma_start3A_50 = tpu.memref_squeeze %dma_start3A_49 : memref<1x!tpu.dma_semaphore, #tpu.memory_space<semaphore_mem>> -> memref<!tpu.dma_semaphore, #tpu.memory_space<semaphore_mem>>
      %dma_start3A_51 = arith.constant 0 : i32
      %dma_start3A_52 = arith.constant 0 : i32
      %dma_start3A_53 = tpu.memref_slice %run_scoped3A[%rem3A_41, %dma_start3A_51, %dma_start3A_52] : memref<2x1x256xi32, #tpu.memory_space<vmem>> -> memref<1x1x256xi32, #tpu.memory_space<vmem>>
      %dma_start3A_54 = tpu.memref_squeeze %dma_start3A_53 : memref<1x1x256xi32, #tpu.memory_space<vmem>> -> memref<1x256xi32, #tpu.memory_space<vmem>>
      %dma_start3A_55 = arith.constant 0 : i32
      %dma_start3A_56 = tpu.memref_slice %arg3[%dma_start3A_55, %mul3A_43] : memref<1x65536xi32, #tpu.memory_space<hbm>> -> memref<1x256xi32, #tpu.memory_space<hbm>>
      tpu.enqueue_dma source(%dma_start3A_56 : memref<1x256xi32, #tpu.memory_space<hbm>>) target(%dma_start3A_54 : memref<1x256xi32, #tpu.memory_space<vmem>>) target_semaphore(%dma_start3A_50 : memref<!tpu.dma_semaphore, #tpu.memory_space<semaphore_mem>>)
      %add3A_57 = arith.constant 0 : i32
      %add3A_58 = arith.constant 1 : i32
      %add3A_59 = arith.addi %add3A_57, %add3A_58 : i32
      %select_n3A_60 = arith.constant true
      %select_n3A_61 = arith.constant 0 : i32
      %select_n3A_62 = arith.select %select_n3A_60, %add3A_59, %select_n3A_61 : i32
      "tpu.trace_stop"() : () -> ()
      %scan3A = arith.constant 0 : i32
      %scan3A_63 = arith.constant 0 : i32
      %scan3A_64 = arith.constant 0 : i32
      %scan3A_65 = arith.constant 0 : i32
      %scan3A_66 = arith.constant 0 : i32
      %scan3A_67 = arith.constant 8 : i32
      %scan3A_68 = arith.addi %scan3A_66, %scan3A_67 : i32
      %scan3A_69 = arith.constant 1 : i32
      %scan3A_70:5 = scf.for %scan3A_124 = %scan3A_66 to %scan3A_68 step %scan3A_69 iter_args(%scan3A_125 = %select_n3A_62, %scan3A_126 = %scan3A, %scan3A_127 = %scan3A_63, %scan3A_128 = %scan3A_64, %scan3A_129 = %scan3A_65) -> (i32, i32, i32, i32, i32)  : i32 {
        %eq3A_130 = arith.constant 0 : i32
        %eq3A_131 = arith.cmpi eq, %scan3A_124, %eq3A_130 : i32
        %eq3A_132 = arith.constant 7 : i32
        %eq3A_133 = arith.cmpi eq, %scan3A_124, %eq3A_132 : i32
        %add3A_134 = arith.addi %scan3A_129, %mul3A_8 : i32
        %sub3A_135 = arith.constant 1 : i32
        %sub3A_136 = arith.subi %scan3A_129, %sub3A_135 : i32
        %select_n3A_137 = arith.constant true
        %select_n3A_138 = arith.select %select_n3A_137, %sub3A_136, %scan3A_129 : i32
        %eq3A_139 = arith.constant -1 : i32
        %eq3A_140 = arith.cmpi eq, %select_n3A_138, %eq3A_139 : i32
        %select_n3A_141 = arith.constant 7 : i32
        %select_n3A_142 = arith.select %eq3A_140, %select_n3A_141, %select_n3A_138 : i32
        %add3A_143 = arith.addi %select_n3A_142, %mul3A_8 : i32
        %add3A_144 = arith.constant 1 : i32
        %add3A_145 = arith.addi %scan3A_129, %add3A_144 : i32
        %select_n3A_146 = arith.constant true
        %select_n3A_147 = arith.select %select_n3A_146, %add3A_145, %scan3A_129 : i32
        %eq3A_148 = arith.constant 8 : i32
        %eq3A_149 = arith.cmpi eq, %select_n3A_147, %eq3A_148 : i32
        %select_n3A_150 = arith.constant 0 : i32
        %select_n3A_151 = arith.select %eq3A_149, %select_n3A_150, %select_n3A_147 : i32
        %add3A_152 = arith.addi %select_n3A_151, %mul3A_8 : i32
        %add3A_153 = arith.constant 1 : i32
        %add3A_154 = arith.addi %select_n3A_151, %add3A_153 : i32
        %select_n3A_155 = arith.constant true
        %select_n3A_156 = arith.select %select_n3A_155, %add3A_154, %select_n3A_151 : i32
        %eq3A_157 = arith.constant 8 : i32
        %eq3A_158 = arith.cmpi eq, %select_n3A_156, %eq3A_157 : i32
        %select_n3A_159 = arith.constant 0 : i32
        %select_n3A_160 = arith.select %eq3A_158, %select_n3A_159, %select_n3A_156 : i32
        %add3A_161 = arith.addi %select_n3A_160, %mul3A_8 : i32
        %ne3A = arith.cmpi ne, %add3A_134, %add3A_152 : i32
        %or3A = arith.constant false
        %or3A_162 = arith.ori %or3A, %ne3A : i1
        %ge3A = arith.constant 7 : i32
        %ge3A_163 = arith.cmpi sge, %scan3A_124, %ge3A : i32
        %not3A = arith.constant true
        %not3A_164 = arith.xori %ge3A_163, %not3A : i1
        %and3A = arith.andi %or3A_162, %not3A_164 : i1
        %convert_element_type3A_165 = arith.extui %and3A : i1 to i32
        %cond3A_166 = arith.constant 0 : i32
        %cond3A_167 = arith.cmpi ne, %convert_element_type3A_165, %cond3A_166 : i32
        scf.if %cond3A_167 {
          "tpu.trace_start"() <{level = 10 : i32, message = "ep_copy_in"}> : () -> ()
          %rem3A_277 = arith.constant 2 : i32
          %rem3A_278 = arith.remui %scan3A_125, %rem3A_277 : i32
          %mul3A_279 = arith.constant 256 : i32
          %mul3A_280 = arith.muli %mul3A_279, %add3A_152 : i32
          %dma_start3A_281 = arith.constant 0 : i32
          %dma_start3A_282 = arith.constant 0 : i32
          %dma_start3A_283 = tpu.memref_slice %run_scoped3A[%rem3A_278, %dma_start3A_281, %dma_start3A_282] : memref<2x1x256xi32, #tpu.memory_space<vmem>> -> memref<1x1x256xi32, #tpu.memory_space<vmem>>
          %dma_start3A_284 = tpu.memref_squeeze %dma_start3A_283 : memref<1x1x256xi32, #tpu.memory_space<vmem>> -> memref<1x256xi32, #tpu.memory_space<vmem>>
          %dma_start3A_285 = arith.constant 0 : i32
          %dma_start3A_286 = tpu.memref_slice %arg3[%dma_start3A_285, %mul3A_280] : memref<1x65536xi32, #tpu.memory_space<hbm>> -> memref<1x256xi32, #tpu.memory_space<hbm>>
          %dma_start3A_287 = tpu.memref_slice %run_scoped3A_9[%rem3A_278] : memref<2x!tpu.dma_semaphore, #tpu.memory_space<semaphore_mem>> -> memref<1x!tpu.dma_semaphore, #tpu.memory_space<semaphore_mem>>
          %dma_start3A_288 = tpu.memref_squeeze %dma_start3A_287 : memref<1x!tpu.dma_semaphore, #tpu.memory_space<semaphore_mem>> -> memref<!tpu.dma_semaphore, #tpu.memory_space<semaphore_mem>>
          %dma_start3A_289 = arith.constant 0 : i32
          %dma_start3A_290 = arith.constant 0 : i32
          %dma_start3A_291 = tpu.memref_slice %run_scoped3A[%rem3A_278, %dma_start3A_289, %dma_start3A_290] : memref<2x1x256xi32, #tpu.memory_space<vmem>> -> memref<1x1x256xi32, #tpu.memory_space<vmem>>
          %dma_start3A_292 = tpu.memref_squeeze %dma_start3A_291 : memref<1x1x256xi32, #tpu.memory_space<vmem>> -> memref<1x256xi32, #tpu.memory_space<vmem>>
          %dma_start3A_293 = arith.constant 0 : i32
          %dma_start3A_294 = tpu.memref_slice %arg3[%dma_start3A_293, %mul3A_280] : memref<1x65536xi32, #tpu.memory_space<hbm>> -> memref<1x256xi32, #tpu.memory_space<hbm>>
          tpu.enqueue_dma source(%dma_start3A_294 : memref<1x256xi32, #tpu.memory_space<hbm>>) target(%dma_start3A_292 : memref<1x256xi32, #tpu.memory_space<vmem>>) target_semaphore(%dma_start3A_288 : memref<!tpu.dma_semaphore, #tpu.memory_space<semaphore_mem>>)
          "tpu.trace_stop"() : () -> ()
        } else {
        }
        %and3A_168 = arith.constant true
        %and3A_169 = arith.andi %and3A, %and3A_168 : i1
        %add3A_170 = arith.constant 1 : i32
        %add3A_171 = arith.addi %scan3A_125, %add3A_170 : i32
        %select_n3A_172 = arith.select %and3A_169, %add3A_171, %scan3A_125 : i32
        %ne3A_173 = arith.cmpi ne, %add3A_134, %add3A_152 : i32
        %or3A_174 = arith.constant false
        %or3A_175 = arith.ori %or3A_174, %ne3A_173 : i1
        %or3A_176 = arith.constant false
        %or3A_177 = arith.ori %or3A_175, %or3A_176 : i1
        %ge3A_178 = arith.constant 7 : i32
        %ge3A_179 = arith.cmpi sge, %scan3A_124, %ge3A_178 : i32
        %not3A_180 = arith.constant true
        %not3A_181 = arith.xori %ge3A_179, %not3A_180 : i1
        %and3A_182 = arith.andi %or3A_177, %not3A_181 : i1
        %ne3A_183 = arith.cmpi ne, %add3A_134, %add3A_143 : i32
        %or3A_184 = arith.constant false
        %or3A_185 = arith.ori %or3A_184, %ne3A_183 : i1
        %or3A_186 = arith.ori %or3A_185, %eq3A_131 : i1
        %convert_element_type3A_187 = arith.extui %or3A_186 : i1 to i32
        %cond3A_188 = arith.constant 0 : i32
        %cond3A_189 = arith.cmpi ne, %convert_element_type3A_187, %cond3A_188 : i32
        scf.if %cond3A_189 {
          "tpu.trace_start"() <{level = 10 : i32, message = "ep_wait_in"}> : () -> ()
          %mul3A_277 = arith.constant 256 : i32
          %mul3A_278 = arith.muli %mul3A_277, %add3A_134 : i32
          %rem3A_279 = arith.constant 2 : i32
          %rem3A_280 = arith.remui %scan3A_126, %rem3A_279 : i32
          %dma_wait3A_281 = arith.constant 0 : i32
          %dma_wait3A_282 = arith.constant 0 : i32
          %dma_wait3A_283 = tpu.memref_slice %run_scoped3A[%rem3A_280, %dma_wait3A_281, %dma_wait3A_282] : memref<2x1x256xi32, #tpu.memory_space<vmem>> -> memref<1x1x256xi32, #tpu.memory_space<vmem>>
          %dma_wait3A_284 = tpu.memref_squeeze %dma_wait3A_283 : memref<1x1x256xi32, #tpu.memory_space<vmem>> -> memref<1x256xi32, #tpu.memory_space<vmem>>
          %dma_wait3A_285 = arith.constant 0 : i32
          %dma_wait3A_286 = tpu.memref_slice %arg3[%dma_wait3A_285, %mul3A_278] : memref<1x65536xi32, #tpu.memory_space<hbm>> -> memref<1x256xi32, #tpu.memory_space<hbm>>
          %dma_wait3A_287 = tpu.memref_slice %run_scoped3A_9[%rem3A_280] : memref<2x!tpu.dma_semaphore, #tpu.memory_space<semaphore_mem>> -> memref<1x!tpu.dma_semaphore, #tpu.memory_space<semaphore_mem>>
          %dma_wait3A_288 = tpu.memref_squeeze %dma_wait3A_287 : memref<1x!tpu.dma_semaphore, #tpu.memory_space<semaphore_mem>> -> memref<!tpu.dma_semaphore, #tpu.memory_space<semaphore_mem>>
          %dma_wait3A_289 = arith.constant 0 : i32
          %dma_wait3A_290 = arith.constant 0 : i32
          %dma_wait3A_291 = tpu.memref_slice %run_scoped3A[%rem3A_280, %dma_wait3A_289, %dma_wait3A_290] : memref<2x1x256xi32, #tpu.memory_space<vmem>> -> memref<1x1x256xi32, #tpu.memory_space<vmem>>
          %dma_wait3A_292 = tpu.memref_squeeze %dma_wait3A_291 : memref<1x1x256xi32, #tpu.memory_space<vmem>> -> memref<1x256xi32, #tpu.memory_space<vmem>>
          %dma_wait3A_293 = arith.constant 0 : i32
          %dma_wait3A_294 = tpu.memref_slice %arg3[%dma_wait3A_293, %mul3A_278] : memref<1x65536xi32, #tpu.memory_space<hbm>> -> memref<1x256xi32, #tpu.memory_space<hbm>>
          tpu.wait_dma2 semaphore(%dma_wait3A_288 : memref<!tpu.dma_semaphore, #tpu.memory_space<semaphore_mem>>) src(%dma_wait3A_294 : memref<1x256xi32, #tpu.memory_space<hbm>>) dst(%dma_wait3A_292 : memref<1x256xi32, #tpu.memory_space<vmem>>)
          "tpu.trace_stop"() : () -> ()
        } else {
        }
        %ne3A_190 = arith.cmpi ne, %add3A_134, %add3A_143 : i32
        %or3A_191 = arith.constant false
        %or3A_192 = arith.ori %or3A_191, %ne3A_190 : i1
        %or3A_193 = arith.constant false
        %or3A_194 = arith.ori %or3A_192, %or3A_193 : i1
        %or3A_195 = arith.ori %or3A_194, %eq3A_131 : i1
        %convert_element_type3A_196 = arith.extui %or3A_195 : i1 to i32
        %cond3A_197 = arith.constant 0 : i32
        %cond3A_198 = arith.cmpi ne, %convert_element_type3A_196, %cond3A_197 : i32
        scf.if %cond3A_198 {
        } else {
        }
        %rem3A_199 = arith.constant 2 : i32
        %rem3A_200 = arith.remui %scan3A_126, %rem3A_199 : i32
        %rem3A_201 = arith.constant 2 : i32
        %rem3A_202 = arith.remui %scan3A_127, %rem3A_201 : i32
        %run_scoped3A_203 = arith.constant 0 : i32
        "tpu.trace_start"() <{level = 10 : i32, message = "ep_run_kernel"}> : () -> ()
        "tpu.region"() ({
          %run_scoped3A_277 = tpu.sem_alloc : memref<!tpu.dma_semaphore, #tpu.memory_space<semaphore_mem>>
          %dma_start3A_278 = arith.constant 0 : i32
          %dma_start3A_279 = arith.constant 0 : i32
          %dma_start3A_280 = tpu.memref_slice %run_scoped3A[%rem3A_200, %dma_start3A_278, %dma_start3A_279] : memref<2x1x256xi32, #tpu.memory_space<vmem>> -> memref<1x1x256xi32, #tpu.memory_space<vmem>>
          %dma_start3A_281 = tpu.memref_squeeze %dma_start3A_280 : memref<1x1x256xi32, #tpu.memory_space<vmem>> -> memref<1x256xi32, #tpu.memory_space<vmem>>
          %dma_start3A_282 = arith.constant 0 : i32
          %dma_start3A_283 = tpu.memref_slice %dma_start3A_281[%run_scoped3A_203, %dma_start3A_282] : memref<1x256xi32, #tpu.memory_space<vmem>> -> memref<1x256xi32, #tpu.memory_space<vmem>>
          %dma_start3A_284 = tpu.memref_squeeze %dma_start3A_283 : memref<1x256xi32, #tpu.memory_space<vmem>> -> memref<256xi32, #tpu.memory_space<vmem>>
          %dma_start3A_285 = arith.constant 0 : i32
          %dma_start3A_286 = arith.constant 0 : i32
          %dma_start3A_287 = tpu.memref_slice %arg5[%dma_start3A_285, %dma_start3A_286] : memref<1024x128xf32, #tpu.memory_space<vmem_shared>> -> memref<1024x128xf32, #tpu.memory_space<vmem_shared>>
          tpu.enqueue_indirect_dma source(%dma_start3A_287 : memref<1024x128xf32, #tpu.memory_space<vmem_shared>>) target(%arg6 : memref<256x128xf32, #tpu.memory_space<vmem>>) offsets(%dma_start3A_284 : memref<256xi32, #tpu.memory_space<vmem>>) semaphore(%run_scoped3A_277 : memref<!tpu.dma_semaphore, #tpu.memory_space<semaphore_mem>>)
          %dma_wait3A_288 = arith.constant 0 : i32
          %dma_wait3A_289 = arith.constant 0 : i32
          %dma_wait3A_290 = tpu.memref_slice %run_scoped3A[%rem3A_200, %dma_wait3A_288, %dma_wait3A_289] : memref<2x1x256xi32, #tpu.memory_space<vmem>> -> memref<1x1x256xi32, #tpu.memory_space<vmem>>
          %dma_wait3A_291 = tpu.memref_squeeze %dma_wait3A_290 : memref<1x1x256xi32, #tpu.memory_space<vmem>> -> memref<1x256xi32, #tpu.memory_space<vmem>>
          %dma_wait3A_292 = arith.constant 0 : i32
          %dma_wait3A_293 = tpu.memref_slice %dma_wait3A_291[%run_scoped3A_203, %dma_wait3A_292] : memref<1x256xi32, #tpu.memory_space<vmem>> -> memref<1x256xi32, #tpu.memory_space<vmem>>
          %dma_wait3A_294 = tpu.memref_squeeze %dma_wait3A_293 : memref<1x256xi32, #tpu.memory_space<vmem>> -> memref<256xi32, #tpu.memory_space<vmem>>
          %dma_wait3A_295 = arith.constant 0 : i32
          %dma_wait3A_296 = arith.constant 0 : i32
          %dma_wait3A_297 = tpu.memref_slice %arg5[%dma_wait3A_295, %dma_wait3A_296] : memref<1024x128xf32, #tpu.memory_space<vmem_shared>> -> memref<1024x128xf32, #tpu.memory_space<vmem_shared>>
          tpu.wait_indirect_dma semaphore(%run_scoped3A_277 : memref<!tpu.dma_semaphore, #tpu.memory_space<semaphore_mem>>) src(%dma_wait3A_297 : memref<1024x128xf32, #tpu.memory_space<vmem_shared>>) dst(%arg6 : memref<256x128xf32, #tpu.memory_space<vmem>>)
          tpu.yield
        }) : () -> ()
        %get3A = arith.constant 0 : index
        %get3A_204 = arith.constant 0 : index
        %get3A_205 = tpu.vector_load %arg6[%get3A, %get3A_204] {strides = array<i32>} : memref<256x128xf32, #tpu.memory_space<vmem>>, vector<256x64xf32>,
        %get3A_206 = vector.shape_cast %get3A_205 : vector<256x64xf32> to vector<256x64xf32>
        %reshape3A = vector.shape_cast %get3A_206 : vector<256x64xf32> to vector<32x512xf32>
        %swap3A = arith.index_cast %rem3A_202 : i32 to index
        %swap3A_207 = arith.constant 0 : index
        %swap3A_208 = arith.constant 0 : index
        %swap3A_209 = tpu.vector_load %run_scoped3A_10[%swap3A, %swap3A_207, %swap3A_208] {strides = array<i32>} : memref<2x32x512xf32, #tpu.memory_space<vmem>>, vector<1x32x512xf32>,
        %swap3A_210 = vector.shape_cast %swap3A_209 : vector<1x32x512xf32> to vector<32x512xf32>
        %swap3A_211 = vector.shape_cast %reshape3A : vector<32x512xf32> to vector<1x32x512xf32>
        tpu.vector_store %run_scoped3A_10[%swap3A, %swap3A_207, %swap3A_208], %swap3A_211 {strides = array<i32>} : memref<2x32x512xf32, #tpu.memory_space<vmem>>, vector<1x32x512xf32>,
        "tpu.trace_stop"() : () -> ()
        %ne3A_212 = arith.cmpi ne, %add3A_134, %add3A_152 : i32
        %or3A_213 = arith.constant false
        %or3A_214 = arith.ori %or3A_213, %ne3A_212 : i1
        %or3A_215 = arith.ori %or3A_214, %eq3A_133 : i1
        %convert_element_type3A_216 = arith.extui %or3A_215 : i1 to i32
        %cond3A_217 = arith.constant 0 : i32
        %cond3A_218 = arith.cmpi ne, %convert_element_type3A_216, %cond3A_217 : i32
        scf.if %cond3A_218 {
        } else {
        }
        %and3A_219 = arith.constant false
        %and3A_220 = arith.andi %or3A_215, %and3A_219 : i1
        %ne3A_221 = arith.cmpi ne, %add3A_134, %add3A_152 : i32
        %or3A_222 = arith.constant false
        %or3A_223 = arith.ori %or3A_222, %ne3A_221 : i1
        %or3A_224 = arith.constant false
        %or3A_225 = arith.ori %or3A_223, %or3A_224 : i1
        %or3A_226 = arith.ori %or3A_225, %eq3A_133 : i1
        %convert_element_type3A_227 = arith.extui %or3A_226 : i1 to i32
        %cond3A_228 = arith.constant 0 : i32
        %cond3A_229 = arith.cmpi ne, %convert_element_type3A_227, %cond3A_228 : i32
        scf.if %cond3A_229 {
          "tpu.trace_start"() <{level = 10 : i32, message = "ep_copy_out"}> : () -> ()
          %rem3A_277 = arith.constant 2 : i32
          %rem3A_278 = arith.remui %scan3A_127, %rem3A_277 : i32
          %mul3A_279 = arith.constant 32 : i32
          %mul3A_280 = arith.muli %mul3A_279, %add3A_134 : i32
          %dma_start3A_281 = arith.constant 0 : i32
          %dma_start3A_282 = arith.constant 0 : i32
          %dma_start3A_283 = tpu.memref_slice %run_scoped3A_10[%rem3A_278, %dma_start3A_281, %dma_start3A_282] : memref<2x32x512xf32, #tpu.memory_space<vmem>> -> memref<1x32x512xf32, #tpu.memory_space<vmem>>
          %dma_start3A_284 = tpu.memref_squeeze %dma_start3A_283 : memref<1x32x512xf32, #tpu.memory_space<vmem>> -> memref<32x512xf32, #tpu.memory_space<vmem>>
          %dma_start3A_285 = arith.constant 0 : i32
          %dma_start3A_286 = tpu.memref_slice %arg4[%mul3A_280, %dma_start3A_285] : memref<8192x512xf32, #tpu.memory_space<hbm>> -> memref<32x512xf32, #tpu.memory_space<hbm>>
          %dma_start3A_287 = tpu.memref_slice %run_scoped3A_11[%rem3A_278] : memref<2x!tpu.dma_semaphore, #tpu.memory_space<semaphore_mem>> -> memref<1x!tpu.dma_semaphore, #tpu.memory_space<semaphore_mem>>
          %dma_start3A_288 = tpu.memref_squeeze %dma_start3A_287 : memref<1x!tpu.dma_semaphore, #tpu.memory_space<semaphore_mem>> -> memref<!tpu.dma_semaphore, #tpu.memory_space<semaphore_mem>>
          %dma_start3A_289 = arith.constant 0 : i32
          %dma_start3A_290 = tpu.memref_slice %arg4[%mul3A_280, %dma_start3A_289] : memref<8192x512xf32, #tpu.memory_space<hbm>> -> memref<32x512xf32, #tpu.memory_space<hbm>>
          %dma_start3A_291 = arith.constant 0 : i32
          %dma_start3A_292 = arith.constant 0 : i32
          %dma_start3A_293 = tpu.memref_slice %run_scoped3A_10[%rem3A_278, %dma_start3A_291, %dma_start3A_292] : memref<2x32x512xf32, #tpu.memory_space<vmem>> -> memref<1x32x512xf32, #tpu.memory_space<vmem>>
          %dma_start3A_294 = tpu.memref_squeeze %dma_start3A_293 : memref<1x32x512xf32, #tpu.memory_space<vmem>> -> memref<32x512xf32, #tpu.memory_space<vmem>>
          tpu.enqueue_dma source(%dma_start3A_294 : memref<32x512xf32, #tpu.memory_space<vmem>>) target(%dma_start3A_290 : memref<32x512xf32, #tpu.memory_space<hbm>>) target_semaphore(%dma_start3A_288 : memref<!tpu.dma_semaphore, #tpu.memory_space<semaphore_mem>>)
          "tpu.trace_stop"() : () -> ()
        } else {
        }
        %and3A_230 = arith.constant true
        %and3A_231 = arith.andi %or3A_226, %and3A_230 : i1
        %add3A_232 = arith.constant 1 : i32
        %add3A_233 = arith.addi %scan3A_127, %add3A_232 : i32
        %select_n3A_234 = arith.select %and3A_231, %add3A_233, %scan3A_127 : i32
        %ne3A_235 = arith.cmpi ne, %add3A_134, %add3A_143 : i32
        %or3A_236 = arith.constant false
        %or3A_237 = arith.ori %or3A_236, %ne3A_235 : i1
        %not3A_238 = arith.constant true
        %not3A_239 = arith.xori %eq3A_131, %not3A_238 : i1
        %and3A_240 = arith.andi %or3A_237, %not3A_239 : i1
        %convert_element_type3A_241 = arith.extui %and3A_240 : i1 to i32
        %cond3A_242 = arith.constant 0 : i32
        %cond3A_243 = arith.cmpi ne, %convert_element_type3A_241, %cond3A_242 : i32
        scf.if %cond3A_243 {
        } else {
        }
        %and3A_244 = arith.constant false
        %and3A_245 = arith.andi %and3A_240, %and3A_244 : i1
        %ne3A_246 = arith.cmpi ne, %add3A_134, %add3A_143 : i32
        %or3A_247 = arith.constant false
        %or3A_248 = arith.ori %or3A_247, %ne3A_246 : i1
        %or3A_249 = arith.constant false
        %or3A_250 = arith.ori %or3A_248, %or3A_249 : i1
        %not3A_251 = arith.constant true
        %not3A_252 = arith.xori %eq3A_131, %not3A_251 : i1
        %and3A_253 = arith.andi %or3A_250, %not3A_252 : i1
        %convert_element_type3A_254 = arith.extui %and3A_253 : i1 to i32
        %cond3A_255 = arith.constant 0 : i32
        %cond3A_256 = arith.cmpi ne, %convert_element_type3A_254, %cond3A_255 : i32
        scf.if %cond3A_256 {
          "tpu.trace_start"() <{level = 10 : i32, message = "ep_wait_out"}> : () -> ()
          %rem3A_277 = arith.constant 2 : i32
          %rem3A_278 = arith.remui %scan3A_128, %rem3A_277 : i32
          %mul3A_279 = arith.constant 32 : i32
          %mul3A_280 = arith.muli %mul3A_279, %add3A_143 : i32
          %dma_wait3A_281 = arith.constant 0 : i32
          %dma_wait3A_282 = arith.constant 0 : i32
          %dma_wait3A_283 = tpu.memref_slice %run_scoped3A_10[%rem3A_278, %dma_wait3A_281, %dma_wait3A_282] : memref<2x32x512xf32, #tpu.memory_space<vmem>> -> memref<1x32x512xf32, #tpu.memory_space<vmem>>
          %dma_wait3A_284 = tpu.memref_squeeze %dma_wait3A_283 : memref<1x32x512xf32, #tpu.memory_space<vmem>> -> memref<32x512xf32, #tpu.memory_space<vmem>>
          %dma_wait3A_285 = arith.constant 0 : i32
          %dma_wait3A_286 = tpu.memref_slice %arg4[%mul3A_280, %dma_wait3A_285] : memref<8192x512xf32, #tpu.memory_space<hbm>> -> memref<32x512xf32, #tpu.memory_space<hbm>>
          %dma_wait3A_287 = tpu.memref_slice %run_scoped3A_11[%rem3A_278] : memref<2x!tpu.dma_semaphore, #tpu.memory_space<semaphore_mem>> -> memref<1x!tpu.dma_semaphore, #tpu.memory_space<semaphore_mem>>
          %dma_wait3A_288 = tpu.memref_squeeze %dma_wait3A_287 : memref<1x!tpu.dma_semaphore, #tpu.memory_space<semaphore_mem>> -> memref<!tpu.dma_semaphore, #tpu.memory_space<semaphore_mem>>
          %dma_wait3A_289 = arith.constant 0 : i32
          %dma_wait3A_290 = tpu.memref_slice %arg4[%mul3A_280, %dma_wait3A_289] : memref<8192x512xf32, #tpu.memory_space<hbm>> -> memref<32x512xf32, #tpu.memory_space<hbm>>
          %dma_wait3A_291 = arith.constant 0 : i32
          %dma_wait3A_292 = arith.constant 0 : i32
          %dma_wait3A_293 = tpu.memref_slice %run_scoped3A_10[%rem3A_278, %dma_wait3A_291, %dma_wait3A_292] : memref<2x32x512xf32, #tpu.memory_space<vmem>> -> memref<1x32x512xf32, #tpu.memory_space<vmem>>
          %dma_wait3A_294 = tpu.memref_squeeze %dma_wait3A_293 : memref<1x32x512xf32, #tpu.memory_space<vmem>> -> memref<32x512xf32, #tpu.memory_space<vmem>>
          tpu.wait_dma2 semaphore(%dma_wait3A_288 : memref<!tpu.dma_semaphore, #tpu.memory_space<semaphore_mem>>) src(%dma_wait3A_294 : memref<32x512xf32, #tpu.memory_space<vmem>>) dst(%dma_wait3A_290 : memref<32x512xf32, #tpu.memory_space<hbm>>)
          "tpu.trace_stop"() : () -> ()
        } else {
        }
        %and3A_257 = arith.constant true
        %and3A_258 = arith.andi %and3A_253, %and3A_257 : i1
        %add3A_259 = arith.constant 1 : i32
        %add3A_260 = arith.addi %scan3A_128, %add3A_259 : i32
        %select_n3A_261 = arith.select %and3A_258, %add3A_260, %scan3A_128 : i32
        %ne3A_262 = arith.cmpi ne, %add3A_134, %add3A_152 : i32
        %or3A_263 = arith.constant false
        %or3A_264 = arith.ori %or3A_263, %ne3A_262 : i1
        %or3A_265 = arith.ori %or3A_264, %eq3A_133 : i1
        %add3A_266 = arith.constant 1 : i32
        %add3A_267 = arith.addi %scan3A_126, %add3A_266 : i32
        %select_n3A_268 = arith.select %or3A_265, %add3A_267, %scan3A_126 : i32
        %add3A_269 = arith.constant 1 : i32
        %add3A_270 = arith.addi %scan3A_129, %add3A_269 : i32
        %select_n3A_271 = arith.constant true
        %select_n3A_272 = arith.select %select_n3A_271, %add3A_270, %scan3A_129 : i32
        %eq3A_273 = arith.constant 8 : i32
        %eq3A_274 = arith.cmpi eq, %select_n3A_272, %eq3A_273 : i32
        %select_n3A_275 = arith.constant 0 : i32
        %select_n3A_276 = arith.select %eq3A_274, %select_n3A_275, %select_n3A_272 : i32
        scf.yield %select_n3A_172, %select_n3A_268, %select_n3A_234, %select_n3A_261, %select_n3A_276 : i32, i32, i32, i32, i32
      }
      %scan3A_71 = arith.constant 8 : i32
      %sub3A = arith.constant 1 : i32
      %sub3A_72 = arith.subi %scan3A_70#4, %sub3A : i32
      %select_n3A_73 = arith.constant true
      %select_n3A_74 = arith.select %select_n3A_73, %sub3A_72, %scan3A_70#4 : i32
      %eq3A_75 = arith.constant -1 : i32
      %eq3A_76 = arith.cmpi eq, %select_n3A_74, %eq3A_75 : i32
      %select_n3A_77 = arith.constant 7 : i32
      %select_n3A_78 = arith.select %eq3A_76, %select_n3A_77, %select_n3A_74 : i32
      %add3A_79 = arith.addi %select_n3A_78, %mul3A_8 : i32
      %sub3A_80 = arith.constant 1 : i32
      %sub3A_81 = arith.subi %select_n3A_78, %sub3A_80 : i32
      %select_n3A_82 = arith.constant true
      %select_n3A_83 = arith.select %select_n3A_82, %sub3A_81, %select_n3A_78 : i32
      %eq3A_84 = arith.constant -1 : i32
      %eq3A_85 = arith.cmpi eq, %select_n3A_83, %eq3A_84 : i32
      %select_n3A_86 = arith.constant 7 : i32
      %select_n3A_87 = arith.select %eq3A_85, %select_n3A_86, %select_n3A_83 : i32
      %add3A_88 = arith.addi %select_n3A_87, %mul3A_8 : i32
      %add3A_89 = arith.constant 1 : i32
      %add3A_90 = arith.addi %select_n3A_78, %add3A_89 : i32
      %select_n3A_91 = arith.constant true
      %select_n3A_92 = arith.select %select_n3A_91, %add3A_90, %select_n3A_78 : i32
      %eq3A_93 = arith.constant 8 : i32
      %eq3A_94 = arith.cmpi eq, %select_n3A_92, %eq3A_93 : i32
      %select_n3A_95 = arith.constant 0 : i32
      %select_n3A_96 = arith.select %eq3A_94, %select_n3A_95, %select_n3A_92 : i32
      %add3A_97 = arith.addi %select_n3A_96, %mul3A_8 : i32
      %add3A_98 = arith.constant 1 : i32
      %add3A_99 = arith.addi %select_n3A_96, %add3A_98 : i32
      %select_n3A_100 = arith.constant true
      %select_n3A_101 = arith.select %select_n3A_100, %add3A_99, %select_n3A_96 : i32
      %eq3A_102 = arith.constant 8 : i32
      %eq3A_103 = arith.cmpi eq, %select_n3A_101, %eq3A_102 : i32
      %select_n3A_104 = arith.constant 0 : i32
      %select_n3A_105 = arith.select %eq3A_103, %select_n3A_104, %select_n3A_101 : i32
      %add3A_106 = arith.addi %select_n3A_105, %mul3A_8 : i32
      "tpu.trace_start"() <{level = 10 : i32, message = "ep_finalize"}> : () -> ()
      %rem3A_107 = arith.constant 2 : i32
      %rem3A_108 = arith.remui %scan3A_70#3, %rem3A_107 : i32
      %mul3A_109 = arith.constant 32 : i32
      %mul3A_110 = arith.muli %mul3A_109, %add3A_79 : i32
      %dma_wait3A = arith.constant 0 : i32
      %dma_wait3A_111 = arith.constant 0 : i32
      %dma_wait3A_112 = tpu.memref_slice %run_scoped3A_10[%rem3A_108, %dma_wait3A, %dma_wait3A_111] : memref<2x32x512xf32, #tpu.memory_space<vmem>> -> memref<1x32x512xf32, #tpu.memory_space<vmem>>
      %dma_wait3A_113 = tpu.memref_squeeze %dma_wait3A_112 : memref<1x32x512xf32, #tpu.memory_space<vmem>> -> memref<32x512xf32, #tpu.memory_space<vmem>>
      %dma_wait3A_114 = arith.constant 0 : i32
      %dma_wait3A_115 = tpu.memref_slice %arg4[%mul3A_110, %dma_wait3A_114] : memref<8192x512xf32, #tpu.memory_space<hbm>> -> memref<32x512xf32, #tpu.memory_space<hbm>>
      %dma_wait3A_116 = tpu.memref_slice %run_scoped3A_11[%rem3A_108] : memref<2x!tpu.dma_semaphore, #tpu.memory_space<semaphore_mem>> -> memref<1x!tpu.dma_semaphore, #tpu.memory_space<semaphore_mem>>
      %dma_wait3A_117 = tpu.memref_squeeze %dma_wait3A_116 : memref<1x!tpu.dma_semaphore, #tpu.memory_space<semaphore_mem>> -> memref<!tpu.dma_semaphore, #tpu.memory_space<semaphore_mem>>
      %dma_wait3A_118 = arith.constant 0 : i32
      %dma_wait3A_119 = tpu.memref_slice %arg4[%mul3A_110, %dma_wait3A_118] : memref<8192x512xf32, #tpu.memory_space<hbm>> -> memref<32x512xf32, #tpu.memory_space<hbm>>
      %dma_wait3A_120 = arith.constant 0 : i32
      %dma_wait3A_121 = arith.constant 0 : i32
      %dma_wait3A_122 = tpu.memref_slice %run_scoped3A_10[%rem3A_108, %dma_wait3A_120, %dma_wait3A_121] : memref<2x32x512xf32, #tpu.memory_space<vmem>> -> memref<1x32x512xf32, #tpu.memory_space<vmem>>
      %dma_wait3A_123 = tpu.memref_squeeze %dma_wait3A_122 : memref<1x32x512xf32, #tpu.memory_space<vmem>> -> memref<32x512xf32, #tpu.memory_space<vmem>>
      tpu.wait_dma2 semaphore(%dma_wait3A_117 : memref<!tpu.dma_semaphore, #tpu.memory_space<semaphore_mem>>) src(%dma_wait3A_123 : memref<32x512xf32, #tpu.memory_space<vmem>>) dst(%dma_wait3A_119 : memref<32x512xf32, #tpu.memory_space<hbm>>)
      "tpu.trace_stop"() : () -> ()
      tpu.yield
    }) : () -> ()
    return
  }
}

module attributes {stable_mosaic.version = 14 : i64} {
  func.func @_argmin_body(%arg0: i32, %arg1: i32, %arg2: memref<2048x128xf32, #tpu.memory_space<vmem>>, %arg3: memref<1024x64xf32, #tpu.memory_space<vmem>>, %arg4: memref<2048x8xi32, #tpu.memory_space<vmem>>, %arg5: memref<2048x144xbf16, #tpu.memory_space<vmem>>) attributes {dimension_semantics = [#tpu.dimension_semantics<arbitrary>, #tpu.dimension_semantics<arbitrary>], iteration_bounds = array<i64: 4, 4>, scalar_prefetch = 0 : i64, scratch_operands = 1 : i64, tpu.core_type = #tpu.core_type<tc>, window_params = [{transform_indices = @transform_0, window_bounds = array<i64: 2048, 128>}, {pipeline_mode = #tpu.pipeline_mode<synchronous>, transform_indices = @transform_1, window_bounds = array<i64: 1024, 64>}, {transform_indices = @transform_2, window_bounds = array<i64: 2048, 8>}]} {
    %get3A = arith.constant 0 : index
    %get3A_0 = arith.constant 0 : index
    %get3A_1 = vector.load %arg2[%get3A, %get3A_0] : memref<2048x128xf32, #tpu.memory_space<vmem>>, vector<2048x128xf32>
    %get3A_2 = arith.constant 0 : index
    %get3A_3 = arith.constant 0 : index
    %get3A_4 = vector.load %arg3[%get3A_2, %get3A_3] : memref<1024x64xf32, #tpu.memory_space<vmem>>, vector<1024x64xf32>
    %eq3A = arith.constant 0 : i32
    %eq3A_5 = arith.cmpi eq, %arg0, %eq3A : i32
    %eq3A_6 = arith.constant 0 : i32
    %eq3A_7 = arith.cmpi eq, %arg1, %eq3A_6 : i32
    %and3A = arith.andi %eq3A_5, %eq3A_7 : i1
    %convert_element_type3A = arith.extui %and3A : i1 to i32
    %cond3A = arith.constant 0 : i32
    %cond3A_8 = arith.cmpi ne, %convert_element_type3A, %cond3A : i32
    scf.if %cond3A_8 {
      %mul3A_39 = arith.constant -2.000000e+00 : f32
      %mul3A_40 = vector.broadcast %mul3A_39 : f32 to vector<1024x64xf32>
      %mul3A_41 = arith.mulf %get3A_4, %mul3A_40 : vector<1024x64xf32>
      %convert_element_type3A_42 = arith.truncf %mul3A_41 : vector<1024x64xf32> to vector<1024x64xbf16>
      %broadcast_in_dim3A_43 = arith.constant 0.000000e+00 : bf16
      %broadcast_in_dim3A_44 = vector.broadcast %broadcast_in_dim3A_43 : bf16 to vector<1024x64xbf16>
      %mul3A_45 = arith.mulf %get3A_4, %get3A_4 : vector<1024x64xf32>
      %reduce_sum3A = arith.constant dense<0.000000e+00> : vector<1024xf32>
      %reduce_sum3A_46 = vector.multi_reduction <add>, %mul3A_45, %reduce_sum3A [1] : vector<1024x64xf32> to vector<1024xf32>
      %convert_element_type3A_47 = arith.truncf %reduce_sum3A_46 : vector<1024xf32> to vector<1024xbf16>
      %convert_element_type3A_48 = arith.extf %convert_element_type3A_47 : vector<1024xbf16> to vector<1024xf32>
      %sub3A = arith.subf %reduce_sum3A_46, %convert_element_type3A_48 : vector<1024xf32>
      %convert_element_type3A_49 = arith.truncf %sub3A : vector<1024xf32> to vector<1024xbf16>
      %convert_element_type3A_50 = arith.extf %convert_element_type3A_49 : vector<1024xbf16> to vector<1024xf32>
      %sub3A_51 = arith.subf %sub3A, %convert_element_type3A_50 : vector<1024xf32>
      %convert_element_type3A_52 = arith.truncf %sub3A_51 : vector<1024xf32> to vector<1024xbf16>
      %broadcast_in_dim3A_53 = arith.constant 0.000000e+00 : bf16
      %broadcast_in_dim3A_54 = vector.broadcast %broadcast_in_dim3A_53 : bf16 to vector<1024x13xbf16>
      %broadcast_in_dim3A_55 = vector.shape_cast %convert_element_type3A_47 : vector<1024xbf16> to vector<1024x1xbf16>
      %broadcast_in_dim3A_56 = vector.shape_cast %convert_element_type3A_49 : vector<1024xbf16> to vector<1024x1xbf16>
      %broadcast_in_dim3A_57 = vector.shape_cast %convert_element_type3A_52 : vector<1024xbf16> to vector<1024x1xbf16>
      %concatenate3A_58 = tpu.concatenate %convert_element_type3A_42, %broadcast_in_dim3A_44, %broadcast_in_dim3A_55, %broadcast_in_dim3A_56, %broadcast_in_dim3A_57, %broadcast_in_dim3A_54 in 1 : vector<1024x64xbf16>, vector<1024x64xbf16>, vector<1024x1xbf16>, vector<1024x1xbf16>, vector<1024x1xbf16>, vector<1024x13xbf16> -> vector<1024x144xbf16>
      %broadcast_in_dim3A_59 = vector.shape_cast %convert_element_type3A_47 : vector<1024xbf16> to vector<1024x1xbf16>
      %broadcast_in_dim3A_60 = vector.shape_cast %convert_element_type3A_49 : vector<1024xbf16> to vector<1024x1xbf16>
      %broadcast_in_dim3A_61 = vector.shape_cast %convert_element_type3A_52 : vector<1024xbf16> to vector<1024x1xbf16>
      %concatenate3A_62 = tpu.concatenate %broadcast_in_dim3A_44, %convert_element_type3A_42, %broadcast_in_dim3A_59, %broadcast_in_dim3A_60, %broadcast_in_dim3A_61, %broadcast_in_dim3A_54 in 1 : vector<1024x64xbf16>, vector<1024x64xbf16>, vector<1024x1xbf16>, vector<1024x1xbf16>, vector<1024x1xbf16>, vector<1024x13xbf16> -> vector<1024x144xbf16>
      %concatenate3A_63 = tpu.concatenate %concatenate3A_58, %concatenate3A_62 in 0 : vector<1024x144xbf16>, vector<1024x144xbf16> -> vector<2048x144xbf16>
      %swap3A_64 = arith.constant 0 : index
      %swap3A_65 = arith.constant 0 : index
      %swap3A_66 = vector.load %arg5[%swap3A_64, %swap3A_65] : memref<2048x144xbf16, #tpu.memory_space<vmem>>, vector<2048x144xbf16>
      tpu.vector_store %arg5[%swap3A_64, %swap3A_65], %concatenate3A_63 {strides = array<i32>} : memref<2048x144xbf16, #tpu.memory_space<vmem>>, vector<2048x144xbf16>,
    } else {
    }
    %convert_element_type3A_9 = arith.truncf %get3A_1 : vector<2048x128xf32> to vector<2048x128xbf16>
    %broadcast_in_dim3A = arith.constant 1.000000e+00 : bf16
    %broadcast_in_dim3A_10 = vector.broadcast %broadcast_in_dim3A : bf16 to vector<2048x3xbf16>
    %broadcast_in_dim3A_11 = arith.constant 0.000000e+00 : bf16
    %broadcast_in_dim3A_12 = vector.broadcast %broadcast_in_dim3A_11 : bf16 to vector<2048x13xbf16>
    %concatenate3A = tpu.concatenate %convert_element_type3A_9, %broadcast_in_dim3A_10, %broadcast_in_dim3A_12 in 1 : vector<2048x128xbf16>, vector<2048x3xbf16>, vector<2048x13xbf16> -> vector<2048x144xbf16>
    %get3A_13 = arith.constant 0 : index
    %get3A_14 = arith.constant 0 : index
    %get3A_15 = vector.load %arg5[%get3A_13, %get3A_14] : memref<2048x144xbf16, #tpu.memory_space<vmem>>, vector<2048x144xbf16>
    %dot_general3A = arith.constant dense<0.000000e+00> : vector<2048x2048xf32>
    %dot_general3A_16 = tpu.matmul %get3A_15, %concatenate3A, %dot_general3A {dimension_numbers = #tpu.dot_dimension_numbers<[1], [1], [0], [0], [0, 0, 1, 0], [], []>, transpose_lhs_hint = false} : vector<2048x144xbf16>, vector<2048x144xbf16>, vector<2048x2048xf32> -> vector<2048x2048xf32>
    %slice3A = vector.extract_strided_slice %dot_general3A_16 {offsets = [0, 0], sizes = [1024, 2048], strides = [1, 1]} : vector<2048x2048xf32> to vector<1024x2048xf32>
    %argmin3A = tpu.reduce_index %slice3A {axis = 0 : i32, kind = #tpu.reduction_kind<arg_min>} : vector<1024x2048xf32> -> vector<2048xi32>
    %slice3A_17 = vector.extract_strided_slice %dot_general3A_16 {offsets = [1024, 0], sizes = [1024, 2048], strides = [1, 1]} : vector<2048x2048xf32> to vector<1024x2048xf32>
    %argmin3A_18 = tpu.reduce_index %slice3A_17 {axis = 0 : i32, kind = #tpu.reduction_kind<arg_min>} : vector<1024x2048xf32> -> vector<2048xi32>
    %iota3A = tpu.iota {dimensions = array<i32: 1>} : vector<2048x8xi32>
    %mul3A = arith.constant 2 : i32
    %mul3A_19 = arith.muli %mul3A, %arg1 : i32
    %eq3A_20 = vector.broadcast %mul3A_19 : i32 to vector<2048x8xi32>
    %eq3A_21 = arith.cmpi eq, %iota3A, %eq3A_20 : vector<2048x8xi32>
    %broadcast_in_dim3A_22 = vector.shape_cast %argmin3A : vector<2048xi32> to vector<2048x1xi32>
    %mul3A_23 = arith.constant 2 : i32
    %mul3A_24 = arith.muli %mul3A_23, %arg1 : i32
    %add3A = arith.constant 1 : i32
    %add3A_25 = arith.addi %mul3A_24, %add3A : i32
    %eq3A_26 = vector.broadcast %add3A_25 : i32 to vector<2048x8xi32>
    %eq3A_27 = arith.cmpi eq, %iota3A, %eq3A_26 : vector<2048x8xi32>
    %broadcast_in_dim3A_28 = vector.shape_cast %argmin3A_18 : vector<2048xi32> to vector<2048x1xi32>
    %get3A_29 = arith.constant 0 : index
    %get3A_30 = arith.constant 0 : index
    %get3A_31 = vector.load %arg4[%get3A_29, %get3A_30] : memref<2048x8xi32, #tpu.memory_space<vmem>>, vector<2048x8xi32>
    %broadcast_in_dim3A_32 = vector.shape_cast %broadcast_in_dim3A_28 : vector<2048x1xi32> to vector<2048x1xi32>
    %broadcast_in_dim3A_33 = vector.broadcast %broadcast_in_dim3A_32 : vector<2048x1xi32> to vector<2048x8xi32>
    %select_n3A = arith.select %eq3A_27, %broadcast_in_dim3A_33, %get3A_31 : vector<2048x8xi1>, vector<2048x8xi32>
    %broadcast_in_dim3A_34 = vector.shape_cast %broadcast_in_dim3A_22 : vector<2048x1xi32> to vector<2048x1xi32>
    %broadcast_in_dim3A_35 = vector.broadcast %broadcast_in_dim3A_34 : vector<2048x1xi32> to vector<2048x8xi32>
    %select_n3A_36 = arith.select %eq3A_21, %broadcast_in_dim3A_35, %select_n3A : vector<2048x8xi1>, vector<2048x8xi32>
    %swap3A = arith.constant 0 : index
    %swap3A_37 = arith.constant 0 : index
    %swap3A_38 = vector.load %arg4[%swap3A, %swap3A_37] : memref<2048x8xi32, #tpu.memory_space<vmem>>, vector<2048x8xi32>
    tpu.vector_store %arg4[%swap3A, %swap3A_37], %select_n3A_36 {strides = array<i32>} : memref<2048x8xi32, #tpu.memory_space<vmem>>, vector<2048x8xi32>,
    return
  }
  func.func @transform_0(%arg0: i32, %arg1: i32) -> (i32, i32) {
    %c0_i32 = arith.constant 0 : i32
    return %arg0, %arg1 : i32, i32
  }
  func.func @transform_1(%arg0: i32, %arg1: i32) -> (i32, i32) {
    %c0_i32 = arith.constant 0 : i32
    %c0_i32_0 = arith.constant 0 : i32
    %c0_i32_1 = arith.constant 0 : i32
    return %c0_i32, %c0_i32_0 : i32, i32
  }
  func.func @transform_2(%arg0: i32, %arg1: i32) -> (i32, i32) {
    %c0_i32 = arith.constant 0 : i32
    %c0_i32_0 = arith.constant 0 : i32
    return %arg0, %c0_i32 : i32, i32
  }
}

</mosaic_0001>

<sc_bundles>
// kernel: kernel.4.cloned.1.call-start
scs
__scs_entry_jumppad:
0x0: {  	(pc) =	sbr.rel $0x88, $3  }
0x1: {  	(tag) =	ssettag $0x0;
	lr =	simm.s32 $0x1  }
0x2: {  	[smem:$0x3F9F] =	sst lr;
	_ =	strace $0xD0000000  }
0x3: {  	_ = 	snop  }
0x4: {  	_ = 	snop  }
0x5: {  	_ = 	snop  }
0x6: {  	_ = 	snop  }
0x7: {  	_ = 	snop  }
__scs_overlays_trampoline_lowered:
0x8: {  	[smem:$0x3FAE] =	sst s0  }
0x9: {  	[smem:$0x3FAF] =	sst s1  }
0xa: {  	[smem:$0x3FB0] =	sst s2  }
0xb: {  	[smem:$0x3FB1] =	sst s3  }
0xc: {  	[smem:$0x3FB2] =	sst s4  }
0xd: {  	[smem:$0x3FB3] =	sst s5  }
0xe: {  	[smem:$0x3FB4] =	sst s6  }
0xf: {  	[smem:$0x3FB5] =	sst s7  }
0x10: {  	[smem:$0x3FB6] =	sst s8  }
0x11: {  	[smem:$0x3FB7] =	sst s9;
	s0 =	simm.s32 @!p0 $0x0  }
0x12: {  	s1 =	sld [smem:$0x3F9D];
	s0 =	simm.s32 @p0 $0x1  }
0x13: {  	[smem:$0x3FB8] =	sst s0;
	s0 =	simm.s32 @!p1 $0x0  }
0x14: {  	s2 =	sld [smem:$0x3F9C];
	s0 =	simm.s32 @p1 $0x1  }
0x15: {  	[smem:$0x3FB9] =	sst s0;
	s0 =	simm.s32 @!p2 $0x0  }
0x16: {  	s3 =	sld [smem:$0x3FDB];
	s0 =	simm.s32 @p2 $0x1  }
0x17: {  	s4 =	simm.s32 $0x1BF5;
	[smem:$0x3FBB] =	sst s0  }
0x18: {  	s0 =	sld [smem:$0x3F9E];
	_ =	swait.ge [sflag:s4], $0x0  }
0x19: {  	s7 =	sld [smem:$0x3F9F]  }
0x1a: {  	s8 =	sadd.s32 $0xFFFFE003, lr  }
0x1b: {  	s9 =	sadd.s32 $0xFFFFFEF7, lr;
	s5 =	simm.s32 $0xFFFFFFFF;
	p2 =	slt.u32 s8, $0xFFFFF086  }
0x1c: {  	p1 =	slt.u32 s9, $0xF7A;
	s5 =	simm.s32 @!p2 $0x0  }
0x1d: {  	s5 =	simm.s32 @p1 $0x1;
	p0 =	seq.s32 s7, s2  }
0x1e: {  	s7 =	smul.u32 @!p0 $0xF7A, s2;
	p2 =	seq.s32 @!p0 s5, $0x0  }
0x1f: {  	s9 =	smul.u32 $0xF7A, s1;
	s8 =	simm.s32 @!p0 $0x1BF5;
	p2 =	por !p2, p0  }
0x20: {  	[sflag:s8] =	ssyncset.s32 @!p0 $0xFFFFF086;
	s6 =	sadd.s32 @!p0 s3, s7;
	s7 =	simm.s32 @!p0 $0x108  }
0x21: {  	s3 =	sadd.s32 s3, s9;
	s6 =	sadd.s32 @!p0 $0x88, s6;
	s7 =	simm.s32 @p2 $0x1082  }
0x22: {  	[simem:s7], [sflag:s8] =	dma.local @!p0 [hbm:s6], $0xF7A  }
0x23: {  	s9 =	sor.u32 $0xD0000000, s2;
	s6 =	simm.s32 $0x108;
	_ =	swait.ge @!p0 [sflag:s8], $0x0  }
0x24: {  	s3 =	sadd.s32 $0x88, s3;
	s6 =	simm.s32 @!p1 $0x1082;
	[sflag:s4] =	ssyncset.s32 $0xFFFFF086  }
0x25: {  	[simem:s6], [sflag:s4] =	dma.local [hbm:s3], $0xF7A  }
0x26: {  	[smem:$0x3F9F] =	sst s1;
	(tag) =	ssettag s2;
	_ =	strace s9  }
0x27: {  	s1 =	sld [smem:$0x3FAF]  }
0x28: {  	s2 =	sld [smem:$0x3FB0]  }
0x29: {  	s4 =	sld [smem:$0x3FB2]  }
0x2a: {  	p0 =	seq.s32 s5, $0x0;
	s5 =	sld [smem:$0x3FB3]  }
0x2b: {  	s6 =	sld [smem:$0x3FB4]  }
0x2c: {  	s7 =	sld [smem:$0x3FB5]  }
0x2d: {  	s3 =	simm.s32 $0x108;
	s8 =	sld [smem:$0x3FB6]  }
0x2e: {  	s3 =	simm.s32 @!p0 $0x1082;
	s9 =	sld [smem:$0x3FB7]  }
0x2f: {  	lr =	sadd.s32 s0, s3;
	s0 =	sld [smem:$0x3FAE]  }
0x30: {  	s3 =	sld [smem:$0x3FB1]  }
0x31: {  	[smem:$0x3FBA] =	sst s10  }
0x32: {  	s10 =	sld [smem:$0x3FB8];
	_ =	sdelay $0x3  }
0x33: {  	p0 =	seq.s32 s10, $0x1;
	s10 =	sld [smem:$0x3FBA];
	_ =	sdelay $0x3  }
0x34: {  	[smem:$0x3FBA] =	sst s10  }
0x35: {  	s10 =	sld [smem:$0x3FB9];
	_ =	sdelay $0x3  }
0x36: {  	p1 =	seq.s32 s10, $0x1;
	s10 =	sld [smem:$0x3FBA];
	_ =	sdelay $0x3  }
0x37: {  	[smem:$0x3FBA] =	sst s10  }
0x38: {  	s10 =	sld [smem:$0x3FBB]  }
0x39: {  	_ = 	snop;
	(pc) =	sbr.ind lr, $3  }
0x3a: {  	_ = 	snop  }
0x3b: {  	_ = 	snop  }
0x3c: {  	p2 =	seq.s32 s10, $0x1;
	s10 =	sld [smem:$0x3FBA]  }
0x3d: {  	_ =	shalt  }
0x3e: {  	_ =	shalt  }
0x3f: {  	_ =	shalt  }
0x40: {  	_ =	shalt  }
0x41: {  	_ =	shalt  }
0x42: {  	_ =	shalt  }
0x43: {  	_ =	shalt  }
0x44: {  	_ =	shalt  }
0x45: {  	_ =	shalt  }
0x46: {  	_ =	shalt  }
0x47: {  	_ =	shalt  }
0x48: {  	_ =	shalt  }
0x49: {  	_ =	shalt  }
0x4a: {  	_ =	shalt  }
0x4b: {  	_ =	shalt  }
0x4c: {  	_ =	shalt  }
0x4d: {  	_ =	shalt  }
0x4e: {  	_ =	shalt  }
0x4f: {  	_ =	shalt  }
0x50: {  	_ =	shalt  }
0x51: {  	_ =	shalt  }
0x52: {  	_ =	shalt  }
0x53: {  	_ =	shalt  }
0x54: {  	_ =	shalt  }
0x55: {  	_ =	shalt  }
0x56: {  	_ =	shalt  }
0x57: {  	_ =	shalt  }
0x58: {  	_ =	shalt  }
0x59: {  	_ =	shalt  }
0x5a: {  	_ =	shalt  }
0x5b: {  	_ =	shalt  }
0x5c: {  	_ =	shalt  }
0x5d: {  	_ =	shalt  }
0x5e: {  	_ =	shalt  }
0x5f: {  	_ =	shalt  }
0x60: {  	_ =	shalt  }
0x61: {  	_ =	shalt  }
0x62: {  	_ =	shalt  }
0x63: {  	_ =	shalt  }
0x64: {  	_ =	shalt  }
0x65: {  	_ =	shalt  }
0x66: {  	_ =	shalt  }
0x67: {  	_ =	shalt  }
0x68: {  	_ =	shalt  }
0x69: {  	_ =	shalt  }
0x6a: {  	_ =	shalt  }
0x6b: {  	_ =	shalt  }
0x6c: {  	_ =	shalt  }
0x6d: {  	_ =	shalt  }
0x6e: {  	_ =	shalt  }
0x6f: {  	_ =	shalt  }
0x70: {  	_ =	shalt  }
0x71: {  	_ =	shalt  }
0x72: {  	_ =	shalt  }
0x73: {  	_ =	shalt  }
0x74: {  	_ =	shalt  }
0x75: {  	_ =	shalt  }
0x76: {  	_ =	shalt  }
0x77: {  	_ =	shalt  }
0x78: {  	_ =	shalt  }
0x79: {  	_ =	shalt  }
0x7a: {  	_ =	shalt  }
0x7b: {  	_ =	shalt  }
0x7c: {  	_ =	shalt  }
0x7d: {  	_ =	shalt  }
0x7e: {  	_ =	shalt  }
0x7f: {  	_ =	shalt  }
0x80: {  	_ =	shalt  }
0x81: {  	_ =	shalt  }
0x82: {  	_ =	shalt  }
0x83: {  	_ =	shalt  }
0x84: {  	_ =	shalt  }
0x85: {  	_ =	shalt  }
0x86: {  	_ =	shalt  }
0x87: {  	_ =	shalt  }
.Lfunc_end0:
.L_simem_size_0:
called_computation_lowered:
.L_overlay_start_0:
0x88: {  	s2 =	sld [smem:$0x3FD9]  }
0x89: {  	s3 =	sld [smem:$0x3FFE];
	_ =	sdelay $0x1  }
0x8a: {  	s1 =	srdreg.scid  }
0x8b: {  	s0 =	sand.u32 $0x1, s1  }
0x8c: {  	s14 =	sshll.u32 s0, $0xA;
	s2 =	sadd.s32 s3, s2  }
0x8d: {  	s2 =	sadd.s32 s2, s14  }
0x8e: {  	[smem:$0x3FC6] =	sst s2  }
0x8f: {  	_ = 	snop  }
0x90: {  	s2 =	sld [smem:$0x3FD0];
	_ =	sdelay $0x2  }
0x91: {  	s15 =	simm.s32 $0xA;
	s4 =	simm.s32 $0x10  }
0x92: {  	[smem:s4], [sflag:s15] =	dma.local [hbm:s2], $0x1  }
0x93: {  	_ =	swait.eq [sflag:s15], $0x1  }
0x94: {  	[sflag:s15] =	ssyncset.done $0x0  }
0x95: {  	[sflag:s15] =	ssyncadd.s32 $0xFFFFFFFF  }
0x96: {  	s16 =	sld [smem:$0x10];
	(tm) =	ssettm $0x1  }
0x97: {  	s17 =	sld [smem:$0x3FFB];
	_ =	sdelay $0x3  }
0x98: {  	_ =	strace s17  }
0x99: {  	s3 =	sld [smem:$0x3FFC];
	_ =	sdelay $0x3  }
0x9a: {  	_ =	strace s3  }
0x9b: {  	s3 =	sld [smem:$0x3FFD];
	_ =	sdelay $0x3  }
0x9c: {  	_ =	strace s3  }
0x9d: {  	_ =	strace $0x8FFFFFFF  }
0x9e: {  	s18 =	sld [smem:$0x3FDB];
	_ =	sdelay $0x1  }
0x9f: {  	s19 =	simm.s32 $_scs_section_size  }
0xa0: {  	s5 =	simm.s32 $_size__tile_overlayer_lowered;
	s6 =	simm.s32 $_tile_overlayer_lowered  }
0xa1: {  	s22 =	simm.s32 $0x1BFF;
	s21 =	sshll.u32 s6, $0x1;
	s3 =	sadd.s32 s19, s18  }
0xa2: {  	s7 =	simm.s32 $0x0;
	s20 =	sshll.u32 s5, $0x1;
	s5 =	sadd.s32 s21, s3  }
0xa3: {  	[timem:s7], [sflag:s22] =	dma.local [hbm:s5], s20  }
0xa4: {  	_ =	swait.ge [sflag:s22], s20  }
0xa5: {  	s4 =	ssub.s32 $0x0, s20;
	[sflag:s22] =	ssyncset.done $0x0  }
0xa6: {  	[sflag:s22] =	ssyncadd.s32 s4;
	_ =	sdelay $0x1  }
0xa7: {  	s23 =	simm.s32 $0x1B8B  }
0xa8: {  	_ =	swait.ge [sflag:s23], $0x1  }
0xa9: {  	[sflag:s23] =	ssyncset.done $0x0  }
0xaa: {  	s25 =	simm.s32 $0x1B8E;
	s24 =	sld [smem:$0x3FFE];
	[sflag:s23] =	ssyncadd.s32 $0xFFFFFFFF  }
0xab: {  	s26 =	simm.s32 $execute0_lowered;
	[smem:$0x3FD2] =	sst s25  }
0xac: {  	s5 =	sshll.u32 s26, $0x1;
	_ =	strace $0x80000046;
	[dreg:$0x1] =	wrdreg $0xFFFFFFFF  }
0xad: {  	s28 =	simm.s32 $_size_execute0_lowered;
	s3 =	sadd.s32 s3, s5;
	[dreg:$0x0] =	wrdreg $0x0  }
0xae: {  	s5 =	sshll.u32 s28, $0x1;
	[dreg:$0x2] =	wrdreg s3  }
0xaf: {  	[dreg:$0x3] =	wrdreg s5  }
0xb0: {  	[dreg:$0x4] =	wrdreg $0xC0  }
0xb1: {  	_ =	task [dreg:s7], $0x5FFFF  }
0xb2: {  	[dreg:$0x1] =	wrdreg $0xFFFFFFFF  }
0xb3: {  	[dreg:$0x0] =	wrdreg $0x60  }
0xb4: {  	[dreg:$0x2] =	wrdreg s24  }
0xb5: {  	[dreg:$0x3] =	wrdreg s16  }
0xb6: {  	[dreg:$0x4] =	wrdreg $0x0  }
0xb7: {  	[dreg:$0x5] =	wrdreg $0x9  }
0xb8: {  	_ =	task.clear_ibuf [dreg:s7], $0x6FFFF;
	_ =	strace $0x90000046  }
0xb9: {  	s29 =	simm.s32 $0x9;
	_ =	strace $0x8000004F  }
0xba: {  	_ =	swait.ge [sflag:s29], $0x1  }
0xbb: {  	[sflag:s29] =	ssyncadd.s32 $0xFFFFFFFF  }
0xbc: {  	_ =	strace $0x9000004F  }
0xbd: {  	_ =	sfence  }
0xbe: {  	s30 =	sld [smem:$0x0];
	_ =	sdelay $0x2  }
0xbf: {  	s31 =	sshll.u32 s1, $0xD;
	s1 =	sshrl.u32 s1, $0x2  }
0xc0: {  	s3 =	sand.u32 $0x4000, s31;
	s1 =	sadd.s32 s1, s30  }
0xc1: {  	s0 =	sor.u32 s3, s0;
	s1 =	sshll.u32 s1, $0x11  }
0xc2: {  	s0 =	sor.u32 s1, s0  }
0xc3: {  	s0 =	sadd.s32 $0x8F2B, s0  }
0xc4: {  	[sflag:s0] =	ssyncadd.remote.s32 $0x1  }
0xc5: {  	_ =	sfence.sel $0xFFFF  }
0xc6: {  	[dreg:$0x0] =	wrdreg $0xFFFFFFFF;
	(pc) =	sbr.abs _section_cstart, $3  }
0xc7: {  	[dreg:$0x1] =	wrdreg $0xFFFFFFFF  }
0xc8: {  	_ =	task.clear_ibuf [dreg:s7], $0x2FFFF;
	_ =	strace $0x9FFFFFFF  }
0xc9: {  	(tm) =	ssettm $0x7FFFFFFF  }
tec
execute0_lowered:
.L_overlay_start_1:
0x0: {  	(tag) =	ssettag $0x1  }
0x1: {  	s4 =	rddreg [dreg:$0x0]  }
0x2: {  	s0 =	rddreg [dreg:$0x1]  }
0x3: {  	s1 =	rddreg [dreg:$0x2];
	s2 =	simm.s32 $0x0;
	s5 =	srdreg.scid  }
0x4: {  	s8 =	stileid.u32;
	s31 =	simm.s32 $0x100;
	[dreg:$0x6] =	wrdreg s0  }
0x5: {  	s10 =	simm.s32 $0x2000;
	s11 =	simm.s32 $0x4;
	s0 =	rddreg [dreg:$0x3]  }
0x6: {  	s12 =	simm.s32 $0x0;
	[smem:$0x7FF] =	sst s2;
	s3 =	sadd.s32 $0x600, s4  }
0x7: {  	s5 =	sand.u32 $0x1, s5;
	s4 =	sadd.s32 $0x4600, s4;
	p0 =	sne.s32 s8, $0x0  }
0x8: {  	_ =	strace $0x80000047;
	s6 =	ssub.s32 $0x2, s5;
	[dreg:$0x5] =	wrdreg s31  }
0x9: {  	s5 =	sshll.u32 s5, $0x4;
	[dreg:$0x4] =	wrdreg s10;
	s10 =	simm.s32 $0x5  }
0xa: {  	s7 =	sshrl.u32 s6, $0x1;
	s9 =	sor.u32 s8, s5;
	s8 =	sshrl.u32 @!p0 s1, $0x3  }
0xb: {  	s7 =	ssub.s32 s6, s7;
	s5 =	sshll.u32 s9, $0x3;
	s30 =	sshll.u32 s9, $0x8  }
0xc: {  	s9 =	simm.s32 $0xA000;
	s6 =	sadd.s32 s4, s30;
	s7 =	smax.u32 s7, $0x1  }
.LBB2_1:
0xd: {  	s13 =	simm.s32 @!p0 $0x1C01  }
0xe: {  	[spmem:s8], [sflag:s13] =	dma.local @!p0 [hbm:s3], $0x4000  }
0xf: {  	s13 =	simm.s32 @!p0 $0x1  }
0x10: {  	_ =	swait.ge @!p0 [sflag:s13], $0x4000  }
0x11: {  	[sflag:s13] =	ssyncset.done @!p0 $0x0  }
0x12: {  	[sflag:s13] =	ssyncadd.s32 @!p0 $0xFFFFC000  }
0x13: {  	s14 =	simm.s32 $0x0;
	s15 =	simm.s32 $0x0;
	[bflag:$0x0] =	sbarrier.arrive $0xFFFF  }
0x14: {  	s16 =	simm.s32 $0x0;
	s17 =	simm.s32 $0x0;
	_ =	strace $0x80000048  }
0x15: {  	[tilespmem:s9], [sflag:$0x1] =	stream.linear.gather [hbm4b:s6+s2], $0x100, $0x200038;
	[tilespmem:$0x12200] =	vst v63  }
0x16: {  	s18 =	simm.s32 $0x1;
	s13 =	simm.s32 $0x8;
	_ =	strace $0x90000048  }
.LBB2_2:
0x17: {  	s19 =	smov.u32 s14;
	s14 =	sadd.s32 $0x1, s14  }
0x18: {  	p1 =	seq.s32 s14, $0x8  }
0x19: {  	s14 =	simm.s32 @p1 $0x0  }
0x1a: {  	p6 =	sne.s32 s13, $0x1;
	p2 =	sne.s32 s19, s14  }
0x1b: {  	p1 =	por !p6, !p2  }
0x1c: {  	p1 =	por !p1, !p1  }
0x1d: {  	s21 =	sadd.s32 @p1 s5, s14  }
0x1e: {  	s20 =	sand.u32 @p1 $0x1, s18;
	_ =	strace @p1 $0x80000049;
	s21 =	sshll.u32 @p1 s21, $0x5  }
0x1f: {  	s23 =	simm.s32 @p1 $0x0;
	s22 =	sshll.u32 @p1 s20, $0x8;
	s21 =	sand.u32 @p1 $0x1FFFFFE0, s21  }
0x20: {  	s20 =	sadd.s32 @p1 $0x1, s20;
	s22 =	sor.u32 @p1 $0xA000, s22;
	s21 =	sadd.s32 @p1 s4, s21  }
0x21: {  	[tilespmem:s22], [sflag:s20] =	stream.linear.gather @p1 [hbm4b:s21+s23], $0x100, $0x200038;
	[tilespmem:$0x12200] =	vst v63  }
0x22: {  	s26 =	sand.u32 $0x1, s17;
	_ =	strace @p1 $0x90000049  }
0x23: {  	s20 =	sadd.s32 $0x1, s26;
	_ =	strace $0x8000004A  }
0x24: {  	_ =	swait.ge [sflag:s20], $0x100  }
0x25: {  	[sflag:s20] =	ssyncset.done $0x0  }
0x26: {  	[sflag:s20] =	ssyncadd.s32 $0xFFFFFF00  }
0x27: {  	_ =	strace $0x9000004A  }
0x28: {  	s29 =	sshll.u32 s17, $0x8;
	_ =	strace $0x8000004B  }
0x29: {  	s21 =	sand.u32 $0x100, s29;
	s28 =	rddreg [dreg:$0x4]  }
0x2a: {  	s21 =	sor.u32 $0xA000, s21;
	s30 =	rddreg [dreg:$0x5]  }
0x2b: {  	[tilespmem:s28], [sflag:$0x5] =	stream.indirect.gather [spmem:s1], $0x80, s21, s30, $0x2000b8;
	[tilespmem:$0x12200] =	vst v63  }
0x2c: {  	_ =	swait.ge [sflag:s10], $0x8000  }
0x2d: {  	[sflag:s10] =	ssyncset.done $0x0  }
0x2e: {  	[sflag:s10] =	ssyncadd.s32 $0xFFFF8000  }
0x2f: {  	v0 =	vld [tilespmem:$0x2000]  }
0x30: {  	v19 =	vld [tilespmem:$0x2010]  }
0x31: {  	v20 =	vld [tilespmem:$0x2020]  }
0x32: {  	v21 =	vld [tilespmem:$0x2030]  }
0x33: {  	v22 =	vld [tilespmem:$0x2080]  }
0x34: {  	v23 =	vld [tilespmem:$0x2090];
	[tilespmem:$0x1C3F0] =	vst v0  }
0x35: {  	v24 =	vld [tilespmem:$0x20A0];
	[tilespmem:$0x1C400] =	vst v19  }
0x36: {  	v25 =	vld [tilespmem:$0x20B0];
	[tilespmem:$0x1C410] =	vst v20  }
0x37: {  	v26 =	vld [tilespmem:$0x2100];
	[tilespmem:$0x1C420] =	vst v21  }
0x38: {  	v27 =	vld [tilespmem:$0x2110];
	[tilespmem:$0x1C430] =	vst v22  }
0x39: {  	v28 =	vld [tilespmem:$0x2120];
	[tilespmem:$0x1C440] =	vst v23  }
0x3a: {  	v29 =	vld [tilespmem:$0x2130];
	[tilespmem:$0x1C450] =	vst v24  }
0x3b: {  	v30 =	vld [tilespmem:$0x2180];
	[tilespmem:$0x1C460] =	vst v25  }
0x3c: {  	v31 =	vld [tilespmem:$0x2190];
	[tilespmem:$0x1C470] =	vst v26  }
0x3d: {  	v32 =	vld [tilespmem:$0x21A0];
	[tilespmem:$0x1C480] =	vst v27  }
0x3e: {  	v33 =	vld [tilespmem:$0x21B0];
	[tilespmem:$0x1C490] =	vst v28  }
0x3f: {  	v34 =	vld [tilespmem:$0x2200];
	[tilespmem:$0x1C4A0] =	vst v29  }
0x40: {  	v35 =	vld [tilespmem:$0x2210];
	[tilespmem:$0x1C4B0] =	vst v30  }
0x41: {  	v36 =	vld [tilespmem:$0x2220];
	[tilespmem:$0x1C4C0] =	vst v31  }
0x42: {  	v37 =	vld [tilespmem:$0x2230];
	[tilespmem:$0x1C4D0] =	vst v32  }
0x43: {  	v38 =	vld [tilespmem:$0x2280];
	[tilespmem:$0x1C4E0] =	vst v33  }
0x44: {  	v39 =	vld [tilespmem:$0x2290];
	[tilespmem:$0x1C4F0] =	vst v34  }
0x45: {  	v40 =	vld [tilespmem:$0x22A0];
	[tilespmem:$0x1C500] =	vst v35  }
0x46: {  	v41 =	vld [tilespmem:$0x22B0];
	[tilespmem:$0x1C510] =	vst v36  }
0x47: {  	v42 =	vld [tilespmem:$0x2300];
	[tilespmem:$0x1C520] =	vst v37  }
0x48: {  	v43 =	vld [tilespmem:$0x2310];
	[tilespmem:$0x1C530] =	vst v38  }
0x49: {  	v44 =	vld [tilespmem:$0x2320];
	[tilespmem:$0x1C540] =	vst v39  }
0x4a: {  	v45 =	vld [tilespmem:$0x2330];
	[tilespmem:$0x1C550] =	vst v40  }
0x4b: {  	v46 =	vld [tilespmem:$0x2380];
	[tilespmem:$0x1C560] =	vst v41  }
0x4c: {  	v47 =	vld [tilespmem:$0x2390];
	[tilespmem:$0x1C570] =	vst v42  }
0x4d: {  	v48 =	vld [tilespmem:$0x23A0];
	[tilespmem:$0x1C580] =	vst v43  }
0x4e: {  	v49 =	vld [tilespmem:$0x23B0];
	[tilespmem:$0x1C590] =	vst v44  }
0x4f: {  	v50 =	vld [tilespmem:$0x2400];
	[tilespmem:$0x1C5A0] =	vst v45  }
0x50: {  	v51 =	vld [tilespmem:$0x2410];
	[tilespmem:$0x1C5B0] =	vst v46  }
0x51: {  	v52 =	vld [tilespmem:$0x2420];
	[tilespmem:$0x1C5C0] =	vst v47  }
0x52: {  	v53 =	vld [tilespmem:$0x2430];
	[tilespmem:$0x1C5D0] =	vst v48  }
0x53: {  	v54 =	vld [tilespmem:$0x2480];
	[tilespmem:$0x1C5E0] =	vst v49  }
0x54: {  	v55 =	vld [tilespmem:$0x2490];
	[tilespmem:$0x1C5F0] =	vst v50  }
0x55: {  	v56 =	vld [tilespmem:$0x24A0];
	[tilespmem:$0x1C600] =	vst v51  }
0x56: {  	v57 =	vld [tilespmem:$0x24B0];
	[tilespmem:$0x1C610] =	vst v52  }
0x57: {  	v58 =	vld [tilespmem:$0x2500];
	[tilespmem:$0x1C620] =	vst v53  }
0x58: {  	v59 =	vld [tilespmem:$0x2510];
	[tilespmem:$0x1C630] =	vst v54  }
0x59: {  	v60 =	vld [tilespmem:$0x2520];
	[tilespmem:$0x1C640] =	vst v55  }
0x5a: {  	v61 =	vld [tilespmem:$0x2530];
	[tilespmem:$0x1C650] =	vst v56  }
0x5b: {  	v62 =	vld [tilespmem:$0x2580];
	[tilespmem:$0x1C660] =	vst v57  }
0x5c: {  	v63 =	vld [tilespmem:$0x2590];
	[tilespmem:$0x1C670] =	vst v58  }
0x5d: {  	v4 =	vld [tilespmem:$0x25A0];
	[tilespmem:$0x1C680] =	vst v59  }
0x5e: {  	v5 =	vld [tilespmem:$0x25B0];
	[tilespmem:$0x1C690] =	vst v60  }
0x5f: {  	v6 =	vld [tilespmem:$0x2600];
	[tilespmem:$0x1C6A0] =	vst v61  }
0x60: {  	v7 =	vld [tilespmem:$0x2610];
	[tilespmem:$0x1C6B0] =	vst v62  }
0x61: {  	v8 =	vld [tilespmem:$0x2620];
	[tilespmem:$0x1C6C0] =	vst v63  }
0x62: {  	v9 =	vld [tilespmem:$0x2630];
	[tilespmem:$0x1C6D0] =	vst v4  }
0x63: {  	v10 =	vld [tilespmem:$0x2680];
	[tilespmem:$0x1C6E0] =	vst v5  }
0x64: {  	v11 =	vld [tilespmem:$0x2690];
	[tilespmem:$0x1C6F0] =	vst v6  }
0x65: {  	v12 =	vld [tilespmem:$0x26A0];
	[tilespmem:$0x1C700] =	vst v7  }
0x66: {  	v13 =	vld [tilespmem:$0x26B0];
	[tilespmem:$0x1C710] =	vst v8  }
0x67: {  	v14 =	vld [tilespmem:$0x2700];
	[tilespmem:$0x1C720] =	vst v9  }
0x68: {  	v15 =	vld [tilespmem:$0x2710];
	[tilespmem:$0x1C730] =	vst v10  }
0x69: {  	v16 =	vld [tilespmem:$0x2720];
	[tilespmem:$0x1C740] =	vst v11  }
0x6a: {  	v17 =	vld [tilespmem:$0x2730];
	[tilespmem:$0x1C750] =	vst v12  }
0x6b: {  	v18 =	vld [tilespmem:$0x2780];
	[tilespmem:$0x1C760] =	vst v13  }
0x6c: {  	[tilespmem:$0x1C770] =	vst v14;
	v19 =	vld [tilespmem:$0x2790]  }
0x6d: {  	[tilespmem:$0x1C780] =	vst v15;
	v20 =	vld [tilespmem:$0x27A0]  }
0x6e: {  	[tilespmem:$0x1C790] =	vst v16;
	v21 =	vld [tilespmem:$0x27B0]  }
0x6f: {  	[tilespmem:$0x1C7A0] =	vst v17;
	v22 =	vld [tilespmem:$0x2800]  }
0x70: {  	[tilespmem:$0x1C7B0] =	vst v18;
	v23 =	vld [tilespmem:$0x2810]  }
0x71: {  	v24 =	vld [tilespmem:$0x2820];
	[tilespmem:$0x1C7C0] =	vst v19  }
0x72: {  	v25 =	vld [tilespmem:$0x2830];
	[tilespmem:$0x1C7D0] =	vst v20  }
0x73: {  	v26 =	vld [tilespmem:$0x2880];
	[tilespmem:$0x1C7E0] =	vst v21  }
0x74: {  	v27 =	vld [tilespmem:$0x2890];
	[tilespmem:$0x1C7F0] =	vst v22  }
0x75: {  	v28 =	vld [tilespmem:$0x28A0];
	[tilespmem:$0x1C800] =	vst v23  }
0x76: {  	v29 =	vld [tilespmem:$0x28B0];
	[tilespmem:$0x1C810] =	vst v24  }
0x77: {  	v30 =	vld [tilespmem:$0x2900];
	[tilespmem:$0x1C820] =	vst v25  }
0x78: {  	v31 =	vld [tilespmem:$0x2910];
	[tilespmem:$0x1C830] =	vst v26  }
0x79: {  	v32 =	vld [tilespmem:$0x2920];
	[tilespmem:$0x1C840] =	vst v27  }
0x7a: {  	v33 =	vld [tilespmem:$0x2930];
	[tilespmem:$0x1C850] =	vst v28  }
0x7b: {  	v34 =	vld [tilespmem:$0x2980];
	[tilespmem:$0x1C860] =	vst v29  }
0x7c: {  	v35 =	vld [tilespmem:$0x2990];
	[tilespmem:$0x1C870] =	vst v30  }
0x7d: {  	v36 =	vld [tilespmem:$0x29A0];
	[tilespmem:$0x1C880] =	vst v31  }
0x7e: {  	v37 =	vld [tilespmem:$0x29B0];
	[tilespmem:$0x1C890] =	vst v32  }
0x7f: {  	v38 =	vld [tilespmem:$0x2A00];
	[tilespmem:$0x1C8A0] =	vst v33  }
0x80: {  	v39 =	vld [tilespmem:$0x2A10];
	[tilespmem:$0x1C8B0] =	vst v34  }
0x81: {  	v40 =	vld [tilespmem:$0x2A20];
	[tilespmem:$0x1C8C0] =	vst v35  }
0x82: {  	v41 =	vld [tilespmem:$0x2A30];
	[tilespmem:$0x1C8D0] =	vst v36  }
0x83: {  	v42 =	vld [tilespmem:$0x2A80];
	[tilespmem:$0x1C8E0] =	vst v37  }
0x84: {  	v43 =	vld [tilespmem:$0x2A90];
	[tilespmem:$0x1C8F0] =	vst v38  }
0x85: {  	v44 =	vld [tilespmem:$0x2AA0];
	[tilespmem:$0x1C900] =	vst v39  }
0x86: {  	v45 =	vld [tilespmem:$0x2AB0];
	[tilespmem:$0x1C910] =	vst v40  }
0x87: {  	v46 =	vld [tilespmem:$0x2B00];
	[tilespmem:$0x1C920] =	vst v41  }
0x88: {  	v47 =	vld [tilespmem:$0x2B10];
	[tilespmem:$0x1C930] =	vst v42  }
0x89: {  	v48 =	vld [tilespmem:$0x2B20];
	[tilespmem:$0x1C940] =	vst v43  }
0x8a: {  	v49 =	vld [tilespmem:$0x2B30];
	[tilespmem:$0x1C950] =	vst v44  }
0x8b: {  	v50 =	vld [tilespmem:$0x2B80];
	[tilespmem:$0x1C960] =	vst v45  }
0x8c: {  	v51 =	vld [tilespmem:$0x2B90];
	[tilespmem:$0x1C970] =	vst v46  }
0x8d: {  	v52 =	vld [tilespmem:$0x2BA0];
	[tilespmem:$0x1C980] =	vst v47  }
0x8e: {  	v53 =	vld [tilespmem:$0x2BB0];
	[tilespmem:$0x1C990] =	vst v48  }
0x8f: {  	v54 =	vld [tilespmem:$0x2C00];
	[tilespmem:$0x1C9A0] =	vst v49  }
0x90: {  	v55 =	vld [tilespmem:$0x2C10];
	[tilespmem:$0x1C9B0] =	vst v50  }
0x91: {  	v56 =	vld [tilespmem:$0x2C20];
	[tilespmem:$0x1C9C0] =	vst v51  }
0x92: {  	v57 =	vld [tilespmem:$0x2C30];
	[tilespmem:$0x1C9D0] =	vst v52  }
0x93: {  	v58 =	vld [tilespmem:$0x2C80];
	[tilespmem:$0x1C9E0] =	vst v53  }
0x94: {  	v59 =	vld [tilespmem:$0x2C90];
	[tilespmem:$0x1C9F0] =	vst v54  }
0x95: {  	v60 =	vld [tilespmem:$0x2CA0];
	[tilespmem:$0x1CA00] =	vst v55  }
0x96: {  	v61 =	vld [tilespmem:$0x2CB0];
	[tilespmem:$0x1CA10] =	vst v56  }
0x97: {  	v62 =	vld [tilespmem:$0x2D00];
	[tilespmem:$0x1CA20] =	vst v57  }
0x98: {  	v63 =	vld [tilespmem:$0x2D10];
	[tilespmem:$0x1CA30] =	vst v58  }
0x99: {  	v4 =	vld [tilespmem:$0x2D20];
	[tilespmem:$0x1CA40] =	vst v59  }
0x9a: {  	v5 =	vld [tilespmem:$0x2D30];
	[tilespmem:$0x1CA50] =	vst v60  }
0x9b: {  	v6 =	vld [tilespmem:$0x2D80];
	[tilespmem:$0x1CA60] =	vst v61  }
0x9c: {  	v7 =	vld [tilespmem:$0x2D90];
	[tilespmem:$0x1CA70] =	vst v62  }
0x9d: {  	v8 =	vld [tilespmem:$0x2DA0];
	[tilespmem:$0x1CA80] =	vst v63  }
0x9e: {  	v9 =	vld [tilespmem:$0x2DB0];
	[tilespmem:$0x1CA90] =	vst v4  }
0x9f: {  	v10 =	vld [tilespmem:$0x2E00];
	[tilespmem:$0x1CAA0] =	vst v5  }
0xa0: {  	v11 =	vld [tilespmem:$0x2E10];
	[tilespmem:$0x1CAB0] =	vst v6  }
0xa1: {  	v12 =	vld [tilespmem:$0x2E20];
	[tilespmem:$0x1CAC0] =	vst v7  }
0xa2: {  	v13 =	vld [tilespmem:$0x2E30];
	[tilespmem:$0x1CAD0] =	vst v8  }
0xa3: {  	v14 =	vld [tilespmem:$0x2E80];
	[tilespmem:$0x1CAE0] =	vst v9  }
0xa4: {  	v15 =	vld [tilespmem:$0x2E90];
	[tilespmem:$0x1CAF0] =	vst v10  }
0xa5: {  	v16 =	vld [tilespmem:$0x2EA0];
	[tilespmem:$0x1CB00] =	vst v11  }
0xa6: {  	v17 =	vld [tilespmem:$0x2EB0];
	[tilespmem:$0x1CB10] =	vst v12  }
0xa7: {  	v18 =	vld [tilespmem:$0x2F00];
	[tilespmem:$0x1CB20] =	vst v13  }
0xa8: {  	[tilespmem:$0x1CB30] =	vst v14;
	v19 =	vld [tilespmem:$0x2F10]  }
0xa9: {  	[tilespmem:$0x1CB40] =	vst v15;
	v20 =	vld [tilespmem:$0x2F20]  }
0xaa: {  	[tilespmem:$0x1CB50] =	vst v16;
	v21 =	vld [tilespmem:$0x2F30]  }
0xab: {  	[tilespmem:$0x1CB60] =	vst v17;
	v22 =	vld [tilespmem:$0x2F80]  }
0xac: {  	[tilespmem:$0x1CB70] =	vst v18;
	v23 =	vld [tilespmem:$0x2F90]  }
0xad: {  	v24 =	vld [tilespmem:$0x2FA0];
	[tilespmem:$0x1CB80] =	vst v19  }
0xae: {  	v25 =	vld [tilespmem:$0x2FB0];
	[tilespmem:$0x1CB90] =	vst v20  }
0xaf: {  	v26 =	vld [tilespmem:$0x3000];
	[tilespmem:$0x1CBA0] =	vst v21  }
0xb0: {  	v27 =	vld [tilespmem:$0x3010];
	[tilespmem:$0x1CBB0] =	vst v22  }
0xb1: {  	v28 =	vld [tilespmem:$0x3020];
	[tilespmem:$0x1CBC0] =	vst v23  }
0xb2: {  	v29 =	vld [tilespmem:$0x3030];
	[tilespmem:$0x1CBD0] =	vst v24  }
0xb3: {  	v30 =	vld [tilespmem:$0x3080];
	[tilespmem:$0x1CBE0] =	vst v25  }
0xb4: {  	v31 =	vld [tilespmem:$0x3090];
	[tilespmem:$0x1CBF0] =	vst v26  }
0xb5: {  	v32 =	vld [tilespmem:$0x30A0];
	[tilespmem:$0x1CC00] =	vst v27  }
0xb6: {  	v33 =	vld [tilespmem:$0x30B0];
	[tilespmem:$0x1CC10] =	vst v28  }
0xb7: {  	v34 =	vld [tilespmem:$0x3100];
	[tilespmem:$0x1CC20] =	vst v29  }
0xb8: {  	v35 =	vld [tilespmem:$0x3110];
	[tilespmem:$0x1CC30] =	vst v30  }
0xb9: {  	v36 =	vld [tilespmem:$0x3120];
	[tilespmem:$0x1CC40] =	vst v31  }
0xba: {  	v37 =	vld [tilespmem:$0x3130];
	[tilespmem:$0x1CC50] =	vst v32  }
0xbb: {  	v38 =	vld [tilespmem:$0x3180];
	[tilespmem:$0x1CC60] =	vst v33  }
0xbc: {  	v39 =	vld [tilespmem:$0x3190];
	[tilespmem:$0x1CC70] =	vst v34  }
0xbd: {  	v40 =	vld [tilespmem:$0x31A0];
	[tilespmem:$0x1CC80] =	vst v35  }
0xbe: {  	v41 =	vld [tilespmem:$0x31B0];
	[tilespmem:$0x1CC90] =	vst v36  }
0xbf: {  	v42 =	vld [tilespmem:$0x3200];
	[tilespmem:$0x1CCA0] =	vst v37  }
0xc0: {  	v43 =	vld [tilespmem:$0x3210];
	[tilespmem:$0x1CCB0] =	vst v38  }
0xc1: {  	v44 =	vld [tilespmem:$0x3220];
	[tilespmem:$0x1CCC0] =	vst v39  }
0xc2: {  	v45 =	vld [tilespmem:$0x3230];
	[tilespmem:$0x1CCD0] =	vst v40  }
0xc3: {  	v46 =	vld [tilespmem:$0x3280];
	[tilespmem:$0x1CCE0] =	vst v41  }
0xc4: {  	v47 =	vld [tilespmem:$0x3290];
	[tilespmem:$0x1CCF0] =	vst v42  }
0xc5: {  	v48 =	vld [tilespmem:$0x32A0];
	[tilespmem:$0x1CD00] =	vst v43  }
0xc6: {  	v49 =	vld [tilespmem:$0x32B0];
	[tilespmem:$0x1CD10] =	vst v44  }
0xc7: {  	v50 =	vld [tilespmem:$0x3300];
	[tilespmem:$0x1CD20] =	vst v45  }
0xc8: {  	v51 =	vld [tilespmem:$0x3310];
	[tilespmem:$0x1CD30] =	vst v46  }
0xc9: {  	v52 =	vld [tilespmem:$0x3320];
	[tilespmem:$0x1CD40] =	vst v47  }
0xca: {  	v53 =	vld [tilespmem:$0x3330];
	[tilespmem:$0x1CD50] =	vst v48  }
0xcb: {  	v54 =	vld [tilespmem:$0x3380];
	[tilespmem:$0x1CD60] =	vst v49  }
0xcc: {  	v55 =	vld [tilespmem:$0x3390];
	[tilespmem:$0x1CD70] =	vst v50  }
0xcd: {  	v56 =	vld [tilespmem:$0x33A0];
	[tilespmem:$0x1CD80] =	vst v51  }
0xce: {  	v57 =	vld [tilespmem:$0x33B0];
	[tilespmem:$0x1CD90] =	vst v52  }
0xcf: {  	v58 =	vld [tilespmem:$0x3400];
	[tilespmem:$0x1CDA0] =	vst v53  }
0xd0: {  	v59 =	vld [tilespmem:$0x3410];
	[tilespmem:$0x1CDB0] =	vst v54  }
0xd1: {  	v60 =	vld [tilespmem:$0x3420];
	[tilespmem:$0x1CDC0] =	vst v55  }
0xd2: {  	v61 =	vld [tilespmem:$0x3430];
	[tilespmem:$0x1CDD0] =	vst v56  }
0xd3: {  	v62 =	vld [tilespmem:$0x3480];
	[tilespmem:$0x1CDE0] =	vst v57  }
0xd4: {  	v63 =	vld [tilespmem:$0x3490];
	[tilespmem:$0x1CDF0] =	vst v58  }
0xd5: {  	v4 =	vld [tilespmem:$0x34A0];
	[tilespmem:$0x1CE00] =	vst v59  }
0xd6: {  	v5 =	vld [tilespmem:$0x34B0];
	[tilespmem:$0x1CE10] =	vst v60  }
0xd7: {  	v6 =	vld [tilespmem:$0x3500];
	[tilespmem:$0x1CE20] =	vst v61  }
0xd8: {  	v7 =	vld [tilespmem:$0x3510];
	[tilespmem:$0x1CE30] =	vst v62  }
0xd9: {  	v8 =	vld [tilespmem:$0x3520];
	[tilespmem:$0x1CE40] =	vst v63  }
0xda: {  	v9 =	vld [tilespmem:$0x3530];
	[tilespmem:$0x1CE50] =	vst v4  }
0xdb: {  	v10 =	vld [tilespmem:$0x3580];
	[tilespmem:$0x1CE60] =	vst v5  }
0xdc: {  	v11 =	vld [tilespmem:$0x3590];
	[tilespmem:$0x1CE70] =	vst v6  }
0xdd: {  	v12 =	vld [tilespmem:$0x35A0];
	[tilespmem:$0x1CE80] =	vst v7  }
0xde: {  	v13 =	vld [tilespmem:$0x35B0];
	[tilespmem:$0x1CE90] =	vst v8  }
0xdf: {  	v14 =	vld [tilespmem:$0x3600];
	[tilespmem:$0x1CEA0] =	vst v9  }
0xe0: {  	v15 =	vld [tilespmem:$0x3610];
	[tilespmem:$0x1CEB0] =	vst v10  }
0xe1: {  	v16 =	vld [tilespmem:$0x3620];
	[tilespmem:$0x1CEC0] =	vst v11  }
0xe2: {  	v17 =	vld [tilespmem:$0x3630];
	[tilespmem:$0x1CED0] =	vst v12  }
0xe3: {  	v18 =	vld [tilespmem:$0x3680];
	[tilespmem:$0x1CEE0] =	vst v13  }
0xe4: {  	[tilespmem:$0x1CEF0] =	vst v14;
	v19 =	vld [tilespmem:$0x3690]  }
0xe5: {  	[tilespmem:$0x1CF00] =	vst v15;
	v20 =	vld [tilespmem:$0x36A0]  }
0xe6: {  	[tilespmem:$0x1CF10] =	vst v16;
	v21 =	vld [tilespmem:$0x36B0]  }
0xe7: {  	[tilespmem:$0x1CF20] =	vst v17;
	v22 =	vld [tilespmem:$0x3700]  }
0xe8: {  	[tilespmem:$0x1CF30] =	vst v18;
	v23 =	vld [tilespmem:$0x3710]  }
0xe9: {  	v24 =	vld [tilespmem:$0x3720];
	[tilespmem:$0x1CF40] =	vst v19  }
0xea: {  	v25 =	vld [tilespmem:$0x3730];
	[tilespmem:$0x1CF50] =	vst v20  }
0xeb: {  	v26 =	vld [tilespmem:$0x3780];
	[tilespmem:$0x1CF60] =	vst v21  }
0xec: {  	v27 =	vld [tilespmem:$0x3790];
	[tilespmem:$0x1CF70] =	vst v22  }
0xed: {  	v28 =	vld [tilespmem:$0x37A0];
	[tilespmem:$0x1CF80] =	vst v23  }
0xee: {  	v29 =	vld [tilespmem:$0x37B0];
	[tilespmem:$0x1CF90] =	vst v24  }
0xef: {  	v30 =	vld [tilespmem:$0x3800];
	[tilespmem:$0x1CFA0] =	vst v25  }
0xf0: {  	v31 =	vld [tilespmem:$0x3810];
	[tilespmem:$0x1CFB0] =	vst v26  }
0xf1: {  	v32 =	vld [tilespmem:$0x3820];
	[tilespmem:$0x1CFC0] =	vst v27  }
0xf2: {  	v33 =	vld [tilespmem:$0x3830];
	[tilespmem:$0x1CFD0] =	vst v28  }
0xf3: {  	v34 =	vld [tilespmem:$0x3880];
	[tilespmem:$0x1CFE0] =	vst v29  }
0xf4: {  	v35 =	vld [tilespmem:$0x3890];
	[tilespmem:$0x1CFF0] =	vst v30  }
0xf5: {  	v36 =	vld [tilespmem:$0x38A0];
	[tilespmem:$0x1D000] =	vst v31  }
0xf6: {  	v37 =	vld [tilespmem:$0x38B0];
	[tilespmem:$0x1D010] =	vst v32  }
0xf7: {  	v38 =	vld [tilespmem:$0x3900];
	[tilespmem:$0x1D020] =	vst v33  }
0xf8: {  	v39 =	vld [tilespmem:$0x3910];
	[tilespmem:$0x1D030] =	vst v34  }
0xf9: {  	v40 =	vld [tilespmem:$0x3920];
	[tilespmem:$0x1D040] =	vst v35  }
0xfa: {  	v41 =	vld [tilespmem:$0x3930];
	[tilespmem:$0x1D050] =	vst v36  }
0xfb: {  	v42 =	vld [tilespmem:$0x3980];
	[tilespmem:$0x1D060] =	vst v37  }
0xfc: {  	v43 =	vld [tilespmem:$0x3990];
	[tilespmem:$0x1D070] =	vst v38  }
0xfd: {  	v44 =	vld [tilespmem:$0x39A0];
	[tilespmem:$0x1D080] =	vst v39  }
0xfe: {  	v45 =	vld [tilespmem:$0x39B0];
	[tilespmem:$0x1D090] =	vst v40  }
0xff: {  	v46 =	vld [tilespmem:$0x3A00];
	[tilespmem:$0x1D0A0] =	vst v41  }
0x100: {  	v47 =	vld [tilespmem:$0x3A10];
	[tilespmem:$0x1D0B0] =	vst v42  }
0x101: {  	v48 =	vld [tilespmem:$0x3A20];
	[tilespmem:$0x1D0C0] =	vst v43  }
0x102: {  	v49 =	vld [tilespmem:$0x3A30];
	[tilespmem:$0x1D0D0] =	vst v44  }
0x103: {  	v50 =	vld [tilespmem:$0x3A80];
	[tilespmem:$0x1D0E0] =	vst v45  }
0x104: {  	v51 =	vld [tilespmem:$0x3A90];
	[tilespmem:$0x1D0F0] =	vst v46  }
0x105: {  	v52 =	vld [tilespmem:$0x3AA0];
	[tilespmem:$0x1D100] =	vst v47  }
0x106: {  	v53 =	vld [tilespmem:$0x3AB0];
	[tilespmem:$0x1D110] =	vst v48  }
0x107: {  	v54 =	vld [tilespmem:$0x3B00];
	[tilespmem:$0x1D120] =	vst v49  }
0x108: {  	v55 =	vld [tilespmem:$0x3B10];
	[tilespmem:$0x1D130] =	vst v50  }
0x109: {  	v56 =	vld [tilespmem:$0x3B20];
	[tilespmem:$0x1D140] =	vst v51  }
0x10a: {  	v57 =	vld [tilespmem:$0x3B30];
	[tilespmem:$0x1D150] =	vst v52  }
0x10b: {  	v58 =	vld [tilespmem:$0x3B80];
	[tilespmem:$0x1D160] =	vst v53  }
0x10c: {  	v59 =	vld [tilespmem:$0x3B90];
	[tilespmem:$0x1D170] =	vst v54  }
0x10d: {  	v60 =	vld [tilespmem:$0x3BA0];
	[tilespmem:$0x1D180] =	vst v55  }
0x10e: {  	v61 =	vld [tilespmem:$0x3BB0];
	[tilespmem:$0x1D190] =	vst v56  }
0x10f: {  	v62 =	vld [tilespmem:$0x3C00];
	[tilespmem:$0x1D1A0] =	vst v57  }
0x110: {  	v63 =	vld [tilespmem:$0x3C10];
	[tilespmem:$0x1D1B0] =	vst v58  }
0x111: {  	v4 =	vld [tilespmem:$0x3C20];
	[tilespmem:$0x1D1C0] =	vst v59  }
0x112: {  	v5 =	vld [tilespmem:$0x3C30];
	[tilespmem:$0x1D1D0] =	vst v60  }
0x113: {  	v6 =	vld [tilespmem:$0x3C80];
	[tilespmem:$0x1D1E0] =	vst v61  }
0x114: {  	v7 =	vld [tilespmem:$0x3C90];
	[tilespmem:$0x1D1F0] =	vst v62  }
0x115: {  	v8 =	vld [tilespmem:$0x3CA0];
	[tilespmem:$0x1D200] =	vst v63  }
0x116: {  	v9 =	vld [tilespmem:$0x3CB0];
	[tilespmem:$0x1D210] =	vst v4  }
0x117: {  	v10 =	vld [tilespmem:$0x3D00];
	[tilespmem:$0x1D220] =	vst v5  }
0x118: {  	v11 =	vld [tilespmem:$0x3D10];
	[tilespmem:$0x1D230] =	vst v6  }
0x119: {  	v12 =	vld [tilespmem:$0x3D20];
	[tilespmem:$0x1D240] =	vst v7  }
0x11a: {  	v13 =	vld [tilespmem:$0x3D30];
	[tilespmem:$0x1D250] =	vst v8  }
0x11b: {  	v14 =	vld [tilespmem:$0x3D80];
	[tilespmem:$0x1D260] =	vst v9  }
0x11c: {  	[tilespmem:$0x1D270] =	vst v10  }
0x11d: {  	[tilespmem:$0x1D280] =	vst v11  }
0x11e: {  	[tilespmem:$0x1D290] =	vst v12  }
0x11f: {  	[tilespmem:$0x1D2A0] =	vst v13  }
0x120: {  	[tilespmem:$0x1D2B0] =	vst v14  }
0x121: {  	v0 =	vld [tilespmem:$0x3D90]  }
0x122: {  	v15 =	vld [tilespmem:$0x3DA0]  }
0x123: {  	v16 =	vld [tilespmem:$0x3DB0]  }
0x124: {  	v17 =	vld [tilespmem:$0x3E00]  }
0x125: {  	v18 =	vld [tilespmem:$0x3E10]  }
0x126: {  	v19 =	vld [tilespmem:$0x3E20];
	[tilespmem:$0x1D2C0] =	vst v0  }
0x127: {  	v20 =	vld [tilespmem:$0x3E30];
	[tilespmem:$0x1D2D0] =	vst v15  }
0x128: {  	v21 =	vld [tilespmem:$0x3E80];
	[tilespmem:$0x1D2E0] =	vst v16  }
0x129: {  	v22 =	vld [tilespmem:$0x3E90];
	[tilespmem:$0x1D2F0] =	vst v17  }
0x12a: {  	v23 =	vld [tilespmem:$0x3EA0];
	[tilespmem:$0x1D300] =	vst v18  }
0x12b: {  	v24 =	vld [tilespmem:$0x3EB0];
	[tilespmem:$0x1D310] =	vst v19  }
0x12c: {  	v25 =	vld [tilespmem:$0x3F00];
	[tilespmem:$0x1D320] =	vst v20  }
0x12d: {  	v26 =	vld [tilespmem:$0x3F10];
	[tilespmem:$0x1D330] =	vst v21  }
0x12e: {  	v27 =	vld [tilespmem:$0x3F20];
	[tilespmem:$0x1D340] =	vst v22  }
0x12f: {  	v28 =	vld [tilespmem:$0x3F30];
	[tilespmem:$0x1D350] =	vst v23  }
0x130: {  	v29 =	vld [tilespmem:$0x3F80];
	[tilespmem:$0x1D360] =	vst v24  }
0x131: {  	v30 =	vld [tilespmem:$0x3F90];
	[tilespmem:$0x1D370] =	vst v25  }
0x132: {  	v31 =	vld [tilespmem:$0x3FA0];
	[tilespmem:$0x1D380] =	vst v26  }
0x133: {  	v32 =	vld [tilespmem:$0x3FB0];
	[tilespmem:$0x1D390] =	vst v27  }
0x134: {  	v33 =	vld [tilespmem:$0x4000];
	[tilespmem:$0x1D3A0] =	vst v28  }
0x135: {  	v34 =	vld [tilespmem:$0x4010];
	[tilespmem:$0x1D3B0] =	vst v29  }
0x136: {  	v35 =	vld [tilespmem:$0x4020];
	[tilespmem:$0x1D3C0] =	vst v30  }
0x137: {  	v36 =	vld [tilespmem:$0x4030];
	[tilespmem:$0x1D3D0] =	vst v31  }
0x138: {  	v37 =	vld [tilespmem:$0x4080];
	[tilespmem:$0x1D3E0] =	vst v32  }
0x139: {  	v38 =	vld [tilespmem:$0x4090];
	[tilespmem:$0x1D3F0] =	vst v33  }
0x13a: {  	v39 =	vld [tilespmem:$0x40A0];
	[tilespmem:$0x1D400] =	vst v34  }
0x13b: {  	v40 =	vld [tilespmem:$0x40B0];
	[tilespmem:$0x1D410] =	vst v35  }
0x13c: {  	v41 =	vld [tilespmem:$0x4100];
	[tilespmem:$0x1D420] =	vst v36  }
0x13d: {  	v42 =	vld [tilespmem:$0x4110];
	[tilespmem:$0x1D430] =	vst v37  }
0x13e: {  	v43 =	vld [tilespmem:$0x4120];
	[tilespmem:$0x1D440] =	vst v38  }
0x13f: {  	v44 =	vld [tilespmem:$0x4130];
	[tilespmem:$0x1D450] =	vst v39  }
0x140: {  	v45 =	vld [tilespmem:$0x4180];
	[tilespmem:$0x1D460] =	vst v40  }
0x141: {  	v46 =	vld [tilespmem:$0x4190];
	[tilespmem:$0x1D470] =	vst v41  }
0x142: {  	v47 =	vld [tilespmem:$0x41A0];
	[tilespmem:$0x1D480] =	vst v42  }
0x143: {  	v48 =	vld [tilespmem:$0x41B0];
	[tilespmem:$0x1D490] =	vst v43  }
0x144: {  	v49 =	vld [tilespmem:$0x4200];
	[tilespmem:$0x1D4A0] =	vst v44  }
0x145: {  	v50 =	vld [tilespmem:$0x4210];
	[tilespmem:$0x1D4B0] =	vst v45  }
0x146: {  	v51 =	vld [tilespmem:$0x4220];
	[tilespmem:$0x1D4C0] =	vst v46  }
0x147: {  	v52 =	vld [tilespmem:$0x4230];
	[tilespmem:$0x1D4D0] =	vst v47  }
0x148: {  	v53 =	vld [tilespmem:$0x4280];
	[tilespmem:$0x1D4E0] =	vst v48  }
0x149: {  	v54 =	vld [tilespmem:$0x4290];
	[tilespmem:$0x1D4F0] =	vst v49  }
0x14a: {  	v55 =	vld [tilespmem:$0x42A0];
	[tilespmem:$0x1D500] =	vst v50  }
0x14b: {  	v56 =	vld [tilespmem:$0x42B0];
	[tilespmem:$0x1D510] =	vst v51  }
0x14c: {  	v57 =	vld [tilespmem:$0x4300];
	[tilespmem:$0x1D520] =	vst v52  }
0x14d: {  	v58 =	vld [tilespmem:$0x4310];
	[tilespmem:$0x1D530] =	vst v53  }
0x14e: {  	v59 =	vld [tilespmem:$0x4320];
	[tilespmem:$0x1D540] =	vst v54  }
0x14f: {  	v60 =	vld [tilespmem:$0x4330];
	[tilespmem:$0x1D550] =	vst v55  }
0x150: {  	v61 =	vld [tilespmem:$0x4380];
	[tilespmem:$0x1D560] =	vst v56  }
0x151: {  	v62 =	vld [tilespmem:$0x4390];
	[tilespmem:$0x1D570] =	vst v57  }
0x152: {  	v63 =	vld [tilespmem:$0x43A0];
	[tilespmem:$0x1D580] =	vst v58  }
0x153: {  	v4 =	vld [tilespmem:$0x43B0];
	[tilespmem:$0x1D590] =	vst v59  }
0x154: {  	v5 =	vld [tilespmem:$0x4400];
	[tilespmem:$0x1D5A0] =	vst v60  }
0x155: {  	v6 =	vld [tilespmem:$0x4410];
	[tilespmem:$0x1E0F0] =	vst v61  }
0x156: {  	v7 =	vld [tilespmem:$0x4420];
	[tilespmem:$0x1E0E0] =	vst v62  }
0x157: {  	v8 =	vld [tilespmem:$0x4430];
	[tilespmem:$0x1E0D0] =	vst v63  }
0x158: {  	v9 =	vld [tilespmem:$0x4480];
	[tilespmem:$0x1E0C0] =	vst v4  }
0x159: {  	v10 =	vld [tilespmem:$0x4490];
	[tilespmem:$0x1E0B0] =	vst v5  }
0x15a: {  	v11 =	vld [tilespmem:$0x44A0];
	[tilespmem:$0x1E0A0] =	vst v6  }
0x15b: {  	v12 =	vld [tilespmem:$0x44B0];
	[tilespmem:$0x1E090] =	vst v7  }
0x15c: {  	v13 =	vld [tilespmem:$0x4500];
	[tilespmem:$0x1E080] =	vst v8  }
0x15d: {  	v14 =	vld [tilespmem:$0x4510];
	[tilespmem:$0x1E070] =	vst v9  }
0x15e: {  	[tilespmem:$0x1E060] =	vst v10;
	v15 =	vld [tilespmem:$0x4520]  }
0x15f: {  	[tilespmem:$0x1E050] =	vst v11;
	v16 =	vld [tilespmem:$0x4530]  }
0x160: {  	[tilespmem:$0x1E040] =	vst v12;
	v17 =	vld [tilespmem:$0x4580]  }
0x161: {  	[tilespmem:$0x1E030] =	vst v13;
	v18 =	vld [tilespmem:$0x4590]  }
0x162: {  	[tilespmem:$0x1E020] =	vst v14;
	v19 =	vld [tilespmem:$0x45A0]  }
0x163: {  	v20 =	vld [tilespmem:$0x45B0];
	[tilespmem:$0x1E010] =	vst v15  }
0x164: {  	v21 =	vld [tilespmem:$0x4600];
	[tilespmem:$0x1E000] =	vst v16  }
0x165: {  	v22 =	vld [tilespmem:$0x4610];
	[tilespmem:$0x1DFF0] =	vst v17  }
0x166: {  	v23 =	vld [tilespmem:$0x4620];
	[tilespmem:$0x1DFE0] =	vst v18  }
0x167: {  	v24 =	vld [tilespmem:$0x4630];
	[tilespmem:$0x1DFD0] =	vst v19  }
0x168: {  	v25 =	vld [tilespmem:$0x64A0];
	[tilespmem:$0x1DFC0] =	vst v20  }
0x169: {  	v26 =	vld [tilespmem:$0x6490];
	[tilespmem:$0x1DFB0] =	vst v21  }
0x16a: {  	v27 =	vld [tilespmem:$0x6480];
	[tilespmem:$0x1DFA0] =	vst v22  }
0x16b: {  	v28 =	vld [tilespmem:$0x6430];
	[tilespmem:$0x1DF90] =	vst v23  }
0x16c: {  	v29 =	vld [tilespmem:$0x6420];
	[tilespmem:$0x1DF80] =	vst v24  }
0x16d: {  	v30 =	vld [tilespmem:$0x6410];
	[tilespmem:$0x1E270] =	vst v25  }
0x16e: {  	v31 =	vld [tilespmem:$0x6400];
	[tilespmem:$0x1E260] =	vst v26  }
0x16f: {  	v32 =	vld [tilespmem:$0x63B0];
	[tilespmem:$0x1E250] =	vst v27  }
0x170: {  	v33 =	vld [tilespmem:$0x63A0];
	[tilespmem:$0x1E240] =	vst v28  }
0x171: {  	v34 =	vld [tilespmem:$0x6390];
	[tilespmem:$0x1E230] =	vst v29  }
0x172: {  	v35 =	vld [tilespmem:$0x6380];
	[tilespmem:$0x1E220] =	vst v30  }
0x173: {  	v36 =	vld [tilespmem:$0x6330];
	[tilespmem:$0x1E210] =	vst v31  }
0x174: {  	v37 =	vld [tilespmem:$0x6320];
	[tilespmem:$0x1E200] =	vst v32  }
0x175: {  	v38 =	vld [tilespmem:$0x6310];
	[tilespmem:$0x1E1F0] =	vst v33  }
0x176: {  	v39 =	vld [tilespmem:$0x6300];
	[tilespmem:$0x1E1E0] =	vst v34  }
0x177: {  	v40 =	vld [tilespmem:$0x62B0];
	[tilespmem:$0x1E1D0] =	vst v35  }
0x178: {  	v41 =	vld [tilespmem:$0x62A0];
	[tilespmem:$0x1E1C0] =	vst v36  }
0x179: {  	v42 =	vld [tilespmem:$0x6290];
	[tilespmem:$0x1E1B0] =	vst v37  }
0x17a: {  	v43 =	vld [tilespmem:$0x6280];
	[tilespmem:$0x1E1A0] =	vst v38  }
0x17b: {  	v44 =	vld [tilespmem:$0x6230];
	[tilespmem:$0x1E190] =	vst v39  }
0x17c: {  	v45 =	vld [tilespmem:$0x6220];
	[tilespmem:$0x1E180] =	vst v40  }
0x17d: {  	v46 =	vld [tilespmem:$0x6210];
	[tilespmem:$0x1E170] =	vst v41  }
0x17e: {  	v47 =	vld [tilespmem:$0x6200];
	[tilespmem:$0x1E160] =	vst v42  }
0x17f: {  	v48 =	vld [tilespmem:$0x61B0];
	[tilespmem:$0x1E150] =	vst v43  }
0x180: {  	v49 =	vld [tilespmem:$0x61A0];
	[tilespmem:$0x1E140] =	vst v44  }
0x181: {  	v50 =	vld [tilespmem:$0x6190];
	[tilespmem:$0x1E130] =	vst v45  }
0x182: {  	v51 =	vld [tilespmem:$0x6180];
	[tilespmem:$0x1E120] =	vst v46  }
0x183: {  	v52 =	vld [tilespmem:$0x6130];
	[tilespmem:$0x1E110] =	vst v47  }
0x184: {  	v53 =	vld [tilespmem:$0x6120];
	[tilespmem:$0x1E100] =	vst v48  }
0x185: {  	v54 =	vld [tilespmem:$0x6110];
	[tilespmem:$0x1D5B0] =	vst v49  }
0x186: {  	v55 =	vld [tilespmem:$0x6100];
	[tilespmem:$0x1D5C0] =	vst v50  }
0x187: {  	v56 =	vld [tilespmem:$0x60B0];
	[tilespmem:$0x1D5D0] =	vst v51  }
0x188: {  	v57 =	vld [tilespmem:$0x60A0];
	[tilespmem:$0x1D5E0] =	vst v52  }
0x189: {  	v58 =	vld [tilespmem:$0x6090];
	[tilespmem:$0x1D5F0] =	vst v53  }
0x18a: {  	v59 =	vld [tilespmem:$0x6080];
	[tilespmem:$0x1D600] =	vst v54  }
0x18b: {  	v60 =	vld [tilespmem:$0x6030];
	[tilespmem:$0x1D610] =	vst v55  }
0x18c: {  	v61 =	vld [tilespmem:$0x6020];
	[tilespmem:$0x1D620] =	vst v56  }
0x18d: {  	v62 =	vld [tilespmem:$0x6010];
	[tilespmem:$0x1D630] =	vst v57  }
0x18e: {  	v63 =	vld [tilespmem:$0x6000];
	[tilespmem:$0x1D640] =	vst v58  }
0x18f: {  	v4 =	vld [tilespmem:$0x5FB0];
	[tilespmem:$0x1D650] =	vst v59  }
0x190: {  	v5 =	vld [tilespmem:$0x5FA0];
	[tilespmem:$0x1D660] =	vst v60  }
0x191: {  	v6 =	vld [tilespmem:$0x5F90];
	[tilespmem:$0x1D670] =	vst v61  }
0x192: {  	v7 =	vld [tilespmem:$0x5F80];
	[tilespmem:$0x1D680] =	vst v62  }
0x193: {  	v8 =	vld [tilespmem:$0x5F30];
	[tilespmem:$0x1D690] =	vst v63  }
0x194: {  	v9 =	vld [tilespmem:$0x5F20];
	[tilespmem:$0x1D6A0] =	vst v4  }
0x195: {  	v10 =	vld [tilespmem:$0x5F10];
	[tilespmem:$0x1D6B0] =	vst v5  }
0x196: {  	v11 =	vld [tilespmem:$0x5F00];
	[tilespmem:$0x1D6C0] =	vst v6  }
0x197: {  	v12 =	vld [tilespmem:$0x5EB0];
	[tilespmem:$0x1D6D0] =	vst v7  }
0x198: {  	v13 =	vld [tilespmem:$0x5EA0];
	[tilespmem:$0x1D6E0] =	vst v8  }
0x199: {  	v14 =	vld [tilespmem:$0x5E90];
	[tilespmem:$0x1D6F0] =	vst v9  }
0x19a: {  	[tilespmem:$0x1D700] =	vst v10;
	v15 =	vld [tilespmem:$0x5E80]  }
0x19b: {  	[tilespmem:$0x1D710] =	vst v11;
	v16 =	vld [tilespmem:$0x5E30]  }
0x19c: {  	[tilespmem:$0x1D720] =	vst v12;
	v17 =	vld [tilespmem:$0x5E20]  }
0x19d: {  	[tilespmem:$0x1D730] =	vst v13;
	v18 =	vld [tilespmem:$0x5E10]  }
0x19e: {  	[tilespmem:$0x1D740] =	vst v14;
	v19 =	vld [tilespmem:$0x5E00]  }
0x19f: {  	v20 =	vld [tilespmem:$0x5DB0];
	[tilespmem:$0x1D750] =	vst v15  }
0x1a0: {  	v21 =	vld [tilespmem:$0x5DA0];
	[tilespmem:$0x1D760] =	vst v16  }
0x1a1: {  	v22 =	vld [tilespmem:$0x5D90];
	[tilespmem:$0x1D770] =	vst v17  }
0x1a2: {  	v23 =	vld [tilespmem:$0x5D80];
	[tilespmem:$0x1D780] =	vst v18  }
0x1a3: {  	v24 =	vld [tilespmem:$0x5D30];
	[tilespmem:$0x1D790] =	vst v19  }
0x1a4: {  	v25 =	vld [tilespmem:$0x5D20];
	[tilespmem:$0x1D7A0] =	vst v20  }
0x1a5: {  	v26 =	vld [tilespmem:$0x5D10];
	[tilespmem:$0x1D7B0] =	vst v21  }
0x1a6: {  	v27 =	vld [tilespmem:$0x5D00];
	[tilespmem:$0x1D7C0] =	vst v22  }
0x1a7: {  	v28 =	vld [tilespmem:$0x5CB0];
	[tilespmem:$0x1D7D0] =	vst v23  }
0x1a8: {  	v29 =	vld [tilespmem:$0x5CA0];
	[tilespmem:$0x1D7E0] =	vst v24  }
0x1a9: {  	v30 =	vld [tilespmem:$0x5C90];
	[tilespmem:$0x1D7F0] =	vst v25  }
0x1aa: {  	v31 =	vld [tilespmem:$0x5C80];
	[tilespmem:$0x1D800] =	vst v26  }
0x1ab: {  	v32 =	vld [tilespmem:$0x5C30];
	[tilespmem:$0x1D810] =	vst v27  }
0x1ac: {  	v33 =	vld [tilespmem:$0x5C20];
	[tilespmem:$0x1D820] =	vst v28  }
0x1ad: {  	v34 =	vld [tilespmem:$0x5C10];
	[tilespmem:$0x1D830] =	vst v29  }
0x1ae: {  	v35 =	vld [tilespmem:$0x5C00];
	[tilespmem:$0x1D840] =	vst v30  }
0x1af: {  	v36 =	vld [tilespmem:$0x5BB0];
	[tilespmem:$0x1D850] =	vst v31  }
0x1b0: {  	v37 =	vld [tilespmem:$0x5BA0];
	[tilespmem:$0x1D860] =	vst v32  }
0x1b1: {  	v38 =	vld [tilespmem:$0x5B90];
	[tilespmem:$0x1D870] =	vst v33  }
0x1b2: {  	v39 =	vld [tilespmem:$0x5B80];
	[tilespmem:$0x1D880] =	vst v34  }
0x1b3: {  	v40 =	vld [tilespmem:$0x5B30];
	[tilespmem:$0x1D890] =	vst v35  }
0x1b4: {  	v41 =	vld [tilespmem:$0x5B20];
	[tilespmem:$0x1D8A0] =	vst v36  }
0x1b5: {  	v42 =	vld [tilespmem:$0x5B10];
	[tilespmem:$0x1D8B0] =	vst v37  }
0x1b6: {  	v43 =	vld [tilespmem:$0x5B00];
	[tilespmem:$0x1D8C0] =	vst v38  }
0x1b7: {  	v44 =	vld [tilespmem:$0x5AB0];
	[tilespmem:$0x1D8D0] =	vst v39  }
0x1b8: {  	v45 =	vld [tilespmem:$0x5AA0];
	[tilespmem:$0x1D8E0] =	vst v40  }
0x1b9: {  	v46 =	vld [tilespmem:$0x5A90];
	[tilespmem:$0x1D8F0] =	vst v41  }
0x1ba: {  	v47 =	vld [tilespmem:$0x5A80];
	[tilespmem:$0x1D900] =	vst v42  }
0x1bb: {  	v48 =	vld [tilespmem:$0x5A30];
	[tilespmem:$0x1D910] =	vst v43  }
0x1bc: {  	v49 =	vld [tilespmem:$0x5A20];
	[tilespmem:$0x1D920] =	vst v44  }
0x1bd: {  	v50 =	vld [tilespmem:$0x5A10];
	[tilespmem:$0x1D930] =	vst v45  }
0x1be: {  	v51 =	vld [tilespmem:$0x5A00];
	[tilespmem:$0x1D940] =	vst v46  }
0x1bf: {  	v52 =	vld [tilespmem:$0x59B0];
	[tilespmem:$0x1D950] =	vst v47  }
0x1c0: {  	v53 =	vld [tilespmem:$0x59A0];
	[tilespmem:$0x1D960] =	vst v48  }
0x1c1: {  	v54 =	vld [tilespmem:$0x5990];
	[tilespmem:$0x1D970] =	vst v49  }
0x1c2: {  	v55 =	vld [tilespmem:$0x5980];
	[tilespmem:$0x1D980] =	vst v50  }
0x1c3: {  	v56 =	vld [tilespmem:$0x5930];
	[tilespmem:$0x1D990] =	vst v51  }
0x1c4: {  	v57 =	vld [tilespmem:$0x5920];
	[tilespmem:$0x1D9A0] =	vst v52  }
0x1c5: {  	v58 =	vld [tilespmem:$0x5910];
	[tilespmem:$0x1D9B0] =	vst v53  }
0x1c6: {  	v59 =	vld [tilespmem:$0x5900];
	[tilespmem:$0x1D9C0] =	vst v54  }
0x1c7: {  	v60 =	vld [tilespmem:$0x58B0];
	[tilespmem:$0x1D9D0] =	vst v55  }
0x1c8: {  	v61 =	vld [tilespmem:$0x58A0];
	[tilespmem:$0x1D9E0] =	vst v56  }
0x1c9: {  	v62 =	vld [tilespmem:$0x5890];
	[tilespmem:$0x1D9F0] =	vst v57  }
0x1ca: {  	v63 =	vld [tilespmem:$0x5880];
	[tilespmem:$0x1DA00] =	vst v58  }
0x1cb: {  	v4 =	vld [tilespmem:$0x5830];
	[tilespmem:$0x1DA10] =	vst v59  }
0x1cc: {  	v5 =	vld [tilespmem:$0x5820];
	[tilespmem:$0x1DA20] =	vst v60  }
0x1cd: {  	v6 =	vld [tilespmem:$0x5810];
	[tilespmem:$0x1DA30] =	vst v61  }
0x1ce: {  	v7 =	vld [tilespmem:$0x5800];
	[tilespmem:$0x1DA40] =	vst v62  }
0x1cf: {  	v8 =	vld [tilespmem:$0x57B0];
	[tilespmem:$0x1DA50] =	vst v63  }
0x1d0: {  	v9 =	vld [tilespmem:$0x57A0];
	[tilespmem:$0x1DA60] =	vst v4  }
0x1d1: {  	v10 =	vld [tilespmem:$0x5790];
	[tilespmem:$0x1DA70] =	vst v5  }
0x1d2: {  	v11 =	vld [tilespmem:$0x5780];
	[tilespmem:$0x1DA80] =	vst v6  }
0x1d3: {  	v12 =	vld [tilespmem:$0x5730];
	[tilespmem:$0x1DA90] =	vst v7  }
0x1d4: {  	v13 =	vld [tilespmem:$0x5720];
	[tilespmem:$0x1DAA0] =	vst v8  }
0x1d5: {  	v14 =	vld [tilespmem:$0x5710];
	[tilespmem:$0x1DAB0] =	vst v9  }
0x1d6: {  	[tilespmem:$0x1DAC0] =	vst v10;
	v15 =	vld [tilespmem:$0x5700]  }
0x1d7: {  	[tilespmem:$0x1DAD0] =	vst v11;
	v16 =	vld [tilespmem:$0x56B0]  }
0x1d8: {  	[tilespmem:$0x1DAE0] =	vst v12;
	v17 =	vld [tilespmem:$0x56A0]  }
0x1d9: {  	[tilespmem:$0x1DAF0] =	vst v13;
	v18 =	vld [tilespmem:$0x5690]  }
0x1da: {  	[tilespmem:$0x1DB00] =	vst v14;
	v19 =	vld [tilespmem:$0x5680]  }
0x1db: {  	v20 =	vld [tilespmem:$0x5630];
	[tilespmem:$0x1DB10] =	vst v15  }
0x1dc: {  	v21 =	vld [tilespmem:$0x5620];
	[tilespmem:$0x1DB20] =	vst v16  }
0x1dd: {  	v22 =	vld [tilespmem:$0x5610];
	[tilespmem:$0x1DB30] =	vst v17  }
0x1de: {  	v23 =	vld [tilespmem:$0x5600];
	[tilespmem:$0x1DB40] =	vst v18  }
0x1df: {  	v24 =	vld [tilespmem:$0x55B0];
	[tilespmem:$0x1DB50] =	vst v19  }
0x1e0: {  	v25 =	vld [tilespmem:$0x55A0];
	[tilespmem:$0x1DB60] =	vst v20  }
0x1e1: {  	v26 =	vld [tilespmem:$0x5590];
	[tilespmem:$0x1DB70] =	vst v21  }
0x1e2: {  	v27 =	vld [tilespmem:$0x5580];
	[tilespmem:$0x1DB80] =	vst v22  }
0x1e3: {  	v28 =	vld [tilespmem:$0x5530];
	[tilespmem:$0x1DB90] =	vst v23  }
0x1e4: {  	v29 =	vld [tilespmem:$0x5520];
	[tilespmem:$0x1DBA0] =	vst v24  }
0x1e5: {  	v30 =	vld [tilespmem:$0x5510];
	[tilespmem:$0x1DBB0] =	vst v25  }
0x1e6: {  	v31 =	vld [tilespmem:$0x5500];
	[tilespmem:$0x1DBC0] =	vst v26  }
0x1e7: {  	v32 =	vld [tilespmem:$0x54B0];
	[tilespmem:$0x1DBD0] =	vst v27  }
0x1e8: {  	v33 =	vld [tilespmem:$0x54A0];
	[tilespmem:$0x1DBE0] =	vst v28  }
0x1e9: {  	v34 =	vld [tilespmem:$0x5490];
	[tilespmem:$0x1DBF0] =	vst v29  }
0x1ea: {  	v35 =	vld [tilespmem:$0x5480];
	[tilespmem:$0x1DC00] =	vst v30  }
0x1eb: {  	v36 =	vld [tilespmem:$0x5430];
	[tilespmem:$0x1DC10] =	vst v31  }
0x1ec: {  	v37 =	vld [tilespmem:$0x5420];
	[tilespmem:$0x1DC20] =	vst v32  }
0x1ed: {  	v38 =	vld [tilespmem:$0x5410];
	[tilespmem:$0x1DC30] =	vst v33  }
0x1ee: {  	v39 =	vld [tilespmem:$0x5400];
	[tilespmem:$0x1DC40] =	vst v34  }
0x1ef: {  	v40 =	vld [tilespmem:$0x53B0];
	[tilespmem:$0x1DC50] =	vst v35  }
0x1f0: {  	v41 =	vld [tilespmem:$0x53A0];
	[tilespmem:$0x1DC60] =	vst v36  }
0x1f1: {  	v42 =	vld [tilespmem:$0x5390];
	[tilespmem:$0x1DC70] =	vst v37  }
0x1f2: {  	v43 =	vld [tilespmem:$0x5380];
	[tilespmem:$0x1DC80] =	vst v38  }
0x1f3: {  	v44 =	vld [tilespmem:$0x5330];
	[tilespmem:$0x1DC90] =	vst v39  }
0x1f4: {  	v45 =	vld [tilespmem:$0x5320];
	[tilespmem:$0x1DCA0] =	vst v40  }
0x1f5: {  	v46 =	vld [tilespmem:$0x5310];
	[tilespmem:$0x1DCB0] =	vst v41  }
0x1f6: {  	v47 =	vld [tilespmem:$0x5300];
	[tilespmem:$0x1DCC0] =	vst v42  }
0x1f7: {  	v48 =	vld [tilespmem:$0x52B0];
	[tilespmem:$0x1DCD0] =	vst v43  }
0x1f8: {  	v49 =	vld [tilespmem:$0x52A0];
	[tilespmem:$0x1DCE0] =	vst v44  }
0x1f9: {  	v50 =	vld [tilespmem:$0x5290];
	[tilespmem:$0x1DCF0] =	vst v45  }
0x1fa: {  	v51 =	vld [tilespmem:$0x5280];
	[tilespmem:$0x1DD00] =	vst v46  }
0x1fb: {  	v52 =	vld [tilespmem:$0x5230];
	[tilespmem:$0x1DD10] =	vst v47  }
0x1fc: {  	v53 =	vld [tilespmem:$0x5220];
	[tilespmem:$0x1DD20] =	vst v48  }
0x1fd: {  	v54 =	vld [tilespmem:$0x5210];
	[tilespmem:$0x1DD30] =	vst v49  }
0x1fe: {  	v55 =	vld [tilespmem:$0x5200];
	[tilespmem:$0x1DD40] =	vst v50  }
0x1ff: {  	v56 =	vld [tilespmem:$0x51B0];
	[tilespmem:$0x1DD50] =	vst v51  }
0x200: {  	v57 =	vld [tilespmem:$0x51A0];
	[tilespmem:$0x1DD60] =	vst v52  }
0x201: {  	v58 =	vld [tilespmem:$0x5190];
	[tilespmem:$0x1DD70] =	vst v53  }
0x202: {  	v59 =	vld [tilespmem:$0x5180];
	[tilespmem:$0x1DD80] =	vst v54  }
0x203: {  	v60 =	vld [tilespmem:$0x5130];
	[tilespmem:$0x1DD90] =	vst v55  }
0x204: {  	v61 =	vld [tilespmem:$0x5120];
	[tilespmem:$0x1DDA0] =	vst v56  }
0x205: {  	v62 =	vld [tilespmem:$0x5110];
	[tilespmem:$0x1DDB0] =	vst v57  }
0x206: {  	v63 =	vld [tilespmem:$0x5100];
	[tilespmem:$0x1DDC0] =	vst v58  }
0x207: {  	v4 =	vld [tilespmem:$0x50B0];
	[tilespmem:$0x1DDD0] =	vst v59  }
0x208: {  	v5 =	vld [tilespmem:$0x50A0];
	[tilespmem:$0x1DDE0] =	vst v60  }
0x209: {  	v6 =	vld [tilespmem:$0x5090];
	[tilespmem:$0x1DDF0] =	vst v61  }
0x20a: {  	v7 =	vld [tilespmem:$0x5080];
	[tilespmem:$0x1DE00] =	vst v62  }
0x20b: {  	v8 =	vld [tilespmem:$0x5030];
	[tilespmem:$0x1DE10] =	vst v63  }
0x20c: {  	v9 =	vld [tilespmem:$0x5020];
	[tilespmem:$0x1DE20] =	vst v4  }
0x20d: {  	v10 =	vld [tilespmem:$0x5010];
	[tilespmem:$0x1DE30] =	vst v5  }
0x20e: {  	v11 =	vld [tilespmem:$0x5000];
	[tilespmem:$0x1DE40] =	vst v6  }
0x20f: {  	v12 =	vld [tilespmem:$0x4FB0];
	[tilespmem:$0x1DE50] =	vst v7  }
0x210: {  	v13 =	vld [tilespmem:$0x4FA0];
	[tilespmem:$0x1DE60] =	vst v8  }
0x211: {  	v14 =	vld [tilespmem:$0x4F90];
	[tilespmem:$0x1DE70] =	vst v9  }
0x212: {  	[tilespmem:$0x1DE80] =	vst v10;
	v15 =	vld [tilespmem:$0x4F80]  }
0x213: {  	[tilespmem:$0x1DE90] =	vst v11;
	v16 =	vld [tilespmem:$0x4F30]  }
0x214: {  	[tilespmem:$0x1DEA0] =	vst v12;
	v17 =	vld [tilespmem:$0x4F20]  }
0x215: {  	[tilespmem:$0x1DEB0] =	vst v13;
	v18 =	vld [tilespmem:$0x4F10]  }
0x216: {  	[tilespmem:$0x1DEC0] =	vst v14;
	v19 =	vld [tilespmem:$0x4F00]  }
0x217: {  	v20 =	vld [tilespmem:$0x4EB0];
	[tilespmem:$0x1DED0] =	vst v15  }
0x218: {  	v21 =	vld [tilespmem:$0x4EA0];
	[tilespmem:$0x1DEE0] =	vst v16  }
0x219: {  	v22 =	vld [tilespmem:$0x4E90];
	[tilespmem:$0x1DEF0] =	vst v17  }
0x21a: {  	v23 =	vld [tilespmem:$0x4E80];
	[tilespmem:$0x1DF00] =	vst v18  }
0x21b: {  	[tilespmem:$0x1DF10] =	vst v19  }
0x21c: {  	[tilespmem:$0x1DF20] =	vst v20  }
0x21d: {  	[tilespmem:$0x1DF30] =	vst v21  }
0x21e: {  	[tilespmem:$0x1DF40] =	vst v22  }
0x21f: {  	[tilespmem:$0x1DF50] =	vst v23  }
0x220: {  	v63 =	vld [tilespmem:$0x4E30]  }
0x221: {  	v0 =	vld [tilespmem:$0x4690];
	_ =	sdelay $0x4  }
0x222: {  	[tilespmem:$0x1DF60] =	vst v0;
	v0 =	vld [tilespmem:$0x4680];
	_ =	sdelay $0x4  }
0x223: {  	[tilespmem:$0x1DF70] =	vst v0;
	v0 =	vld [tilespmem:$0x64B0];
	_ =	sdelay $0x4  }
0x224: {  	[tilespmem:$0x1E280] =	vst v0;
	v0 =	vld [tilespmem:$0x6500];
	_ =	sdelay $0x4  }
0x225: {  	[tilespmem:$0x1E290] =	vst v0;
	v0 =	vld [tilespmem:$0x6510];
	_ =	sdelay $0x4  }
0x226: {  	[tilespmem:$0x1E2A0] =	vst v0;
	v0 =	vld [tilespmem:$0x6520];
	_ =	sdelay $0x4  }
0x227: {  	[tilespmem:$0x1E2B0] =	vst v0;
	v0 =	vld [tilespmem:$0x6530];
	_ =	sdelay $0x4  }
0x228: {  	[tilespmem:$0x1E2C0] =	vst v0;
	v0 =	vld [tilespmem:$0x6580];
	_ =	sdelay $0x4  }
0x229: {  	[tilespmem:$0x1E2D0] =	vst v0;
	v0 =	vld [tilespmem:$0x6590];
	_ =	sdelay $0x4  }
0x22a: {  	[tilespmem:$0x1E2E0] =	vst v0;
	v0 =	vld [tilespmem:$0x65A0];
	_ =	sdelay $0x4  }
0x22b: {  	[tilespmem:$0x1E2F0] =	vst v0;
	v0 =	vld [tilespmem:$0x65B0];
	_ =	sdelay $0x4  }
0x22c: {  	[tilespmem:$0x1E300] =	vst v0;
	v0 =	vld [tilespmem:$0x6600];
	_ =	sdelay $0x4  }
0x22d: {  	[tilespmem:$0x1E310] =	vst v0;
	v0 =	vld [tilespmem:$0x6610];
	_ =	sdelay $0x4  }
0x22e: {  	[tilespmem:$0x1E320] =	vst v0;
	v0 =	vld [tilespmem:$0x6620];
	_ =	sdelay $0x4  }
0x22f: {  	[tilespmem:$0x1E330] =	vst v0;
	v0 =	vld [tilespmem:$0x6630];
	_ =	sdelay $0x4  }
0x230: {  	[tilespmem:$0x1E340] =	vst v0;
	v0 =	vld [tilespmem:$0x6680];
	_ =	sdelay $0x4  }
0x231: {  	[tilespmem:$0x1E350] =	vst v0;
	v0 =	vld [tilespmem:$0x6690];
	_ =	sdelay $0x4  }
0x232: {  	[tilespmem:$0x1E360] =	vst v0;
	v0 =	vld [tilespmem:$0x66A0];
	_ =	sdelay $0x4  }
0x233: {  	[tilespmem:$0x1E370] =	vst v0;
	v0 =	vld [tilespmem:$0x66B0];
	_ =	sdelay $0x4  }
0x234: {  	[tilespmem:$0x1E380] =	vst v0;
	v0 =	vld [tilespmem:$0x6700];
	_ =	sdelay $0x4  }
0x235: {  	[tilespmem:$0x1E390] =	vst v0;
	v0 =	vld [tilespmem:$0x6710];
	_ =	sdelay $0x4  }
0x236: {  	[tilespmem:$0x1E3A0] =	vst v0;
	v0 =	vld [tilespmem:$0x6720];
	_ =	sdelay $0x4  }
0x237: {  	[tilespmem:$0x1E3B0] =	vst v0;
	v0 =	vld [tilespmem:$0x6730];
	_ =	sdelay $0x4  }
0x238: {  	[tilespmem:$0x1E3C0] =	vst v0;
	v0 =	vld [tilespmem:$0x6780];
	_ =	sdelay $0x4  }
0x239: {  	[tilespmem:$0x1E3D0] =	vst v0;
	v0 =	vld [tilespmem:$0x6790];
	_ =	sdelay $0x4  }
0x23a: {  	[tilespmem:$0x1E3E0] =	vst v0;
	v0 =	vld [tilespmem:$0x67A0];
	_ =	sdelay $0x4  }
0x23b: {  	[tilespmem:$0x1E3F0] =	vst v0;
	v0 =	vld [tilespmem:$0x67B0];
	_ =	sdelay $0x4  }
0x23c: {  	[tilespmem:$0x1E400] =	vst v0;
	v0 =	vld [tilespmem:$0x6800];
	_ =	sdelay $0x4  }
0x23d: {  	[tilespmem:$0x1E410] =	vst v0;
	v0 =	vld [tilespmem:$0x6810];
	_ =	sdelay $0x4  }
0x23e: {  	[tilespmem:$0x1E420] =	vst v0;
	v0 =	vld [tilespmem:$0x6820];
	_ =	sdelay $0x4  }
0x23f: {  	[tilespmem:$0x1E430] =	vst v0;
	v0 =	vld [tilespmem:$0x6830];
	_ =	sdelay $0x4  }
0x240: {  	[tilespmem:$0x1E440] =	vst v0;
	v0 =	vld [tilespmem:$0x6880];
	_ =	sdelay $0x4  }
0x241: {  	[tilespmem:$0x1E450] =	vst v0;
	v0 =	vld [tilespmem:$0x6890];
	_ =	sdelay $0x4  }
0x242: {  	[tilespmem:$0x1E460] =	vst v0;
	v0 =	vld [tilespmem:$0x68A0];
	_ =	sdelay $0x4  }
0x243: {  	[tilespmem:$0x1E470] =	vst v0;
	v0 =	vld [tilespmem:$0x68B0];
	_ =	sdelay $0x4  }
0x244: {  	[tilespmem:$0x1E480] =	vst v0;
	v0 =	vld [tilespmem:$0x6900];
	_ =	sdelay $0x4  }
0x245: {  	[tilespmem:$0x1E490] =	vst v0;
	v0 =	vld [tilespmem:$0x6910];
	_ =	sdelay $0x4  }
0x246: {  	[tilespmem:$0x1E4A0] =	vst v0;
	v0 =	vld [tilespmem:$0x6920];
	_ =	sdelay $0x4  }
0x247: {  	[tilespmem:$0x1E4B0] =	vst v0;
	v0 =	vld [tilespmem:$0x6930];
	_ =	sdelay $0x4  }
0x248: {  	[tilespmem:$0x1E4C0] =	vst v0;
	v0 =	vld [tilespmem:$0x6980];
	_ =	sdelay $0x4  }
0x249: {  	[tilespmem:$0x1E4D0] =	vst v0;
	v0 =	vld [tilespmem:$0x6990];
	_ =	sdelay $0x4  }
0x24a: {  	[tilespmem:$0x1E4E0] =	vst v0;
	v0 =	vld [tilespmem:$0x69A0];
	_ =	sdelay $0x4  }
0x24b: {  	[tilespmem:$0x1E4F0] =	vst v0;
	v0 =	vld [tilespmem:$0x69B0];
	_ =	sdelay $0x4  }
0x24c: {  	[tilespmem:$0x1E500] =	vst v0;
	v0 =	vld [tilespmem:$0x6A00];
	_ =	sdelay $0x4  }
0x24d: {  	[tilespmem:$0x1E510] =	vst v0;
	v0 =	vld [tilespmem:$0x6A10];
	_ =	sdelay $0x4  }
0x24e: {  	[tilespmem:$0x1E520] =	vst v0;
	v0 =	vld [tilespmem:$0x6A20];
	_ =	sdelay $0x4  }
0x24f: {  	[tilespmem:$0x1E530] =	vst v0;
	v0 =	vld [tilespmem:$0x6A30];
	_ =	sdelay $0x4  }
0x250: {  	[tilespmem:$0x1E540] =	vst v0;
	v0 =	vld [tilespmem:$0x6A80];
	_ =	sdelay $0x4  }
0x251: {  	[tilespmem:$0x1E550] =	vst v0;
	v0 =	vld [tilespmem:$0x6A90];
	_ =	sdelay $0x4  }
0x252: {  	[tilespmem:$0x1E560] =	vst v0;
	v0 =	vld [tilespmem:$0x6AA0];
	_ =	sdelay $0x4  }
0x253: {  	[tilespmem:$0x1E570] =	vst v0;
	v0 =	vld [tilespmem:$0x6AB0];
	_ =	sdelay $0x4  }
0x254: {  	[tilespmem:$0x1E580] =	vst v0;
	v0 =	vld [tilespmem:$0x6B00];
	_ =	sdelay $0x4  }
0x255: {  	[tilespmem:$0x1E590] =	vst v0;
	v0 =	vld [tilespmem:$0x6B10];
	_ =	sdelay $0x4  }
0x256: {  	[tilespmem:$0x1E5A0] =	vst v0;
	v0 =	vld [tilespmem:$0x6B20];
	_ =	sdelay $0x4  }
0x257: {  	[tilespmem:$0x1E5B0] =	vst v0;
	v0 =	vld [tilespmem:$0x6B30];
	_ =	sdelay $0x4  }
0x258: {  	[tilespmem:$0x1E5C0] =	vst v0;
	v0 =	vld [tilespmem:$0x6B80];
	_ =	sdelay $0x4  }
0x259: {  	[tilespmem:$0x1E5D0] =	vst v0;
	v0 =	vld [tilespmem:$0x6B90];
	_ =	sdelay $0x4  }
0x25a: {  	[tilespmem:$0x1E5E0] =	vst v0;
	v0 =	vld [tilespmem:$0x6BA0];
	_ =	sdelay $0x4  }
0x25b: {  	[tilespmem:$0x1E5F0] =	vst v0;
	v0 =	vld [tilespmem:$0x6BB0];
	_ =	sdelay $0x4  }
0x25c: {  	[tilespmem:$0x1E600] =	vst v0;
	v0 =	vld [tilespmem:$0x6C00];
	_ =	sdelay $0x4  }
0x25d: {  	[tilespmem:$0x1E610] =	vst v0;
	v0 =	vld [tilespmem:$0x6C10];
	_ =	sdelay $0x4  }
0x25e: {  	[tilespmem:$0x1E620] =	vst v0;
	v0 =	vld [tilespmem:$0x6C20];
	_ =	sdelay $0x4  }
0x25f: {  	[tilespmem:$0x1E630] =	vst v0;
	v0 =	vld [tilespmem:$0x6C30];
	_ =	sdelay $0x4  }
0x260: {  	[tilespmem:$0x1E640] =	vst v0;
	v0 =	vld [tilespmem:$0x6C80];
	_ =	sdelay $0x4  }
0x261: {  	[tilespmem:$0x1E650] =	vst v0;
	v0 =	vld [tilespmem:$0x6C90];
	_ =	sdelay $0x4  }
0x262: {  	[tilespmem:$0x1E660] =	vst v0;
	v0 =	vld [tilespmem:$0x6CA0];
	_ =	sdelay $0x4  }
0x263: {  	[tilespmem:$0x1E670] =	vst v0;
	v0 =	vld [tilespmem:$0x6CB0];
	_ =	sdelay $0x4  }
0x264: {  	[tilespmem:$0x1E680] =	vst v0;
	v0 =	vld [tilespmem:$0x6D00];
	_ =	sdelay $0x4  }
0x265: {  	[tilespmem:$0x1E690] =	vst v0;
	v0 =	vld [tilespmem:$0x6D10];
	_ =	sdelay $0x4  }
0x266: {  	[tilespmem:$0x1E6A0] =	vst v0;
	v0 =	vld [tilespmem:$0x6D20];
	_ =	sdelay $0x4  }
0x267: {  	[tilespmem:$0x1E6B0] =	vst v0;
	v0 =	vld [tilespmem:$0x6D30];
	_ =	sdelay $0x4  }
0x268: {  	[tilespmem:$0x1E6C0] =	vst v0;
	v0 =	vld [tilespmem:$0x6D80];
	_ =	sdelay $0x4  }
0x269: {  	[tilespmem:$0x1E6D0] =	vst v0;
	v0 =	vld [tilespmem:$0x6D90];
	_ =	sdelay $0x4  }
0x26a: {  	[tilespmem:$0x1E6E0] =	vst v0;
	v0 =	vld [tilespmem:$0x6DA0];
	_ =	sdelay $0x4  }
0x26b: {  	[tilespmem:$0x1E6F0] =	vst v0;
	v0 =	vld [tilespmem:$0x6DB0];
	_ =	sdelay $0x4  }
0x26c: {  	[tilespmem:$0x1E700] =	vst v0;
	v0 =	vld [tilespmem:$0x6E00];
	_ =	sdelay $0x4  }
0x26d: {  	[tilespmem:$0x1E710] =	vst v0;
	v0 =	vld [tilespmem:$0x6E10];
	_ =	sdelay $0x4  }
0x26e: {  	[tilespmem:$0x1E720] =	vst v0;
	v0 =	vld [tilespmem:$0x6E20];
	_ =	sdelay $0x4  }
0x26f: {  	[tilespmem:$0x1E730] =	vst v0;
	v0 =	vld [tilespmem:$0x6E30];
	_ =	sdelay $0x4  }
0x270: {  	[tilespmem:$0x1E740] =	vst v0;
	v0 =	vld [tilespmem:$0x6E80];
	_ =	sdelay $0x4  }
0x271: {  	[tilespmem:$0x1E750] =	vst v0;
	v0 =	vld [tilespmem:$0x6E90];
	_ =	sdelay $0x4  }
0x272: {  	[tilespmem:$0x1E760] =	vst v0;
	v0 =	vld [tilespmem:$0x6EA0];
	_ =	sdelay $0x4  }
0x273: {  	[tilespmem:$0x1E770] =	vst v0;
	v0 =	vld [tilespmem:$0x6EB0];
	_ =	sdelay $0x4  }
0x274: {  	[tilespmem:$0x1E780] =	vst v0;
	v0 =	vld [tilespmem:$0x6F00];
	_ =	sdelay $0x4  }
0x275: {  	[tilespmem:$0x1E790] =	vst v0;
	v0 =	vld [tilespmem:$0x6F10];
	_ =	sdelay $0x4  }
0x276: {  	[tilespmem:$0x1E7A0] =	vst v0;
	v0 =	vld [tilespmem:$0x6F20];
	_ =	sdelay $0x4  }
0x277: {  	[tilespmem:$0x1E7B0] =	vst v0;
	v0 =	vld [tilespmem:$0x6F30];
	_ =	sdelay $0x4  }
0x278: {  	[tilespmem:$0x1E7C0] =	vst v0;
	v0 =	vld [tilespmem:$0x6F80];
	_ =	sdelay $0x4  }
0x279: {  	[tilespmem:$0x1E7D0] =	vst v0;
	v0 =	vld [tilespmem:$0x6F90];
	_ =	sdelay $0x4  }
0x27a: {  	[tilespmem:$0x1E7E0] =	vst v0;
	v0 =	vld [tilespmem:$0x6FA0];
	_ =	sdelay $0x4  }
0x27b: {  	[tilespmem:$0x1E7F0] =	vst v0;
	v0 =	vld [tilespmem:$0x6FB0];
	_ =	sdelay $0x4  }
0x27c: {  	[tilespmem:$0x1E800] =	vst v0;
	v0 =	vld [tilespmem:$0x7000];
	_ =	sdelay $0x4  }
0x27d: {  	[tilespmem:$0x1E810] =	vst v0;
	v0 =	vld [tilespmem:$0x7010];
	_ =	sdelay $0x4  }
0x27e: {  	[tilespmem:$0x1E820] =	vst v0;
	v0 =	vld [tilespmem:$0x7020];
	_ =	sdelay $0x4  }
0x27f: {  	[tilespmem:$0x1E830] =	vst v0;
	v0 =	vld [tilespmem:$0x7030];
	_ =	sdelay $0x4  }
0x280: {  	[tilespmem:$0x1E840] =	vst v0;
	v0 =	vld [tilespmem:$0x7080];
	_ =	sdelay $0x4  }
0x281: {  	[tilespmem:$0x1E850] =	vst v0;
	v0 =	vld [tilespmem:$0x7090];
	_ =	sdelay $0x4  }
0x282: {  	[tilespmem:$0x1E860] =	vst v0;
	v0 =	vld [tilespmem:$0x70A0];
	_ =	sdelay $0x4  }
0x283: {  	[tilespmem:$0x1E870] =	vst v0;
	v0 =	vld [tilespmem:$0x70B0];
	_ =	sdelay $0x4  }
0x284: {  	[tilespmem:$0x1E880] =	vst v0;
	v0 =	vld [tilespmem:$0x7100];
	_ =	sdelay $0x4  }
0x285: {  	[tilespmem:$0x1E890] =	vst v0;
	v0 =	vld [tilespmem:$0x7110];
	_ =	sdelay $0x4  }
0x286: {  	[tilespmem:$0x1E8A0] =	vst v0;
	v0 =	vld [tilespmem:$0x7120];
	_ =	sdelay $0x4  }
0x287: {  	[tilespmem:$0x1E8B0] =	vst v0;
	v0 =	vld [tilespmem:$0x7130];
	_ =	sdelay $0x4  }
0x288: {  	[tilespmem:$0x1E8C0] =	vst v0;
	v0 =	vld [tilespmem:$0x7180];
	_ =	sdelay $0x4  }
0x289: {  	[tilespmem:$0x1E8D0] =	vst v0;
	v0 =	vld [tilespmem:$0x7190];
	_ =	sdelay $0x4  }
0x28a: {  	[tilespmem:$0x1E8E0] =	vst v0;
	v0 =	vld [tilespmem:$0x71A0];
	_ =	sdelay $0x4  }
0x28b: {  	[tilespmem:$0x1E8F0] =	vst v0;
	v0 =	vld [tilespmem:$0x71B0];
	_ =	sdelay $0x4  }
0x28c: {  	[tilespmem:$0x1E900] =	vst v0;
	v0 =	vld [tilespmem:$0x7200];
	_ =	sdelay $0x4  }
0x28d: {  	[tilespmem:$0x1E910] =	vst v0;
	v0 =	vld [tilespmem:$0x7210];
	_ =	sdelay $0x4  }
0x28e: {  	[tilespmem:$0x1E920] =	vst v0;
	v0 =	vld [tilespmem:$0x7220];
	_ =	sdelay $0x4  }
0x28f: {  	[tilespmem:$0x1E930] =	vst v0;
	v0 =	vld [tilespmem:$0x7230];
	_ =	sdelay $0x4  }
0x290: {  	[tilespmem:$0x1E940] =	vst v0;
	v0 =	vld [tilespmem:$0x7280];
	_ =	sdelay $0x4  }
0x291: {  	[tilespmem:$0x1E950] =	vst v0;
	v0 =	vld [tilespmem:$0x7290];
	_ =	sdelay $0x4  }
0x292: {  	[tilespmem:$0x1E960] =	vst v0;
	v0 =	vld [tilespmem:$0x72A0];
	_ =	sdelay $0x4  }
0x293: {  	[tilespmem:$0x1E970] =	vst v0;
	v0 =	vld [tilespmem:$0x72B0];
	_ =	sdelay $0x4  }
0x294: {  	[tilespmem:$0x1E980] =	vst v0;
	v0 =	vld [tilespmem:$0x7300];
	_ =	sdelay $0x4  }
0x295: {  	[tilespmem:$0x1E990] =	vst v0;
	v0 =	vld [tilespmem:$0x7310];
	_ =	sdelay $0x4  }
0x296: {  	[tilespmem:$0x1E9A0] =	vst v0;
	v0 =	vld [tilespmem:$0x7320];
	_ =	sdelay $0x4  }
0x297: {  	[tilespmem:$0x1E9B0] =	vst v0;
	v0 =	vld [tilespmem:$0x7330];
	_ =	sdelay $0x4  }
0x298: {  	[tilespmem:$0x1E9C0] =	vst v0;
	v0 =	vld [tilespmem:$0x7380];
	_ =	sdelay $0x4  }
0x299: {  	[tilespmem:$0x1E9D0] =	vst v0;
	v0 =	vld [tilespmem:$0x7390];
	_ =	sdelay $0x4  }
0x29a: {  	[tilespmem:$0x1E9E0] =	vst v0;
	v0 =	vld [tilespmem:$0x73A0];
	_ =	sdelay $0x4  }
0x29b: {  	[tilespmem:$0x1E9F0] =	vst v0;
	v0 =	vld [tilespmem:$0x73B0];
	_ =	sdelay $0x4  }
0x29c: {  	[tilespmem:$0x1EA00] =	vst v0;
	v0 =	vld [tilespmem:$0x7400];
	_ =	sdelay $0x4  }
0x29d: {  	[tilespmem:$0x1EA10] =	vst v0;
	v0 =	vld [tilespmem:$0x7410];
	_ =	sdelay $0x4  }
0x29e: {  	[tilespmem:$0x1EA20] =	vst v0;
	v0 =	vld [tilespmem:$0x7420];
	_ =	sdelay $0x4  }
0x29f: {  	[tilespmem:$0x1EA30] =	vst v0;
	v0 =	vld [tilespmem:$0x7430];
	_ =	sdelay $0x4  }
0x2a0: {  	[tilespmem:$0x1EA40] =	vst v0;
	v0 =	vld [tilespmem:$0x7480];
	_ =	sdelay $0x4  }
0x2a1: {  	[tilespmem:$0x1EA50] =	vst v0;
	v0 =	vld [tilespmem:$0x7490];
	_ =	sdelay $0x4  }
0x2a2: {  	[tilespmem:$0x1EA60] =	vst v0;
	v0 =	vld [tilespmem:$0x74A0];
	_ =	sdelay $0x4  }
0x2a3: {  	[tilespmem:$0x1EA70] =	vst v0;
	v0 =	vld [tilespmem:$0x74B0];
	_ =	sdelay $0x4  }
0x2a4: {  	[tilespmem:$0x1EA80] =	vst v0;
	v0 =	vld [tilespmem:$0x7500];
	_ =	sdelay $0x4  }
0x2a5: {  	[tilespmem:$0x1EA90] =	vst v0;
	v0 =	vld [tilespmem:$0x7510];
	_ =	sdelay $0x4  }
0x2a6: {  	[tilespmem:$0x1EAA0] =	vst v0;
	v0 =	vld [tilespmem:$0x7520];
	_ =	sdelay $0x4  }
0x2a7: {  	[tilespmem:$0x1EAB0] =	vst v0;
	v0 =	vld [tilespmem:$0x7530];
	_ =	sdelay $0x4  }
0x2a8: {  	[tilespmem:$0x1EAC0] =	vst v0;
	v0 =	vld [tilespmem:$0x7580];
	_ =	sdelay $0x4  }
0x2a9: {  	[tilespmem:$0x1EAD0] =	vst v0;
	v0 =	vld [tilespmem:$0x7590];
	_ =	sdelay $0x4  }
0x2aa: {  	[tilespmem:$0x1EAE0] =	vst v0;
	v0 =	vld [tilespmem:$0x75A0];
	_ =	sdelay $0x4  }
0x2ab: {  	[tilespmem:$0x1EAF0] =	vst v0;
	v0 =	vld [tilespmem:$0x75B0];
	_ =	sdelay $0x4  }
0x2ac: {  	[tilespmem:$0x1EB00] =	vst v0;
	v0 =	vld [tilespmem:$0x7600];
	_ =	sdelay $0x4  }
0x2ad: {  	[tilespmem:$0x1EB10] =	vst v0;
	v0 =	vld [tilespmem:$0x7610];
	_ =	sdelay $0x4  }
0x2ae: {  	[tilespmem:$0x1EB20] =	vst v0;
	v0 =	vld [tilespmem:$0x7620];
	_ =	sdelay $0x4  }
0x2af: {  	[tilespmem:$0x1EB30] =	vst v0;
	v0 =	vld [tilespmem:$0x7630];
	_ =	sdelay $0x4  }
0x2b0: {  	[tilespmem:$0x1EB40] =	vst v0;
	v0 =	vld [tilespmem:$0x7680];
	_ =	sdelay $0x4  }
0x2b1: {  	[tilespmem:$0x1EB50] =	vst v0;
	v0 =	vld [tilespmem:$0x7690];
	_ =	sdelay $0x4  }
0x2b2: {  	[tilespmem:$0x1EB60] =	vst v0;
	v0 =	vld [tilespmem:$0x76A0];
	_ =	sdelay $0x4  }
0x2b3: {  	[tilespmem:$0x1EB70] =	vst v0;
	v0 =	vld [tilespmem:$0x76B0];
	_ =	sdelay $0x4  }
0x2b4: {  	[tilespmem:$0x1EB80] =	vst v0;
	v0 =	vld [tilespmem:$0x7700];
	_ =	sdelay $0x4  }
0x2b5: {  	[tilespmem:$0x1EB90] =	vst v0;
	v0 =	vld [tilespmem:$0x7710];
	_ =	sdelay $0x4  }
0x2b6: {  	[tilespmem:$0x1EBA0] =	vst v0;
	v0 =	vld [tilespmem:$0x7720];
	_ =	sdelay $0x4  }
0x2b7: {  	[tilespmem:$0x1EBB0] =	vst v0;
	v0 =	vld [tilespmem:$0x7730];
	_ =	sdelay $0x4  }
0x2b8: {  	[tilespmem:$0x1EBC0] =	vst v0;
	v0 =	vld [tilespmem:$0x7780];
	_ =	sdelay $0x4  }
0x2b9: {  	[tilespmem:$0x1EBD0] =	vst v0;
	v0 =	vld [tilespmem:$0x7790];
	_ =	sdelay $0x4  }
0x2ba: {  	[tilespmem:$0x1EBE0] =	vst v0;
	v0 =	vld [tilespmem:$0x77A0];
	_ =	sdelay $0x4  }
0x2bb: {  	[tilespmem:$0x1EBF0] =	vst v0;
	v0 =	vld [tilespmem:$0x77B0];
	_ =	sdelay $0x4  }
0x2bc: {  	[tilespmem:$0x1EC00] =	vst v0;
	v0 =	vld [tilespmem:$0x7800];
	_ =	sdelay $0x4  }
0x2bd: {  	[tilespmem:$0x1EC10] =	vst v0;
	v0 =	vld [tilespmem:$0x7810];
	_ =	sdelay $0x4  }
0x2be: {  	[tilespmem:$0x1EC20] =	vst v0;
	v0 =	vld [tilespmem:$0x7820];
	_ =	sdelay $0x4  }
0x2bf: {  	[tilespmem:$0x1EC30] =	vst v0;
	v0 =	vld [tilespmem:$0x7830];
	_ =	sdelay $0x4  }
0x2c0: {  	[tilespmem:$0x1EC40] =	vst v0;
	v0 =	vld [tilespmem:$0x7880];
	_ =	sdelay $0x4  }
0x2c1: {  	[tilespmem:$0x1EC50] =	vst v0;
	v0 =	vld [tilespmem:$0x7890];
	_ =	sdelay $0x4  }
0x2c2: {  	[tilespmem:$0x1EC60] =	vst v0;
	v0 =	vld [tilespmem:$0x78A0];
	_ =	sdelay $0x4  }
0x2c3: {  	[tilespmem:$0x1EC70] =	vst v0;
	v0 =	vld [tilespmem:$0x78B0];
	_ =	sdelay $0x4  }
0x2c4: {  	[tilespmem:$0x1EC80] =	vst v0;
	v0 =	vld [tilespmem:$0x7900];
	_ =	sdelay $0x4  }
0x2c5: {  	[tilespmem:$0x1EC90] =	vst v0;
	v0 =	vld [tilespmem:$0x7910];
	_ =	sdelay $0x4  }
0x2c6: {  	[tilespmem:$0x1ECA0] =	vst v0;
	v0 =	vld [tilespmem:$0x7920];
	_ =	sdelay $0x4  }
0x2c7: {  	[tilespmem:$0x1ECB0] =	vst v0;
	v0 =	vld [tilespmem:$0x7930];
	_ =	sdelay $0x4  }
0x2c8: {  	[tilespmem:$0x1ECC0] =	vst v0;
	v0 =	vld [tilespmem:$0x7980];
	_ =	sdelay $0x4  }
0x2c9: {  	[tilespmem:$0x1ECD0] =	vst v0;
	v0 =	vld [tilespmem:$0x7990];
	_ =	sdelay $0x4  }
0x2ca: {  	[tilespmem:$0x1ECE0] =	vst v0;
	v0 =	vld [tilespmem:$0x79A0];
	_ =	sdelay $0x4  }
0x2cb: {  	[tilespmem:$0x1ECF0] =	vst v0;
	v0 =	vld [tilespmem:$0x79B0];
	_ =	sdelay $0x4  }
0x2cc: {  	[tilespmem:$0x1ED00] =	vst v0;
	v0 =	vld [tilespmem:$0x7A00];
	_ =	sdelay $0x4  }
0x2cd: {  	[tilespmem:$0x1ED10] =	vst v0;
	v0 =	vld [tilespmem:$0x7A10];
	_ =	sdelay $0x4  }
0x2ce: {  	[tilespmem:$0x1ED20] =	vst v0;
	v0 =	vld [tilespmem:$0x7A20];
	_ =	sdelay $0x4  }
0x2cf: {  	[tilespmem:$0x1ED30] =	vst v0;
	v0 =	vld [tilespmem:$0x7A30];
	_ =	sdelay $0x4  }
0x2d0: {  	[tilespmem:$0x1ED40] =	vst v0;
	v0 =	vld [tilespmem:$0x7A80];
	_ =	sdelay $0x4  }
0x2d1: {  	[tilespmem:$0x1ED50] =	vst v0;
	v0 =	vld [tilespmem:$0x7A90];
	_ =	sdelay $0x4  }
0x2d2: {  	[tilespmem:$0x1ED60] =	vst v0;
	v0 =	vld [tilespmem:$0x7AA0];
	_ =	sdelay $0x4  }
0x2d3: {  	[tilespmem:$0x1ED70] =	vst v0;
	v0 =	vld [tilespmem:$0x7AB0];
	_ =	sdelay $0x4  }
0x2d4: {  	[tilespmem:$0x1ED80] =	vst v0;
	v0 =	vld [tilespmem:$0x7B00];
	_ =	sdelay $0x4  }
0x2d5: {  	[tilespmem:$0x1ED90] =	vst v0;
	v0 =	vld [tilespmem:$0x7B10];
	_ =	sdelay $0x4  }
0x2d6: {  	[tilespmem:$0x1EDA0] =	vst v0;
	v0 =	vld [tilespmem:$0x7B20];
	_ =	sdelay $0x4  }
0x2d7: {  	[tilespmem:$0x1EDB0] =	vst v0;
	v0 =	vld [tilespmem:$0x7B30];
	_ =	sdelay $0x4  }
0x2d8: {  	[tilespmem:$0x1EDC0] =	vst v0;
	v0 =	vld [tilespmem:$0x7B80];
	_ =	sdelay $0x4  }
0x2d9: {  	[tilespmem:$0x1EDD0] =	vst v0;
	v0 =	vld [tilespmem:$0x7B90];
	_ =	sdelay $0x4  }
0x2da: {  	[tilespmem:$0x1EDE0] =	vst v0;
	v0 =	vld [tilespmem:$0x7BA0];
	_ =	sdelay $0x4  }
0x2db: {  	[tilespmem:$0x1EDF0] =	vst v0;
	v0 =	vld [tilespmem:$0x7BB0];
	_ =	sdelay $0x4  }
0x2dc: {  	[tilespmem:$0x1EE00] =	vst v0;
	v0 =	vld [tilespmem:$0x7C00];
	_ =	sdelay $0x4  }
0x2dd: {  	[tilespmem:$0x1EE10] =	vst v0;
	v0 =	vld [tilespmem:$0x7C10];
	_ =	sdelay $0x4  }
0x2de: {  	[tilespmem:$0x1EE20] =	vst v0;
	v0 =	vld [tilespmem:$0x7C20];
	_ =	sdelay $0x4  }
0x2df: {  	[tilespmem:$0x1EE30] =	vst v0;
	v0 =	vld [tilespmem:$0x7C30];
	_ =	sdelay $0x4  }
0x2e0: {  	[tilespmem:$0x1EE40] =	vst v0;
	v0 =	vld [tilespmem:$0x7C80];
	_ =	sdelay $0x4  }
0x2e1: {  	[tilespmem:$0x1EE50] =	vst v0;
	v0 =	vld [tilespmem:$0x7C90];
	_ =	sdelay $0x4  }
0x2e2: {  	[tilespmem:$0x1EE60] =	vst v0;
	v0 =	vld [tilespmem:$0x7CA0];
	_ =	sdelay $0x4  }
0x2e3: {  	[tilespmem:$0x1EE70] =	vst v0;
	v0 =	vld [tilespmem:$0x7CB0];
	_ =	sdelay $0x4  }
0x2e4: {  	[tilespmem:$0x1EE80] =	vst v0;
	v0 =	vld [tilespmem:$0x7D00];
	_ =	sdelay $0x4  }
0x2e5: {  	[tilespmem:$0x1EE90] =	vst v0;
	v0 =	vld [tilespmem:$0x7D10];
	_ =	sdelay $0x4  }
0x2e6: {  	[tilespmem:$0x1EEA0] =	vst v0;
	v0 =	vld [tilespmem:$0x7D20];
	_ =	sdelay $0x4  }
0x2e7: {  	[tilespmem:$0x1EEB0] =	vst v0;
	v0 =	vld [tilespmem:$0x7D30];
	_ =	sdelay $0x4  }
0x2e8: {  	[tilespmem:$0x1EEC0] =	vst v0;
	v0 =	vld [tilespmem:$0x7D80];
	_ =	sdelay $0x4  }
0x2e9: {  	[tilespmem:$0x1EED0] =	vst v0;
	v0 =	vld [tilespmem:$0x7D90];
	_ =	sdelay $0x4  }
0x2ea: {  	[tilespmem:$0x1EEE0] =	vst v0;
	v0 =	vld [tilespmem:$0x7DA0];
	_ =	sdelay $0x4  }
0x2eb: {  	[tilespmem:$0x1EEF0] =	vst v0;
	v0 =	vld [tilespmem:$0x7DB0];
	_ =	sdelay $0x4  }
0x2ec: {  	[tilespmem:$0x1EF00] =	vst v0;
	v0 =	vld [tilespmem:$0x7E00];
	_ =	sdelay $0x4  }
0x2ed: {  	[tilespmem:$0x1EF10] =	vst v0;
	v0 =	vld [tilespmem:$0x7E10]  }
0x2ee: {  	v62 =	vld [tilespmem:$0x4E20]  }
0x2ef: {  	v61 =	vld [tilespmem:$0x4E10]  }
0x2f0: {  	v60 =	vld [tilespmem:$0x4E00]  }
0x2f1: {  	v59 =	vld [tilespmem:$0x4DB0]  }
0x2f2: {  	[tilespmem:$0x1EF20] =	vst v0;
	v0 =	vld [tilespmem:$0x7E20]  }
0x2f3: {  	v58 =	vld [tilespmem:$0x4DA0]  }
0x2f4: {  	v57 =	vld [tilespmem:$0x4D90]  }
0x2f5: {  	v56 =	vld [tilespmem:$0x4D80]  }
0x2f6: {  	v55 =	vld [tilespmem:$0x4D30]  }
0x2f7: {  	[tilespmem:$0x1EF30] =	vst v0;
	v0 =	vld [tilespmem:$0x7E30]  }
0x2f8: {  	v54 =	vld [tilespmem:$0x4D20]  }
0x2f9: {  	v53 =	vld [tilespmem:$0x4D10]  }
0x2fa: {  	v52 =	vld [tilespmem:$0x4D00]  }
0x2fb: {  	v51 =	vld [tilespmem:$0x4CB0]  }
0x2fc: {  	[tilespmem:$0x1EF40] =	vst v0;
	v0 =	vld [tilespmem:$0x7E80]  }
0x2fd: {  	v50 =	vld [tilespmem:$0x4CA0]  }
0x2fe: {  	v49 =	vld [tilespmem:$0x4C90]  }
0x2ff: {  	v48 =	vld [tilespmem:$0x4C80]  }
0x300: {  	v47 =	vld [tilespmem:$0x4C30]  }
0x301: {  	[tilespmem:$0x1EF50] =	vst v0;
	v0 =	vld [tilespmem:$0x7E90]  }
0x302: {  	v46 =	vld [tilespmem:$0x4C20]  }
0x303: {  	v45 =	vld [tilespmem:$0x4C10]  }
0x304: {  	v44 =	vld [tilespmem:$0x4C00]  }
0x305: {  	v43 =	vld [tilespmem:$0x4BB0]  }
0x306: {  	[tilespmem:$0x1EF60] =	vst v0;
	v0 =	vld [tilespmem:$0x7EA0]  }
0x307: {  	v42 =	vld [tilespmem:$0x4BA0]  }
0x308: {  	v41 =	vld [tilespmem:$0x4B90]  }
0x309: {  	v40 =	vld [tilespmem:$0x4B80]  }
0x30a: {  	v39 =	vld [tilespmem:$0x4B30]  }
0x30b: {  	[tilespmem:$0x1EF70] =	vst v0;
	v0 =	vld [tilespmem:$0x7EB0]  }
0x30c: {  	v38 =	vld [tilespmem:$0x4B20]  }
0x30d: {  	v37 =	vld [tilespmem:$0x4B10]  }
0x30e: {  	v36 =	vld [tilespmem:$0x4B00]  }
0x30f: {  	v35 =	vld [tilespmem:$0x4AB0]  }
0x310: {  	[tilespmem:$0x1EF80] =	vst v0;
	v0 =	vld [tilespmem:$0x7F00]  }
0x311: {  	v34 =	vld [tilespmem:$0x4AA0]  }
0x312: {  	v33 =	vld [tilespmem:$0x4A90]  }
0x313: {  	v32 =	vld [tilespmem:$0x4A80]  }
0x314: {  	v31 =	vld [tilespmem:$0x4A30]  }
0x315: {  	[tilespmem:$0x1EF90] =	vst v0;
	v0 =	vld [tilespmem:$0x7F10]  }
0x316: {  	v30 =	vld [tilespmem:$0x4A20]  }
0x317: {  	v29 =	vld [tilespmem:$0x4A10]  }
0x318: {  	v28 =	vld [tilespmem:$0x4A00]  }
0x319: {  	v27 =	vld [tilespmem:$0x49B0]  }
0x31a: {  	[tilespmem:$0x1EFA0] =	vst v0;
	v0 =	vld [tilespmem:$0x7F20]  }
0x31b: {  	v26 =	vld [tilespmem:$0x49A0]  }
0x31c: {  	v25 =	vld [tilespmem:$0x4990]  }
0x31d: {  	v24 =	vld [tilespmem:$0x4980]  }
0x31e: {  	v23 =	vld [tilespmem:$0x4930]  }
0x31f: {  	[tilespmem:$0x1EFB0] =	vst v0;
	v0 =	vld [tilespmem:$0x7F30]  }
0x320: {  	v22 =	vld [tilespmem:$0x4920]  }
0x321: {  	v21 =	vld [tilespmem:$0x4910]  }
0x322: {  	v20 =	vld [tilespmem:$0x4900]  }
0x323: {  	v19 =	vld [tilespmem:$0x48B0]  }
0x324: {  	[tilespmem:$0x1EFC0] =	vst v0;
	v0 =	vld [tilespmem:$0x7F80]  }
0x325: {  	v18 =	vld [tilespmem:$0x48A0]  }
0x326: {  	v17 =	vld [tilespmem:$0x4890]  }
0x327: {  	v16 =	vld [tilespmem:$0x4880]  }
0x328: {  	v15 =	vld [tilespmem:$0x4830]  }
0x329: {  	[tilespmem:$0x1EFD0] =	vst v0;
	v0 =	vld [tilespmem:$0x7F90]  }
0x32a: {  	v14 =	vld [tilespmem:$0x4820]  }
0x32b: {  	v13 =	vld [tilespmem:$0x4810]  }
0x32c: {  	v12 =	vld [tilespmem:$0x4800]  }
0x32d: {  	v11 =	vld [tilespmem:$0x47B0]  }
0x32e: {  	[tilespmem:$0x1EFE0] =	vst v0;
	v0 =	vld [tilespmem:$0x7FA0]  }
0x32f: {  	v10 =	vld [tilespmem:$0x47A0]  }
0x330: {  	v9 =	vld [tilespmem:$0x4790]  }
0x331: {  	v8 =	vld [tilespmem:$0x4780]  }
0x332: {  	v7 =	vld [tilespmem:$0x4730]  }
0x333: {  	[tilespmem:$0x1EFF0] =	vst v0;
	v0 =	vld [tilespmem:$0x7FB0]  }
0x334: {  	v6 =	vld [tilespmem:$0x4720]  }
0x335: {  	v5 =	vld [tilespmem:$0x4710]  }
0x336: {  	v4 =	vld [tilespmem:$0x4700]  }
0x337: {  	v3 =	vld [tilespmem:$0x46B0]  }
0x338: {  	v2 =	vld [tilespmem:$0x46A0];
	[tilespmem:$0x1F000] =	vst v0  }
0x339: {  	v0 =	vld [tilespmem:$0x8000];
	_ =	sdelay $0x4  }
0x33a: {  	[tilespmem:$0x1F010] =	vst v0;
	v0 =	vld [tilespmem:$0x8010];
	_ =	sdelay $0x4  }
0x33b: {  	[tilespmem:$0x1F020] =	vst v0;
	v0 =	vld [tilespmem:$0x8020];
	_ =	sdelay $0x4  }
0x33c: {  	[tilespmem:$0x1F030] =	vst v0;
	v0 =	vld [tilespmem:$0x8030];
	_ =	sdelay $0x4  }
0x33d: {  	[tilespmem:$0x1F040] =	vst v0;
	v0 =	vld [tilespmem:$0x8080];
	_ =	sdelay $0x4  }
0x33e: {  	[tilespmem:$0x1F050] =	vst v0;
	v0 =	vld [tilespmem:$0x8090];
	_ =	sdelay $0x4  }
0x33f: {  	[tilespmem:$0x1F060] =	vst v0;
	v0 =	vld [tilespmem:$0x80A0];
	_ =	sdelay $0x4  }
0x340: {  	[tilespmem:$0x1F070] =	vst v0;
	v0 =	vld [tilespmem:$0x80B0];
	_ =	sdelay $0x4  }
0x341: {  	[tilespmem:$0x1F080] =	vst v0;
	v0 =	vld [tilespmem:$0x8100];
	_ =	sdelay $0x4  }
0x342: {  	[tilespmem:$0x1F090] =	vst v0;
	v0 =	vld [tilespmem:$0x8110];
	_ =	sdelay $0x4  }
0x343: {  	[tilespmem:$0x1F0A0] =	vst v0;
	v0 =	vld [tilespmem:$0x8120];
	_ =	sdelay $0x4  }
0x344: {  	[tilespmem:$0x1F0B0] =	vst v0;
	v0 =	vld [tilespmem:$0x8130];
	_ =	sdelay $0x4  }
0x345: {  	[tilespmem:$0x1F0C0] =	vst v0;
	v0 =	vld [tilespmem:$0x8180];
	_ =	sdelay $0x4  }
0x346: {  	[tilespmem:$0x1F0D0] =	vst v0;
	v0 =	vld [tilespmem:$0x8190];
	_ =	sdelay $0x4  }
0x347: {  	[tilespmem:$0x1F0E0] =	vst v0;
	v0 =	vld [tilespmem:$0x81A0];
	_ =	sdelay $0x4  }
0x348: {  	[tilespmem:$0x1F0F0] =	vst v0;
	v0 =	vld [tilespmem:$0x81B0];
	_ =	sdelay $0x4  }
0x349: {  	[tilespmem:$0x1F100] =	vst v0;
	v0 =	vld [tilespmem:$0x8200];
	_ =	sdelay $0x4  }
0x34a: {  	[tilespmem:$0x1FFF0] =	vst v0;
	v0 =	vld [tilespmem:$0x8210];
	_ =	sdelay $0x4  }
0x34b: {  	[tilespmem:$0x1FFE0] =	vst v0;
	v0 =	vld [tilespmem:$0x8220];
	_ =	sdelay $0x4  }
0x34c: {  	[tilespmem:$0x1FFD0] =	vst v0;
	v0 =	vld [tilespmem:$0x8230];
	_ =	sdelay $0x4  }
0x34d: {  	[tilespmem:$0x1FFC0] =	vst v0;
	v0 =	vld [tilespmem:$0x8280];
	_ =	sdelay $0x4  }
0x34e: {  	[tilespmem:$0x1FFB0] =	vst v0;
	v0 =	vld [tilespmem:$0x8290];
	_ =	sdelay $0x4  }
0x34f: {  	[tilespmem:$0x1FFA0] =	vst v0;
	v0 =	vld [tilespmem:$0x82A0];
	_ =	sdelay $0x4  }
0x350: {  	[tilespmem:$0x1FF90] =	vst v0;
	v0 =	vld [tilespmem:$0x82B0];
	_ =	sdelay $0x4  }
0x351: {  	[tilespmem:$0x1FF80] =	vst v0;
	v0 =	vld [tilespmem:$0x8300];
	_ =	sdelay $0x4  }
0x352: {  	[tilespmem:$0x1FF70] =	vst v0;
	v0 =	vld [tilespmem:$0x8310];
	_ =	sdelay $0x4  }
0x353: {  	[tilespmem:$0x1FF60] =	vst v0;
	v0 =	vld [tilespmem:$0x8320];
	_ =	sdelay $0x4  }
0x354: {  	[tilespmem:$0x1FF50] =	vst v0;
	v0 =	vld [tilespmem:$0x8330];
	_ =	sdelay $0x4  }
0x355: {  	[tilespmem:$0x1FF40] =	vst v0;
	v0 =	vld [tilespmem:$0x8380];
	_ =	sdelay $0x4  }
0x356: {  	[tilespmem:$0x1FF30] =	vst v0;
	v0 =	vld [tilespmem:$0x8390];
	_ =	sdelay $0x4  }
0x357: {  	[tilespmem:$0x1FF20] =	vst v0;
	v0 =	vld [tilespmem:$0x83A0];
	_ =	sdelay $0x4  }
0x358: {  	[tilespmem:$0x1FF10] =	vst v0;
	v0 =	vld [tilespmem:$0x83B0];
	_ =	sdelay $0x4  }
0x359: {  	[tilespmem:$0x1FF00] =	vst v0;
	v0 =	vld [tilespmem:$0x8400];
	_ =	sdelay $0x4  }
0x35a: {  	[tilespmem:$0x1FEF0] =	vst v0;
	v0 =	vld [tilespmem:$0x8410];
	_ =	sdelay $0x4  }
0x35b: {  	[tilespmem:$0x1FEE0] =	vst v0;
	v0 =	vld [tilespmem:$0x8420];
	_ =	sdelay $0x4  }
0x35c: {  	[tilespmem:$0x1FED0] =	vst v0;
	v0 =	vld [tilespmem:$0x8430];
	_ =	sdelay $0x4  }
0x35d: {  	[tilespmem:$0x1FEC0] =	vst v0;
	v0 =	vld [tilespmem:$0x8480];
	_ =	sdelay $0x4  }
0x35e: {  	[tilespmem:$0x1FEB0] =	vst v0;
	v0 =	vld [tilespmem:$0x8490];
	_ =	sdelay $0x4  }
0x35f: {  	[tilespmem:$0x1FEA0] =	vst v0;
	v0 =	vld [tilespmem:$0x84A0];
	_ =	sdelay $0x4  }
0x360: {  	[tilespmem:$0x1FE90] =	vst v0;
	v0 =	vld [tilespmem:$0x84B0];
	_ =	sdelay $0x4  }
0x361: {  	[tilespmem:$0x1FE80] =	vst v0;
	v0 =	vld [tilespmem:$0x9FA0];
	_ =	sdelay $0x4  }
0x362: {  	[tilespmem:$0x1F110] =	vst v0;
	v0 =	vld [tilespmem:$0x8510];
	_ =	sdelay $0x4  }
0x363: {  	[tilespmem:$0x1FE60] =	vst v0;
	v0 =	vld [tilespmem:$0x9F90];
	_ =	sdelay $0x4  }
0x364: {  	[tilespmem:$0x1F120] =	vst v0;
	v0 =	vld [tilespmem:$0x9F80];
	_ =	sdelay $0x4  }
0x365: {  	[tilespmem:$0x1F130] =	vst v0;
	v0 =	vld [tilespmem:$0x9F30];
	_ =	sdelay $0x4  }
0x366: {  	[tilespmem:$0x1F140] =	vst v0;
	v0 =	vld [tilespmem:$0x9F20];
	_ =	sdelay $0x4  }
0x367: {  	[tilespmem:$0x1F150] =	vst v0;
	v0 =	vld [tilespmem:$0x9F10];
	_ =	sdelay $0x4  }
0x368: {  	[tilespmem:$0x1F160] =	vst v0;
	v0 =	vld [tilespmem:$0x9F00];
	_ =	sdelay $0x4  }
0x369: {  	[tilespmem:$0x1F170] =	vst v0;
	v0 =	vld [tilespmem:$0x9EB0];
	_ =	sdelay $0x4  }
0x36a: {  	[tilespmem:$0x1F180] =	vst v0;
	v0 =	vld [tilespmem:$0x9EA0];
	_ =	sdelay $0x4  }
0x36b: {  	[tilespmem:$0x1F190] =	vst v0;
	v0 =	vld [tilespmem:$0x9E90];
	_ =	sdelay $0x4  }
0x36c: {  	[tilespmem:$0x1F1A0] =	vst v0;
	v0 =	vld [tilespmem:$0x9E80];
	_ =	sdelay $0x4  }
0x36d: {  	[tilespmem:$0x1F1B0] =	vst v0;
	v0 =	vld [tilespmem:$0x9E30];
	_ =	sdelay $0x4  }
0x36e: {  	[tilespmem:$0x1F1C0] =	vst v0;
	v0 =	vld [tilespmem:$0x9E20];
	_ =	sdelay $0x4  }
0x36f: {  	[tilespmem:$0x1F1D0] =	vst v0;
	v0 =	vld [tilespmem:$0x9E10];
	_ =	sdelay $0x4  }
0x370: {  	[tilespmem:$0x1F1E0] =	vst v0;
	v0 =	vld [tilespmem:$0x9E00];
	_ =	sdelay $0x4  }
0x371: {  	[tilespmem:$0x1F1F0] =	vst v0;
	v0 =	vld [tilespmem:$0x9DB0];
	_ =	sdelay $0x4  }
0x372: {  	[tilespmem:$0x1F200] =	vst v0;
	v0 =	vld [tilespmem:$0x9DA0];
	_ =	sdelay $0x4  }
0x373: {  	[tilespmem:$0x1F210] =	vst v0;
	v0 =	vld [tilespmem:$0x9D90];
	_ =	sdelay $0x4  }
0x374: {  	[tilespmem:$0x1F220] =	vst v0;
	v0 =	vld [tilespmem:$0x9D80];
	_ =	sdelay $0x4  }
0x375: {  	[tilespmem:$0x1F230] =	vst v0;
	v0 =	vld [tilespmem:$0x9D30];
	_ =	sdelay $0x4  }
0x376: {  	[tilespmem:$0x1F240] =	vst v0;
	v0 =	vld [tilespmem:$0x9D20];
	_ =	sdelay $0x4  }
0x377: {  	[tilespmem:$0x1F250] =	vst v0;
	v0 =	vld [tilespmem:$0x9D10];
	_ =	sdelay $0x4  }
0x378: {  	[tilespmem:$0x1F260] =	vst v0;
	v0 =	vld [tilespmem:$0x9D00];
	_ =	sdelay $0x4  }
0x379: {  	[tilespmem:$0x1F270] =	vst v0;
	v0 =	vld [tilespmem:$0x9CB0];
	_ =	sdelay $0x4  }
0x37a: {  	[tilespmem:$0x1F280] =	vst v0;
	v0 =	vld [tilespmem:$0x9CA0];
	_ =	sdelay $0x4  }
0x37b: {  	[tilespmem:$0x1F290] =	vst v0;
	v0 =	vld [tilespmem:$0x9C90];
	_ =	sdelay $0x4  }
0x37c: {  	[tilespmem:$0x1F2A0] =	vst v0;
	v0 =	vld [tilespmem:$0x9C80];
	_ =	sdelay $0x4  }
0x37d: {  	[tilespmem:$0x1F2B0] =	vst v0;
	v0 =	vld [tilespmem:$0x9C30];
	_ =	sdelay $0x4  }
0x37e: {  	[tilespmem:$0x1F2C0] =	vst v0;
	v0 =	vld [tilespmem:$0x9C20];
	_ =	sdelay $0x4  }
0x37f: {  	[tilespmem:$0x1F2D0] =	vst v0;
	v0 =	vld [tilespmem:$0x9C10];
	_ =	sdelay $0x4  }
0x380: {  	[tilespmem:$0x1F2E0] =	vst v0;
	v0 =	vld [tilespmem:$0x9C00];
	_ =	sdelay $0x4  }
0x381: {  	[tilespmem:$0x1F2F0] =	vst v0;
	v0 =	vld [tilespmem:$0x9BB0];
	_ =	sdelay $0x4  }
0x382: {  	[tilespmem:$0x1F300] =	vst v0;
	v0 =	vld [tilespmem:$0x9BA0];
	_ =	sdelay $0x4  }
0x383: {  	[tilespmem:$0x1F310] =	vst v0;
	v0 =	vld [tilespmem:$0x9B90];
	_ =	sdelay $0x4  }
0x384: {  	[tilespmem:$0x1F320] =	vst v0;
	v0 =	vld [tilespmem:$0x9B80];
	_ =	sdelay $0x4  }
0x385: {  	[tilespmem:$0x1F330] =	vst v0;
	v0 =	vld [tilespmem:$0x9B30];
	_ =	sdelay $0x4  }
0x386: {  	[tilespmem:$0x1F340] =	vst v0;
	v0 =	vld [tilespmem:$0x9B20];
	_ =	sdelay $0x4  }
0x387: {  	[tilespmem:$0x1F350] =	vst v0;
	v0 =	vld [tilespmem:$0x9B10];
	_ =	sdelay $0x4  }
0x388: {  	[tilespmem:$0x1F360] =	vst v0;
	v0 =	vld [tilespmem:$0x9B00];
	_ =	sdelay $0x4  }
0x389: {  	[tilespmem:$0x1F370] =	vst v0;
	v0 =	vld [tilespmem:$0x9AB0];
	_ =	sdelay $0x4  }
0x38a: {  	[tilespmem:$0x1F380] =	vst v0;
	v0 =	vld [tilespmem:$0x9AA0];
	_ =	sdelay $0x4  }
0x38b: {  	[tilespmem:$0x1F390] =	vst v0;
	v0 =	vld [tilespmem:$0x9A90];
	_ =	sdelay $0x4  }
0x38c: {  	[tilespmem:$0x1F3A0] =	vst v0;
	v0 =	vld [tilespmem:$0x9A80];
	_ =	sdelay $0x4  }
0x38d: {  	[tilespmem:$0x1F3B0] =	vst v0;
	v0 =	vld [tilespmem:$0x9A30];
	_ =	sdelay $0x4  }
0x38e: {  	[tilespmem:$0x1F3C0] =	vst v0;
	v0 =	vld [tilespmem:$0x9A20];
	_ =	sdelay $0x4  }
0x38f: {  	[tilespmem:$0x1F3D0] =	vst v0;
	v0 =	vld [tilespmem:$0x9A10];
	_ =	sdelay $0x4  }
0x390: {  	[tilespmem:$0x1F3E0] =	vst v0;
	v0 =	vld [tilespmem:$0x9A00];
	_ =	sdelay $0x4  }
0x391: {  	[tilespmem:$0x1F3F0] =	vst v0;
	v0 =	vld [tilespmem:$0x99B0];
	_ =	sdelay $0x4  }
0x392: {  	[tilespmem:$0x1F400] =	vst v0;
	v0 =	vld [tilespmem:$0x99A0];
	_ =	sdelay $0x4  }
0x393: {  	[tilespmem:$0x1F410] =	vst v0;
	v0 =	vld [tilespmem:$0x9990];
	_ =	sdelay $0x4  }
0x394: {  	[tilespmem:$0x1F420] =	vst v0;
	v0 =	vld [tilespmem:$0x9980];
	_ =	sdelay $0x4  }
0x395: {  	[tilespmem:$0x1F430] =	vst v0;
	v0 =	vld [tilespmem:$0x9930];
	_ =	sdelay $0x4  }
0x396: {  	[tilespmem:$0x1F440] =	vst v0;
	v0 =	vld [tilespmem:$0x9920];
	_ =	sdelay $0x4  }
0x397: {  	[tilespmem:$0x1F450] =	vst v0;
	v0 =	vld [tilespmem:$0x9910];
	_ =	sdelay $0x4  }
0x398: {  	[tilespmem:$0x1F460] =	vst v0;
	v0 =	vld [tilespmem:$0x9900];
	_ =	sdelay $0x4  }
0x399: {  	[tilespmem:$0x1F470] =	vst v0;
	v0 =	vld [tilespmem:$0x98B0];
	_ =	sdelay $0x4  }
0x39a: {  	[tilespmem:$0x1F480] =	vst v0;
	v0 =	vld [tilespmem:$0x98A0];
	_ =	sdelay $0x4  }
0x39b: {  	[tilespmem:$0x1F490] =	vst v0;
	v0 =	vld [tilespmem:$0x9890];
	_ =	sdelay $0x4  }
0x39c: {  	[tilespmem:$0x1F4A0] =	vst v0;
	v0 =	vld [tilespmem:$0x9880];
	_ =	sdelay $0x4  }
0x39d: {  	[tilespmem:$0x1F4B0] =	vst v0;
	v0 =	vld [tilespmem:$0x9830];
	_ =	sdelay $0x4  }
0x39e: {  	[tilespmem:$0x1F4C0] =	vst v0;
	v0 =	vld [tilespmem:$0x9820];
	_ =	sdelay $0x4  }
0x39f: {  	[tilespmem:$0x1F4D0] =	vst v0;
	v0 =	vld [tilespmem:$0x9810];
	_ =	sdelay $0x4  }
0x3a0: {  	[tilespmem:$0x1F4E0] =	vst v0;
	v0 =	vld [tilespmem:$0x9800];
	_ =	sdelay $0x4  }
0x3a1: {  	[tilespmem:$0x1F4F0] =	vst v0;
	v0 =	vld [tilespmem:$0x97B0];
	_ =	sdelay $0x4  }
0x3a2: {  	[tilespmem:$0x1F500] =	vst v0;
	v0 =	vld [tilespmem:$0x97A0];
	_ =	sdelay $0x4  }
0x3a3: {  	[tilespmem:$0x1F510] =	vst v0;
	v0 =	vld [tilespmem:$0x9790];
	_ =	sdelay $0x4  }
0x3a4: {  	[tilespmem:$0x1F520] =	vst v0;
	v0 =	vld [tilespmem:$0x9780];
	_ =	sdelay $0x4  }
0x3a5: {  	[tilespmem:$0x1F530] =	vst v0;
	v0 =	vld [tilespmem:$0x9730];
	_ =	sdelay $0x4  }
0x3a6: {  	[tilespmem:$0x1F540] =	vst v0;
	v0 =	vld [tilespmem:$0x9720];
	_ =	sdelay $0x4  }
0x3a7: {  	[tilespmem:$0x1F550] =	vst v0;
	v0 =	vld [tilespmem:$0x9710];
	_ =	sdelay $0x4  }
0x3a8: {  	[tilespmem:$0x1F560] =	vst v0;
	v0 =	vld [tilespmem:$0x9700];
	_ =	sdelay $0x4  }
0x3a9: {  	[tilespmem:$0x1F570] =	vst v0;
	v0 =	vld [tilespmem:$0x96B0];
	_ =	sdelay $0x4  }
0x3aa: {  	[tilespmem:$0x1F580] =	vst v0;
	v0 =	vld [tilespmem:$0x96A0];
	_ =	sdelay $0x4  }
0x3ab: {  	[tilespmem:$0x1F590] =	vst v0;
	v0 =	vld [tilespmem:$0x9690];
	_ =	sdelay $0x4  }
0x3ac: {  	[tilespmem:$0x1F5A0] =	vst v0;
	v0 =	vld [tilespmem:$0x9680];
	_ =	sdelay $0x4  }
0x3ad: {  	[tilespmem:$0x1F5B0] =	vst v0;
	v0 =	vld [tilespmem:$0x9630];
	_ =	sdelay $0x4  }
0x3ae: {  	[tilespmem:$0x1F5C0] =	vst v0;
	v0 =	vld [tilespmem:$0x9620];
	_ =	sdelay $0x4  }
0x3af: {  	[tilespmem:$0x1F5D0] =	vst v0;
	v0 =	vld [tilespmem:$0x9610];
	_ =	sdelay $0x4  }
0x3b0: {  	[tilespmem:$0x1F5E0] =	vst v0;
	v0 =	vld [tilespmem:$0x9600];
	_ =	sdelay $0x4  }
0x3b1: {  	[tilespmem:$0x1F5F0] =	vst v0;
	v0 =	vld [tilespmem:$0x95B0];
	_ =	sdelay $0x4  }
0x3b2: {  	[tilespmem:$0x1F600] =	vst v0;
	v0 =	vld [tilespmem:$0x95A0];
	_ =	sdelay $0x4  }
0x3b3: {  	[tilespmem:$0x1F610] =	vst v0;
	v0 =	vld [tilespmem:$0x9590];
	_ =	sdelay $0x4  }
0x3b4: {  	[tilespmem:$0x1F620] =	vst v0;
	v0 =	vld [tilespmem:$0x9580];
	_ =	sdelay $0x4  }
0x3b5: {  	[tilespmem:$0x1F630] =	vst v0;
	v0 =	vld [tilespmem:$0x9530];
	_ =	sdelay $0x4  }
0x3b6: {  	[tilespmem:$0x1F640] =	vst v0;
	v0 =	vld [tilespmem:$0x9520];
	_ =	sdelay $0x4  }
0x3b7: {  	[tilespmem:$0x1F650] =	vst v0;
	v0 =	vld [tilespmem:$0x9510];
	_ =	sdelay $0x4  }
0x3b8: {  	[tilespmem:$0x1F660] =	vst v0;
	v0 =	vld [tilespmem:$0x9500];
	_ =	sdelay $0x4  }
0x3b9: {  	[tilespmem:$0x1F670] =	vst v0;
	v0 =	vld [tilespmem:$0x94B0];
	_ =	sdelay $0x4  }
0x3ba: {  	[tilespmem:$0x1F680] =	vst v0;
	v0 =	vld [tilespmem:$0x94A0];
	_ =	sdelay $0x4  }
0x3bb: {  	[tilespmem:$0x1F690] =	vst v0;
	v0 =	vld [tilespmem:$0x9490];
	_ =	sdelay $0x4  }
0x3bc: {  	[tilespmem:$0x1F6A0] =	vst v0;
	v0 =	vld [tilespmem:$0x9480];
	_ =	sdelay $0x4  }
0x3bd: {  	[tilespmem:$0x1F6B0] =	vst v0;
	v0 =	vld [tilespmem:$0x9430];
	_ =	sdelay $0x4  }
0x3be: {  	[tilespmem:$0x1F6C0] =	vst v0;
	v0 =	vld [tilespmem:$0x9420];
	_ =	sdelay $0x4  }
0x3bf: {  	[tilespmem:$0x1F6D0] =	vst v0;
	v0 =	vld [tilespmem:$0x9410];
	_ =	sdelay $0x4  }
0x3c0: {  	[tilespmem:$0x1F6E0] =	vst v0;
	v0 =	vld [tilespmem:$0x9400];
	_ =	sdelay $0x4  }
0x3c1: {  	[tilespmem:$0x1F6F0] =	vst v0;
	v0 =	vld [tilespmem:$0x93B0];
	_ =	sdelay $0x4  }
0x3c2: {  	[tilespmem:$0x1F700] =	vst v0;
	v0 =	vld [tilespmem:$0x93A0];
	_ =	sdelay $0x4  }
0x3c3: {  	[tilespmem:$0x1F710] =	vst v0;
	v0 =	vld [tilespmem:$0x9390];
	_ =	sdelay $0x4  }
0x3c4: {  	[tilespmem:$0x1F720] =	vst v0;
	v0 =	vld [tilespmem:$0x9380];
	_ =	sdelay $0x4  }
0x3c5: {  	[tilespmem:$0x1F730] =	vst v0;
	v0 =	vld [tilespmem:$0x9330];
	_ =	sdelay $0x4  }
0x3c6: {  	[tilespmem:$0x1F740] =	vst v0;
	v0 =	vld [tilespmem:$0x9320];
	_ =	sdelay $0x4  }
0x3c7: {  	[tilespmem:$0x1F750] =	vst v0;
	v0 =	vld [tilespmem:$0x9310];
	_ =	sdelay $0x4  }
0x3c8: {  	[tilespmem:$0x1F760] =	vst v0;
	v0 =	vld [tilespmem:$0x9300];
	_ =	sdelay $0x4  }
0x3c9: {  	[tilespmem:$0x1F770] =	vst v0;
	v0 =	vld [tilespmem:$0x92B0];
	_ =	sdelay $0x4  }
0x3ca: {  	[tilespmem:$0x1F780] =	vst v0;
	v0 =	vld [tilespmem:$0x92A0];
	_ =	sdelay $0x4  }
0x3cb: {  	[tilespmem:$0x1F790] =	vst v0;
	v0 =	vld [tilespmem:$0x9290];
	_ =	sdelay $0x4  }
0x3cc: {  	[tilespmem:$0x1F7A0] =	vst v0;
	v0 =	vld [tilespmem:$0x9280];
	_ =	sdelay $0x4  }
0x3cd: {  	[tilespmem:$0x1F7B0] =	vst v0;
	v0 =	vld [tilespmem:$0x9230];
	_ =	sdelay $0x4  }
0x3ce: {  	[tilespmem:$0x1F7C0] =	vst v0;
	v0 =	vld [tilespmem:$0x9220];
	_ =	sdelay $0x4  }
0x3cf: {  	[tilespmem:$0x1F7D0] =	vst v0;
	v0 =	vld [tilespmem:$0x9210];
	_ =	sdelay $0x4  }
0x3d0: {  	[tilespmem:$0x1F7E0] =	vst v0;
	v0 =	vld [tilespmem:$0x9200];
	_ =	sdelay $0x4  }
0x3d1: {  	[tilespmem:$0x1F7F0] =	vst v0;
	v0 =	vld [tilespmem:$0x91B0];
	_ =	sdelay $0x4  }
0x3d2: {  	[tilespmem:$0x1F800] =	vst v0;
	v0 =	vld [tilespmem:$0x91A0];
	_ =	sdelay $0x4  }
0x3d3: {  	[tilespmem:$0x1F810] =	vst v0;
	v0 =	vld [tilespmem:$0x9190];
	_ =	sdelay $0x4  }
0x3d4: {  	[tilespmem:$0x1F820] =	vst v0;
	v0 =	vld [tilespmem:$0x9180];
	_ =	sdelay $0x4  }
0x3d5: {  	[tilespmem:$0x1F830] =	vst v0;
	v0 =	vld [tilespmem:$0x9130];
	_ =	sdelay $0x4  }
0x3d6: {  	[tilespmem:$0x1F840] =	vst v0;
	v0 =	vld [tilespmem:$0x9120];
	_ =	sdelay $0x4  }
0x3d7: {  	[tilespmem:$0x1F850] =	vst v0;
	v0 =	vld [tilespmem:$0x9110];
	_ =	sdelay $0x4  }
0x3d8: {  	[tilespmem:$0x1F860] =	vst v0;
	v0 =	vld [tilespmem:$0x9100];
	_ =	sdelay $0x4  }
0x3d9: {  	[tilespmem:$0x1F870] =	vst v0;
	v0 =	vld [tilespmem:$0x90B0];
	_ =	sdelay $0x4  }
0x3da: {  	[tilespmem:$0x1F880] =	vst v0;
	v0 =	vld [tilespmem:$0x90A0];
	_ =	sdelay $0x4  }
0x3db: {  	[tilespmem:$0x1F890] =	vst v0;
	v0 =	vld [tilespmem:$0x9090];
	_ =	sdelay $0x4  }
0x3dc: {  	[tilespmem:$0x1F8A0] =	vst v0;
	v0 =	vld [tilespmem:$0x9080];
	_ =	sdelay $0x4  }
0x3dd: {  	[tilespmem:$0x1F8B0] =	vst v0;
	v0 =	vld [tilespmem:$0x9030];
	_ =	sdelay $0x4  }
0x3de: {  	[tilespmem:$0x1F8C0] =	vst v0;
	v0 =	vld [tilespmem:$0x9020];
	_ =	sdelay $0x4  }
0x3df: {  	[tilespmem:$0x1F8D0] =	vst v0;
	v0 =	vld [tilespmem:$0x9010];
	_ =	sdelay $0x4  }
0x3e0: {  	[tilespmem:$0x1F8E0] =	vst v0;
	v0 =	vld [tilespmem:$0x9000];
	_ =	sdelay $0x4  }
0x3e1: {  	[tilespmem:$0x1F8F0] =	vst v0;
	v0 =	vld [tilespmem:$0x8FB0];
	_ =	sdelay $0x4  }
0x3e2: {  	[tilespmem:$0x1F900] =	vst v0;
	v0 =	vld [tilespmem:$0x8FA0];
	_ =	sdelay $0x4  }
0x3e3: {  	[tilespmem:$0x1F910] =	vst v0;
	v0 =	vld [tilespmem:$0x8F90];
	_ =	sdelay $0x4  }
0x3e4: {  	[tilespmem:$0x1F920] =	vst v0;
	v0 =	vld [tilespmem:$0x8F80];
	_ =	sdelay $0x4  }
0x3e5: {  	[tilespmem:$0x1F930] =	vst v0;
	v0 =	vld [tilespmem:$0x8F30];
	_ =	sdelay $0x4  }
0x3e6: {  	[tilespmem:$0x1F940] =	vst v0;
	v0 =	vld [tilespmem:$0x8F20];
	_ =	sdelay $0x4  }
0x3e7: {  	[tilespmem:$0x1F950] =	vst v0;
	v0 =	vld [tilespmem:$0x8F10];
	_ =	sdelay $0x4  }
0x3e8: {  	[tilespmem:$0x1F960] =	vst v0;
	v0 =	vld [tilespmem:$0x8F00];
	_ =	sdelay $0x4  }
0x3e9: {  	[tilespmem:$0x1F970] =	vst v0;
	v0 =	vld [tilespmem:$0x8EB0];
	_ =	sdelay $0x4  }
0x3ea: {  	[tilespmem:$0x1F980] =	vst v0;
	v0 =	vld [tilespmem:$0x8EA0];
	_ =	sdelay $0x4  }
0x3eb: {  	[tilespmem:$0x1F990] =	vst v0;
	v0 =	vld [tilespmem:$0x8E90];
	_ =	sdelay $0x4  }
0x3ec: {  	[tilespmem:$0x1F9A0] =	vst v0;
	v0 =	vld [tilespmem:$0x8E80];
	_ =	sdelay $0x4  }
0x3ed: {  	[tilespmem:$0x1F9B0] =	vst v0;
	v0 =	vld [tilespmem:$0x8E30];
	_ =	sdelay $0x4  }
0x3ee: {  	[tilespmem:$0x1F9C0] =	vst v0;
	v0 =	vld [tilespmem:$0x8E20];
	_ =	sdelay $0x4  }
0x3ef: {  	[tilespmem:$0x1F9D0] =	vst v0;
	v0 =	vld [tilespmem:$0x8E10];
	_ =	sdelay $0x4  }
0x3f0: {  	[tilespmem:$0x1F9E0] =	vst v0;
	v0 =	vld [tilespmem:$0x8E00];
	_ =	sdelay $0x4  }
0x3f1: {  	[tilespmem:$0x1F9F0] =	vst v0;
	v0 =	vld [tilespmem:$0x8DB0];
	_ =	sdelay $0x4  }
0x3f2: {  	[tilespmem:$0x1FA00] =	vst v0;
	v0 =	vld [tilespmem:$0x8DA0];
	_ =	sdelay $0x4  }
0x3f3: {  	[tilespmem:$0x1FA10] =	vst v0;
	v0 =	vld [tilespmem:$0x8D90];
	_ =	sdelay $0x4  }
0x3f4: {  	[tilespmem:$0x1FA20] =	vst v0;
	v0 =	vld [tilespmem:$0x8D80];
	_ =	sdelay $0x4  }
0x3f5: {  	[tilespmem:$0x1FA30] =	vst v0;
	v0 =	vld [tilespmem:$0x8D30];
	_ =	sdelay $0x4  }
0x3f6: {  	[tilespmem:$0x1FA40] =	vst v0;
	v0 =	vld [tilespmem:$0x8D20];
	_ =	sdelay $0x4  }
0x3f7: {  	[tilespmem:$0x1FA50] =	vst v0;
	v0 =	vld [tilespmem:$0x8D10];
	_ =	sdelay $0x4  }
0x3f8: {  	[tilespmem:$0x1FA60] =	vst v0;
	v0 =	vld [tilespmem:$0x8D00];
	_ =	sdelay $0x4  }
0x3f9: {  	[tilespmem:$0x1FA70] =	vst v0;
	v0 =	vld [tilespmem:$0x8CB0];
	_ =	sdelay $0x4  }
0x3fa: {  	[tilespmem:$0x1FA80] =	vst v0;
	v0 =	vld [tilespmem:$0x8CA0];
	_ =	sdelay $0x4  }
0x3fb: {  	[tilespmem:$0x1FA90] =	vst v0;
	v0 =	vld [tilespmem:$0x8C90];
	_ =	sdelay $0x4  }
0x3fc: {  	[tilespmem:$0x1FAA0] =	vst v0;
	v0 =	vld [tilespmem:$0x8C80];
	_ =	sdelay $0x4  }
0x3fd: {  	[tilespmem:$0x1FAB0] =	vst v0;
	v0 =	vld [tilespmem:$0x8C30];
	_ =	sdelay $0x4  }
0x3fe: {  	[tilespmem:$0x1FAC0] =	vst v0;
	v0 =	vld [tilespmem:$0x8C20];
	_ =	sdelay $0x4  }
0x3ff: {  	[tilespmem:$0x1FAD0] =	vst v0;
	v0 =	vld [tilespmem:$0x8C10];
	_ =	sdelay $0x4  }
0x400: {  	[tilespmem:$0x1FAE0] =	vst v0;
	v0 =	vld [tilespmem:$0x8C00];
	_ =	sdelay $0x4  }
0x401: {  	[tilespmem:$0x1FAF0] =	vst v0;
	v0 =	vld [tilespmem:$0x8BB0];
	_ =	sdelay $0x4  }
0x402: {  	[tilespmem:$0x1FB00] =	vst v0;
	v0 =	vld [tilespmem:$0x8BA0];
	_ =	sdelay $0x4  }
0x403: {  	[tilespmem:$0x1FB10] =	vst v0;
	v0 =	vld [tilespmem:$0x8B90];
	_ =	sdelay $0x4  }
0x404: {  	[tilespmem:$0x1FB20] =	vst v0;
	v0 =	vld [tilespmem:$0x8B80];
	_ =	sdelay $0x4  }
0x405: {  	[tilespmem:$0x1FB30] =	vst v0;
	v0 =	vld [tilespmem:$0x8B30];
	_ =	sdelay $0x4  }
0x406: {  	[tilespmem:$0x1FB40] =	vst v0;
	v0 =	vld [tilespmem:$0x8B20];
	_ =	sdelay $0x4  }
0x407: {  	[tilespmem:$0x1FB50] =	vst v0;
	v0 =	vld [tilespmem:$0x8B10];
	_ =	sdelay $0x4  }
0x408: {  	[tilespmem:$0x1FB60] =	vst v0;
	v0 =	vld [tilespmem:$0x8B00];
	_ =	sdelay $0x4  }
0x409: {  	[tilespmem:$0x1FB70] =	vst v0;
	v0 =	vld [tilespmem:$0x8AB0];
	_ =	sdelay $0x4  }
0x40a: {  	[tilespmem:$0x1FB80] =	vst v0;
	v0 =	vld [tilespmem:$0x8AA0];
	_ =	sdelay $0x4  }
0x40b: {  	[tilespmem:$0x1FB90] =	vst v0;
	v0 =	vld [tilespmem:$0x8A90];
	_ =	sdelay $0x4  }
0x40c: {  	[tilespmem:$0x1FBA0] =	vst v0;
	v0 =	vld [tilespmem:$0x8A80];
	_ =	sdelay $0x4  }
0x40d: {  	[tilespmem:$0x1FBB0] =	vst v0;
	v0 =	vld [tilespmem:$0x8A30];
	_ =	sdelay $0x4  }
0x40e: {  	[tilespmem:$0x1FBC0] =	vst v0;
	v0 =	vld [tilespmem:$0x8A20];
	_ =	sdelay $0x4  }
0x40f: {  	[tilespmem:$0x1FBD0] =	vst v0;
	v0 =	vld [tilespmem:$0x8A10];
	_ =	sdelay $0x4  }
0x410: {  	[tilespmem:$0x1FBE0] =	vst v0;
	v0 =	vld [tilespmem:$0x8A00];
	_ =	sdelay $0x4  }
0x411: {  	[tilespmem:$0x1FBF0] =	vst v0;
	v0 =	vld [tilespmem:$0x89B0];
	_ =	sdelay $0x4  }
0x412: {  	[tilespmem:$0x1FC00] =	vst v0;
	v0 =	vld [tilespmem:$0x89A0];
	_ =	sdelay $0x4  }
0x413: {  	[tilespmem:$0x1FC10] =	vst v0;
	v0 =	vld [tilespmem:$0x8990];
	_ =	sdelay $0x4  }
0x414: {  	[tilespmem:$0x1FC20] =	vst v0;
	v0 =	vld [tilespmem:$0x8980];
	_ =	sdelay $0x4  }
0x415: {  	[tilespmem:$0x1FC30] =	vst v0;
	v0 =	vld [tilespmem:$0x8930];
	_ =	sdelay $0x4  }
0x416: {  	[tilespmem:$0x1FC40] =	vst v0;
	v0 =	vld [tilespmem:$0x8920];
	_ =	sdelay $0x4  }
0x417: {  	[tilespmem:$0x1FC50] =	vst v0;
	v0 =	vld [tilespmem:$0x8910];
	_ =	sdelay $0x4  }
0x418: {  	[tilespmem:$0x1FC60] =	vst v0;
	v0 =	vld [tilespmem:$0x8900];
	_ =	sdelay $0x4  }
0x419: {  	[tilespmem:$0x1FC70] =	vst v0;
	v0 =	vld [tilespmem:$0x88B0];
	_ =	sdelay $0x4  }
0x41a: {  	[tilespmem:$0x1FC80] =	vst v0;
	v0 =	vld [tilespmem:$0x88A0];
	_ =	sdelay $0x4  }
0x41b: {  	[tilespmem:$0x1FC90] =	vst v0;
	v0 =	vld [tilespmem:$0x8890];
	_ =	sdelay $0x4  }
0x41c: {  	[tilespmem:$0x1FCA0] =	vst v0;
	v0 =	vld [tilespmem:$0x8880];
	_ =	sdelay $0x4  }
0x41d: {  	[tilespmem:$0x1FCB0] =	vst v0;
	v0 =	vld [tilespmem:$0x8830];
	_ =	sdelay $0x4  }
0x41e: {  	[tilespmem:$0x1FCC0] =	vst v0;
	v0 =	vld [tilespmem:$0x8820];
	_ =	sdelay $0x4  }
0x41f: {  	[tilespmem:$0x1FCD0] =	vst v0;
	v0 =	vld [tilespmem:$0x8810];
	_ =	sdelay $0x4  }
0x420: {  	[tilespmem:$0x1FCE0] =	vst v0;
	v0 =	vld [tilespmem:$0x8800];
	_ =	sdelay $0x4  }
0x421: {  	[tilespmem:$0x1FCF0] =	vst v0;
	v0 =	vld [tilespmem:$0x87B0];
	_ =	sdelay $0x4  }
0x422: {  	[tilespmem:$0x1FD00] =	vst v0;
	v0 =	vld [tilespmem:$0x87A0];
	_ =	sdelay $0x4  }
0x423: {  	[tilespmem:$0x1FD10] =	vst v0;
	v0 =	vld [tilespmem:$0x8790];
	_ =	sdelay $0x4  }
0x424: {  	[tilespmem:$0x1FD20] =	vst v0;
	v0 =	vld [tilespmem:$0x8780];
	_ =	sdelay $0x4  }
0x425: {  	[tilespmem:$0x1FD30] =	vst v0;
	v0 =	vld [tilespmem:$0x8730];
	_ =	sdelay $0x4  }
0x426: {  	[tilespmem:$0x1FD40] =	vst v0;
	v0 =	vld [tilespmem:$0x8720];
	_ =	sdelay $0x4  }
0x427: {  	[tilespmem:$0x1FD50] =	vst v0;
	v0 =	vld [tilespmem:$0x8710];
	_ =	sdelay $0x4  }
0x428: {  	[tilespmem:$0x1FD60] =	vst v0;
	v0 =	vld [tilespmem:$0x8700];
	_ =	sdelay $0x4  }
0x429: {  	[tilespmem:$0x1FD70] =	vst v0;
	v0 =	vld [tilespmem:$0x86B0];
	_ =	sdelay $0x4  }
0x42a: {  	[tilespmem:$0x1FD80] =	vst v0;
	v0 =	vld [tilespmem:$0x86A0];
	_ =	sdelay $0x4  }
0x42b: {  	[tilespmem:$0x1FD90] =	vst v0;
	v0 =	vld [tilespmem:$0x8690];
	_ =	sdelay $0x4  }
0x42c: {  	[tilespmem:$0x1FDA0] =	vst v0;
	v0 =	vld [tilespmem:$0x8680];
	_ =	sdelay $0x4  }
0x42d: {  	[tilespmem:$0x1FDB0] =	vst v0;
	v0 =	vld [tilespmem:$0x8630];
	_ =	sdelay $0x4  }
0x42e: {  	[tilespmem:$0x1FDC0] =	vst v0;
	v0 =	vld [tilespmem:$0x8620];
	_ =	sdelay $0x4  }
0x42f: {  	[tilespmem:$0x1FDD0] =	vst v0;
	v0 =	vld [tilespmem:$0x8610];
	_ =	sdelay $0x4  }
0x430: {  	[tilespmem:$0x1FDE0] =	vst v0;
	v0 =	vld [tilespmem:$0x8600];
	_ =	sdelay $0x4  }
0x431: {  	[tilespmem:$0x1FDF0] =	vst v0;
	v0 =	vld [tilespmem:$0x85B0];
	_ =	sdelay $0x4  }
0x432: {  	[tilespmem:$0x1FE00] =	vst v0;
	v0 =	vld [tilespmem:$0x85A0];
	_ =	sdelay $0x4  }
0x433: {  	[tilespmem:$0x1FE10] =	vst v0  }
0x434: {  	v0 =	vld [tilespmem:$0x8590];
	_ =	sdelay $0x4  }
0x435: {  	[tilespmem:$0x1FE20] =	vst v0;
	v0 =	vld [tilespmem:$0x8580];
	_ =	sdelay $0x4  }
0x436: {  	[tilespmem:$0x1FE30] =	vst v0;
	v0 =	vld [tilespmem:$0x8530];
	_ =	sdelay $0x4  }
0x437: {  	[tilespmem:$0x1FE40] =	vst v0;
	v0 =	vld [tilespmem:$0x8520];
	_ =	sdelay $0x4  }
0x438: {  	[tilespmem:$0x1FE50] =	vst v0;
	v0 =	vld [tilespmem:$0x8500]  }
0x439: {  	v1 =	vld [tilespmem:$0x1C3F0];
	_ =	sdelay $0x2  }
0x43a: {  	s20 =	sand.u32 $0x1, s16  }
0x43b: {  	s31 =	sshll.u32 s20, $0xE;
	[tilespmem:$0x1FE70] =	vst v0;
	v0 =	vld [tilespmem:$0x9FB0]  }
0x43c: {  	[tilespmem:s31+$0xA200] =	vst v1;
	v1 =	vld [tilespmem:$0x1C400];
	_ =	sdelay $0x4  }
0x43d: {  	[tilespmem:s31+$0xA210] =	vst v1;
	v1 =	vld [tilespmem:$0x1C410];
	_ =	sdelay $0x4  }
0x43e: {  	[tilespmem:s31+$0xA220] =	vst v1;
	v1 =	vld [tilespmem:$0x1C420];
	_ =	sdelay $0x4  }
0x43f: {  	[tilespmem:s31+$0xA230] =	vst v1;
	v1 =	vld [tilespmem:$0x1C430];
	_ =	sdelay $0x4  }
0x440: {  	[tilespmem:s31+$0xA240] =	vst v1;
	v1 =	vld [tilespmem:$0x1C440];
	_ =	sdelay $0x4  }
0x441: {  	[tilespmem:s31+$0xA250] =	vst v1;
	v1 =	vld [tilespmem:$0x1C450];
	_ =	sdelay $0x4  }
0x442: {  	[tilespmem:s31+$0xA260] =	vst v1;
	v1 =	vld [tilespmem:$0x1C460];
	_ =	sdelay $0x4  }
0x443: {  	[tilespmem:s31+$0xA270] =	vst v1;
	v1 =	vld [tilespmem:$0x1C470];
	_ =	sdelay $0x4  }
0x444: {  	[tilespmem:s31+$0xA600] =	vst v1;
	v1 =	vld [tilespmem:$0x1C480];
	_ =	sdelay $0x4  }
0x445: {  	[tilespmem:s31+$0xA610] =	vst v1;
	v1 =	vld [tilespmem:$0x1C490];
	_ =	sdelay $0x4  }
0x446: {  	[tilespmem:s31+$0xA620] =	vst v1;
	v1 =	vld [tilespmem:$0x1C4A0];
	_ =	sdelay $0x4  }
0x447: {  	[tilespmem:s31+$0xA630] =	vst v1;
	v1 =	vld [tilespmem:$0x1C4B0];
	_ =	sdelay $0x4  }
0x448: {  	[tilespmem:s31+$0xA640] =	vst v1;
	v1 =	vld [tilespmem:$0x1C4C0];
	_ =	sdelay $0x4  }
0x449: {  	[tilespmem:s31+$0xA650] =	vst v1;
	v1 =	vld [tilespmem:$0x1C4D0];
	_ =	sdelay $0x4  }
0x44a: {  	[tilespmem:s31+$0xA660] =	vst v1;
	v1 =	vld [tilespmem:$0x1C4E0];
	_ =	sdelay $0x4  }
0x44b: {  	[tilespmem:s31+$0xA670] =	vst v1;
	v1 =	vld [tilespmem:$0x1C4F0];
	_ =	sdelay $0x4  }
0x44c: {  	[tilespmem:s31+$0xAA00] =	vst v1;
	v1 =	vld [tilespmem:$0x1C500];
	_ =	sdelay $0x4  }
0x44d: {  	[tilespmem:s31+$0xAA10] =	vst v1;
	v1 =	vld [tilespmem:$0x1C510];
	_ =	sdelay $0x4  }
0x44e: {  	[tilespmem:s31+$0xAA20] =	vst v1;
	v1 =	vld [tilespmem:$0x1C520];
	_ =	sdelay $0x4  }
0x44f: {  	[tilespmem:s31+$0xAA30] =	vst v1;
	v1 =	vld [tilespmem:$0x1C530];
	_ =	sdelay $0x4  }
0x450: {  	[tilespmem:s31+$0xAA40] =	vst v1;
	v1 =	vld [tilespmem:$0x1C540];
	_ =	sdelay $0x4  }
0x451: {  	[tilespmem:s31+$0xAA50] =	vst v1;
	v1 =	vld [tilespmem:$0x1C550];
	_ =	sdelay $0x4  }
0x452: {  	[tilespmem:s31+$0xAA60] =	vst v1;
	v1 =	vld [tilespmem:$0x1C560];
	_ =	sdelay $0x4  }
0x453: {  	[tilespmem:s31+$0xAA70] =	vst v1;
	v1 =	vld [tilespmem:$0x1C570];
	_ =	sdelay $0x4  }
0x454: {  	[tilespmem:s31+$0xAE00] =	vst v1;
	v1 =	vld [tilespmem:$0x1C580];
	_ =	sdelay $0x4  }
0x455: {  	[tilespmem:s31+$0xAE10] =	vst v1;
	v1 =	vld [tilespmem:$0x1C590];
	_ =	sdelay $0x4  }
0x456: {  	[tilespmem:s31+$0xAE20] =	vst v1;
	v1 =	vld [tilespmem:$0x1C5A0];
	_ =	sdelay $0x4  }
0x457: {  	[tilespmem:s31+$0xAE30] =	vst v1;
	v1 =	vld [tilespmem:$0x1C5B0];
	_ =	sdelay $0x4  }
0x458: {  	[tilespmem:s31+$0xAE40] =	vst v1;
	v1 =	vld [tilespmem:$0x1C5C0];
	_ =	sdelay $0x4  }
0x459: {  	[tilespmem:s31+$0xAE50] =	vst v1;
	v1 =	vld [tilespmem:$0x1C5D0];
	_ =	sdelay $0x4  }
0x45a: {  	[tilespmem:s31+$0xAE60] =	vst v1;
	v1 =	vld [tilespmem:$0x1C5E0];
	_ =	sdelay $0x4  }
0x45b: {  	[tilespmem:s31+$0xAE70] =	vst v1;
	v1 =	vld [tilespmem:$0x1C5F0];
	_ =	sdelay $0x4  }
0x45c: {  	[tilespmem:s31+$0xA280] =	vst v1;
	v1 =	vld [tilespmem:$0x1C600];
	_ =	sdelay $0x4  }
0x45d: {  	[tilespmem:s31+$0xA290] =	vst v1;
	v1 =	vld [tilespmem:$0x1C610];
	_ =	sdelay $0x4  }
0x45e: {  	[tilespmem:s31+$0xA2A0] =	vst v1;
	v1 =	vld [tilespmem:$0x1C620];
	_ =	sdelay $0x4  }
0x45f: {  	[tilespmem:s31+$0xA2B0] =	vst v1;
	v1 =	vld [tilespmem:$0x1C630];
	_ =	sdelay $0x4  }
0x460: {  	[tilespmem:s31+$0xA2C0] =	vst v1;
	v1 =	vld [tilespmem:$0x1C640];
	_ =	sdelay $0x4  }
0x461: {  	[tilespmem:s31+$0xA2D0] =	vst v1;
	v1 =	vld [tilespmem:$0x1C650];
	_ =	sdelay $0x4  }
0x462: {  	[tilespmem:s31+$0xA2E0] =	vst v1;
	v1 =	vld [tilespmem:$0x1C660];
	_ =	sdelay $0x4  }
0x463: {  	[tilespmem:s31+$0xA2F0] =	vst v1;
	v1 =	vld [tilespmem:$0x1C670];
	_ =	sdelay $0x4  }
0x464: {  	[tilespmem:s31+$0xA680] =	vst v1;
	v1 =	vld [tilespmem:$0x1C680];
	_ =	sdelay $0x4  }
0x465: {  	[tilespmem:s31+$0xA690] =	vst v1;
	v1 =	vld [tilespmem:$0x1C690];
	_ =	sdelay $0x4  }
0x466: {  	[tilespmem:s31+$0xA6A0] =	vst v1;
	v1 =	vld [tilespmem:$0x1C6A0];
	_ =	sdelay $0x4  }
0x467: {  	[tilespmem:s31+$0xA6B0] =	vst v1;
	v1 =	vld [tilespmem:$0x1C6B0];
	_ =	sdelay $0x4  }
0x468: {  	[tilespmem:s31+$0xA6C0] =	vst v1;
	v1 =	vld [tilespmem:$0x1C6C0];
	_ =	sdelay $0x4  }
0x469: {  	[tilespmem:s31+$0xA6D0] =	vst v1;
	v1 =	vld [tilespmem:$0x1C6D0];
	_ =	sdelay $0x4  }
0x46a: {  	[tilespmem:s31+$0xA6E0] =	vst v1;
	v1 =	vld [tilespmem:$0x1C6E0];
	_ =	sdelay $0x4  }
0x46b: {  	[tilespmem:s31+$0xA6F0] =	vst v1;
	v1 =	vld [tilespmem:$0x1C6F0];
	_ =	sdelay $0x4  }
0x46c: {  	[tilespmem:s31+$0xAA80] =	vst v1;
	v1 =	vld [tilespmem:$0x1C700];
	_ =	sdelay $0x4  }
0x46d: {  	[tilespmem:s31+$0xAA90] =	vst v1;
	v1 =	vld [tilespmem:$0x1C710];
	_ =	sdelay $0x4  }
0x46e: {  	[tilespmem:s31+$0xAAA0] =	vst v1;
	v1 =	vld [tilespmem:$0x1C720];
	_ =	sdelay $0x4  }
0x46f: {  	[tilespmem:s31+$0xAAB0] =	vst v1;
	v1 =	vld [tilespmem:$0x1C730];
	_ =	sdelay $0x4  }
0x470: {  	[tilespmem:s31+$0xAAC0] =	vst v1;
	v1 =	vld [tilespmem:$0x1C740];
	_ =	sdelay $0x4  }
0x471: {  	[tilespmem:s31+$0xAAD0] =	vst v1;
	v1 =	vld [tilespmem:$0x1C750];
	_ =	sdelay $0x4  }
0x472: {  	[tilespmem:s31+$0xAAE0] =	vst v1;
	v1 =	vld [tilespmem:$0x1C760];
	_ =	sdelay $0x4  }
0x473: {  	[tilespmem:s31+$0xAAF0] =	vst v1;
	v1 =	vld [tilespmem:$0x1C770];
	_ =	sdelay $0x4  }
0x474: {  	[tilespmem:s31+$0xAE80] =	vst v1;
	v1 =	vld [tilespmem:$0x1C780];
	_ =	sdelay $0x4  }
0x475: {  	[tilespmem:s31+$0xAE90] =	vst v1;
	v1 =	vld [tilespmem:$0x1C790];
	_ =	sdelay $0x4  }
0x476: {  	[tilespmem:s31+$0xAEA0] =	vst v1;
	v1 =	vld [tilespmem:$0x1C7A0];
	_ =	sdelay $0x4  }
0x477: {  	[tilespmem:s31+$0xAEB0] =	vst v1;
	v1 =	vld [tilespmem:$0x1C7B0];
	_ =	sdelay $0x4  }
0x478: {  	[tilespmem:s31+$0xAEC0] =	vst v1;
	v1 =	vld [tilespmem:$0x1C7C0];
	_ =	sdelay $0x4  }
0x479: {  	[tilespmem:s31+$0xAED0] =	vst v1;
	v1 =	vld [tilespmem:$0x1C7D0];
	_ =	sdelay $0x4  }
0x47a: {  	[tilespmem:s31+$0xAEE0] =	vst v1;
	v1 =	vld [tilespmem:$0x1C7E0];
	_ =	sdelay $0x4  }
0x47b: {  	[tilespmem:s31+$0xAEF0] =	vst v1;
	v1 =	vld [tilespmem:$0x1C7F0];
	_ =	sdelay $0x4  }
0x47c: {  	[tilespmem:s31+$0xA300] =	vst v1;
	v1 =	vld [tilespmem:$0x1C800];
	_ =	sdelay $0x4  }
0x47d: {  	[tilespmem:s31+$0xA310] =	vst v1;
	v1 =	vld [tilespmem:$0x1C810];
	_ =	sdelay $0x4  }
0x47e: {  	[tilespmem:s31+$0xA320] =	vst v1;
	v1 =	vld [tilespmem:$0x1C820];
	_ =	sdelay $0x4  }
0x47f: {  	[tilespmem:s31+$0xA330] =	vst v1;
	v1 =	vld [tilespmem:$0x1C830];
	_ =	sdelay $0x4  }
0x480: {  	[tilespmem:s31+$0xA340] =	vst v1;
	v1 =	vld [tilespmem:$0x1C840];
	_ =	sdelay $0x4  }
0x481: {  	[tilespmem:s31+$0xA350] =	vst v1;
	v1 =	vld [tilespmem:$0x1C850];
	_ =	sdelay $0x4  }
0x482: {  	[tilespmem:s31+$0xA360] =	vst v1;
	v1 =	vld [tilespmem:$0x1C860];
	_ =	sdelay $0x4  }
0x483: {  	[tilespmem:s31+$0xA370] =	vst v1;
	v1 =	vld [tilespmem:$0x1C870];
	_ =	sdelay $0x4  }
0x484: {  	[tilespmem:s31+$0xA700] =	vst v1;
	v1 =	vld [tilespmem:$0x1C880];
	_ =	sdelay $0x4  }
0x485: {  	[tilespmem:s31+$0xA710] =	vst v1;
	v1 =	vld [tilespmem:$0x1C890];
	_ =	sdelay $0x4  }
0x486: {  	[tilespmem:s31+$0xA720] =	vst v1;
	v1 =	vld [tilespmem:$0x1C8A0];
	_ =	sdelay $0x4  }
0x487: {  	[tilespmem:s31+$0xA730] =	vst v1;
	v1 =	vld [tilespmem:$0x1C8B0];
	_ =	sdelay $0x4  }
0x488: {  	[tilespmem:s31+$0xA740] =	vst v1;
	v1 =	vld [tilespmem:$0x1C8C0];
	_ =	sdelay $0x4  }
0x489: {  	[tilespmem:s31+$0xA750] =	vst v1;
	v1 =	vld [tilespmem:$0x1C8D0];
	_ =	sdelay $0x4  }
0x48a: {  	[tilespmem:s31+$0xA760] =	vst v1;
	v1 =	vld [tilespmem:$0x1C8E0];
	_ =	sdelay $0x4  }
0x48b: {  	[tilespmem:s31+$0xA770] =	vst v1;
	v1 =	vld [tilespmem:$0x1C8F0];
	_ =	sdelay $0x4  }
0x48c: {  	[tilespmem:s31+$0xAB00] =	vst v1;
	v1 =	vld [tilespmem:$0x1C900];
	_ =	sdelay $0x4  }
0x48d: {  	[tilespmem:s31+$0xAB10] =	vst v1;
	v1 =	vld [tilespmem:$0x1C910];
	_ =	sdelay $0x4  }
0x48e: {  	[tilespmem:s31+$0xAB20] =	vst v1;
	v1 =	vld [tilespmem:$0x1C920];
	_ =	sdelay $0x4  }
0x48f: {  	[tilespmem:s31+$0xAB30] =	vst v1;
	v1 =	vld [tilespmem:$0x1C930];
	_ =	sdelay $0x4  }
0x490: {  	[tilespmem:s31+$0xAB40] =	vst v1;
	v1 =	vld [tilespmem:$0x1C940];
	_ =	sdelay $0x4  }
0x491: {  	[tilespmem:s31+$0xAB50] =	vst v1;
	v1 =	vld [tilespmem:$0x1C950];
	_ =	sdelay $0x4  }
0x492: {  	[tilespmem:s31+$0xAB60] =	vst v1;
	v1 =	vld [tilespmem:$0x1C960];
	_ =	sdelay $0x4  }
0x493: {  	[tilespmem:s31+$0xAB70] =	vst v1;
	v1 =	vld [tilespmem:$0x1C970];
	_ =	sdelay $0x4  }
0x494: {  	[tilespmem:s31+$0xAF00] =	vst v1;
	v1 =	vld [tilespmem:$0x1C980];
	_ =	sdelay $0x4  }
0x495: {  	[tilespmem:s31+$0xAF10] =	vst v1;
	v1 =	vld [tilespmem:$0x1C990];
	_ =	sdelay $0x4  }
0x496: {  	[tilespmem:s31+$0xAF20] =	vst v1;
	v1 =	vld [tilespmem:$0x1C9A0];
	_ =	sdelay $0x4  }
0x497: {  	[tilespmem:s31+$0xAF30] =	vst v1;
	v1 =	vld [tilespmem:$0x1C9B0];
	_ =	sdelay $0x4  }
0x498: {  	[tilespmem:s31+$0xAF40] =	vst v1;
	v1 =	vld [tilespmem:$0x1C9C0];
	_ =	sdelay $0x4  }
0x499: {  	[tilespmem:s31+$0xAF50] =	vst v1;
	v1 =	vld [tilespmem:$0x1C9D0];
	_ =	sdelay $0x4  }
0x49a: {  	[tilespmem:s31+$0xAF60] =	vst v1;
	v1 =	vld [tilespmem:$0x1C9E0];
	_ =	sdelay $0x4  }
0x49b: {  	[tilespmem:s31+$0xAF70] =	vst v1;
	v1 =	vld [tilespmem:$0x1C9F0];
	_ =	sdelay $0x4  }
0x49c: {  	[tilespmem:s31+$0xA380] =	vst v1;
	v1 =	vld [tilespmem:$0x1CA00];
	_ =	sdelay $0x4  }
0x49d: {  	[tilespmem:s31+$0xA390] =	vst v1;
	v1 =	vld [tilespmem:$0x1CA10];
	_ =	sdelay $0x4  }
0x49e: {  	[tilespmem:s31+$0xA3A0] =	vst v1;
	v1 =	vld [tilespmem:$0x1CA20];
	_ =	sdelay $0x4  }
0x49f: {  	[tilespmem:s31+$0xA3B0] =	vst v1;
	v1 =	vld [tilespmem:$0x1CA30];
	_ =	sdelay $0x4  }
0x4a0: {  	[tilespmem:s31+$0xA3C0] =	vst v1;
	v1 =	vld [tilespmem:$0x1CA40];
	_ =	sdelay $0x4  }
0x4a1: {  	[tilespmem:s31+$0xA3D0] =	vst v1;
	v1 =	vld [tilespmem:$0x1CA50];
	_ =	sdelay $0x4  }
0x4a2: {  	[tilespmem:s31+$0xA3E0] =	vst v1;
	v1 =	vld [tilespmem:$0x1CA60];
	_ =	sdelay $0x4  }
0x4a3: {  	[tilespmem:s31+$0xA3F0] =	vst v1;
	v1 =	vld [tilespmem:$0x1CA70];
	_ =	sdelay $0x4  }
0x4a4: {  	[tilespmem:s31+$0xA780] =	vst v1;
	v1 =	vld [tilespmem:$0x1CA80];
	_ =	sdelay $0x4  }
0x4a5: {  	[tilespmem:s31+$0xA790] =	vst v1;
	v1 =	vld [tilespmem:$0x1CA90];
	_ =	sdelay $0x4  }
0x4a6: {  	[tilespmem:s31+$0xA7A0] =	vst v1;
	v1 =	vld [tilespmem:$0x1CAA0];
	_ =	sdelay $0x4  }
0x4a7: {  	[tilespmem:s31+$0xA7B0] =	vst v1;
	v1 =	vld [tilespmem:$0x1CAB0];
	_ =	sdelay $0x4  }
0x4a8: {  	[tilespmem:s31+$0xA7C0] =	vst v1;
	v1 =	vld [tilespmem:$0x1CAC0];
	_ =	sdelay $0x4  }
0x4a9: {  	[tilespmem:s31+$0xA7D0] =	vst v1;
	v1 =	vld [tilespmem:$0x1CAD0];
	_ =	sdelay $0x4  }
0x4aa: {  	[tilespmem:s31+$0xA7E0] =	vst v1;
	v1 =	vld [tilespmem:$0x1CAE0];
	_ =	sdelay $0x4  }
0x4ab: {  	[tilespmem:s31+$0xA7F0] =	vst v1;
	v1 =	vld [tilespmem:$0x1CAF0];
	_ =	sdelay $0x4  }
0x4ac: {  	[tilespmem:s31+$0xAB80] =	vst v1;
	v1 =	vld [tilespmem:$0x1CB00];
	_ =	sdelay $0x4  }
0x4ad: {  	[tilespmem:s31+$0xAB90] =	vst v1;
	v1 =	vld [tilespmem:$0x1CB10];
	_ =	sdelay $0x4  }
0x4ae: {  	[tilespmem:s31+$0xABA0] =	vst v1;
	v1 =	vld [tilespmem:$0x1CB20];
	_ =	sdelay $0x4  }
0x4af: {  	[tilespmem:s31+$0xABB0] =	vst v1;
	v1 =	vld [tilespmem:$0x1CB30];
	_ =	sdelay $0x4  }
0x4b0: {  	[tilespmem:s31+$0xABC0] =	vst v1;
	v1 =	vld [tilespmem:$0x1CB40];
	_ =	sdelay $0x4  }
0x4b1: {  	[tilespmem:s31+$0xABD0] =	vst v1;
	v1 =	vld [tilespmem:$0x1CB50];
	_ =	sdelay $0x4  }
0x4b2: {  	[tilespmem:s31+$0xABE0] =	vst v1;
	v1 =	vld [tilespmem:$0x1CB60];
	_ =	sdelay $0x4  }
0x4b3: {  	[tilespmem:s31+$0xABF0] =	vst v1;
	v1 =	vld [tilespmem:$0x1CB70];
	_ =	sdelay $0x4  }
0x4b4: {  	[tilespmem:s31+$0xAF80] =	vst v1;
	v1 =	vld [tilespmem:$0x1CB80];
	_ =	sdelay $0x4  }
0x4b5: {  	[tilespmem:s31+$0xAF90] =	vst v1;
	v1 =	vld [tilespmem:$0x1CB90];
	_ =	sdelay $0x4  }
0x4b6: {  	[tilespmem:s31+$0xAFA0] =	vst v1;
	v1 =	vld [tilespmem:$0x1CBA0];
	_ =	sdelay $0x4  }
0x4b7: {  	[tilespmem:s31+$0xAFB0] =	vst v1;
	v1 =	vld [tilespmem:$0x1CBB0];
	_ =	sdelay $0x4  }
0x4b8: {  	[tilespmem:s31+$0xAFC0] =	vst v1;
	v1 =	vld [tilespmem:$0x1CBC0];
	_ =	sdelay $0x4  }
0x4b9: {  	[tilespmem:s31+$0xAFD0] =	vst v1;
	v1 =	vld [tilespmem:$0x1CBD0];
	_ =	sdelay $0x4  }
0x4ba: {  	[tilespmem:s31+$0xAFE0] =	vst v1;
	v1 =	vld [tilespmem:$0x1CBE0];
	_ =	sdelay $0x4  }
0x4bb: {  	[tilespmem:s31+$0xAFF0] =	vst v1;
	v1 =	vld [tilespmem:$0x1CBF0];
	_ =	sdelay $0x4  }
0x4bc: {  	[tilespmem:s31+$0xA400] =	vst v1;
	v1 =	vld [tilespmem:$0x1CC00];
	_ =	sdelay $0x4  }
0x4bd: {  	[tilespmem:s31+$0xA410] =	vst v1;
	v1 =	vld [tilespmem:$0x1CC10];
	_ =	sdelay $0x4  }
0x4be: {  	[tilespmem:s31+$0xA420] =	vst v1;
	v1 =	vld [tilespmem:$0x1CC20];
	_ =	sdelay $0x4  }
0x4bf: {  	[tilespmem:s31+$0xA430] =	vst v1;
	v1 =	vld [tilespmem:$0x1CC30];
	_ =	sdelay $0x4  }
0x4c0: {  	[tilespmem:s31+$0xA440] =	vst v1;
	v1 =	vld [tilespmem:$0x1CC40];
	_ =	sdelay $0x4  }
0x4c1: {  	[tilespmem:s31+$0xA450] =	vst v1;
	v1 =	vld [tilespmem:$0x1CC50];
	_ =	sdelay $0x4  }
0x4c2: {  	[tilespmem:s31+$0xA460] =	vst v1;
	v1 =	vld [tilespmem:$0x1CC60];
	_ =	sdelay $0x4  }
0x4c3: {  	[tilespmem:s31+$0xA470] =	vst v1;
	v1 =	vld [tilespmem:$0x1CC70];
	_ =	sdelay $0x4  }
0x4c4: {  	[tilespmem:s31+$0xA800] =	vst v1;
	v1 =	vld [tilespmem:$0x1CC80];
	_ =	sdelay $0x4  }
0x4c5: {  	[tilespmem:s31+$0xA810] =	vst v1;
	v1 =	vld [tilespmem:$0x1CC90];
	_ =	sdelay $0x4  }
0x4c6: {  	[tilespmem:s31+$0xA820] =	vst v1;
	v1 =	vld [tilespmem:$0x1CCA0];
	_ =	sdelay $0x4  }
0x4c7: {  	[tilespmem:s31+$0xA830] =	vst v1;
	v1 =	vld [tilespmem:$0x1CCB0];
	_ =	sdelay $0x4  }
0x4c8: {  	[tilespmem:s31+$0xA840] =	vst v1;
	v1 =	vld [tilespmem:$0x1CCC0];
	_ =	sdelay $0x4  }
0x4c9: {  	[tilespmem:s31+$0xA850] =	vst v1;
	v1 =	vld [tilespmem:$0x1CCD0];
	_ =	sdelay $0x4  }
0x4ca: {  	[tilespmem:s31+$0xA860] =	vst v1;
	v1 =	vld [tilespmem:$0x1CCE0];
	_ =	sdelay $0x4  }
0x4cb: {  	[tilespmem:s31+$0xA870] =	vst v1;
	v1 =	vld [tilespmem:$0x1CCF0];
	_ =	sdelay $0x4  }
0x4cc: {  	[tilespmem:s31+$0xAC00] =	vst v1;
	v1 =	vld [tilespmem:$0x1CD00];
	_ =	sdelay $0x4  }
0x4cd: {  	[tilespmem:s31+$0xAC10] =	vst v1;
	v1 =	vld [tilespmem:$0x1CD10];
	_ =	sdelay $0x4  }
0x4ce: {  	[tilespmem:s31+$0xAC20] =	vst v1;
	v1 =	vld [tilespmem:$0x1CD20];
	_ =	sdelay $0x4  }
0x4cf: {  	[tilespmem:s31+$0xAC30] =	vst v1;
	v1 =	vld [tilespmem:$0x1CD30];
	_ =	sdelay $0x4  }
0x4d0: {  	[tilespmem:s31+$0xAC40] =	vst v1;
	v1 =	vld [tilespmem:$0x1CD40];
	_ =	sdelay $0x4  }
0x4d1: {  	[tilespmem:s31+$0xAC50] =	vst v1;
	v1 =	vld [tilespmem:$0x1CD50];
	_ =	sdelay $0x4  }
0x4d2: {  	[tilespmem:s31+$0xAC60] =	vst v1;
	v1 =	vld [tilespmem:$0x1CD60];
	_ =	sdelay $0x4  }
0x4d3: {  	[tilespmem:s31+$0xAC70] =	vst v1;
	v1 =	vld [tilespmem:$0x1CD70];
	_ =	sdelay $0x4  }
0x4d4: {  	[tilespmem:s31+$0xB000] =	vst v1;
	v1 =	vld [tilespmem:$0x1CD80];
	_ =	sdelay $0x4  }
0x4d5: {  	[tilespmem:s31+$0xB010] =	vst v1;
	v1 =	vld [tilespmem:$0x1CD90];
	_ =	sdelay $0x4  }
0x4d6: {  	[tilespmem:s31+$0xB020] =	vst v1;
	v1 =	vld [tilespmem:$0x1CDA0];
	_ =	sdelay $0x4  }
0x4d7: {  	[tilespmem:s31+$0xB030] =	vst v1;
	v1 =	vld [tilespmem:$0x1CDB0];
	_ =	sdelay $0x4  }
0x4d8: {  	[tilespmem:s31+$0xB040] =	vst v1;
	v1 =	vld [tilespmem:$0x1CDC0];
	_ =	sdelay $0x4  }
0x4d9: {  	[tilespmem:s31+$0xB050] =	vst v1;
	v1 =	vld [tilespmem:$0x1CDD0];
	_ =	sdelay $0x4  }
0x4da: {  	[tilespmem:s31+$0xB060] =	vst v1;
	v1 =	vld [tilespmem:$0x1CDE0];
	_ =	sdelay $0x4  }
0x4db: {  	[tilespmem:s31+$0xB070] =	vst v1;
	v1 =	vld [tilespmem:$0x1CDF0];
	_ =	sdelay $0x4  }
0x4dc: {  	[tilespmem:s31+$0xA480] =	vst v1;
	v1 =	vld [tilespmem:$0x1CE00];
	_ =	sdelay $0x4  }
0x4dd: {  	[tilespmem:s31+$0xA490] =	vst v1;
	v1 =	vld [tilespmem:$0x1CE10];
	_ =	sdelay $0x4  }
0x4de: {  	[tilespmem:s31+$0xA4A0] =	vst v1;
	v1 =	vld [tilespmem:$0x1CE20];
	_ =	sdelay $0x4  }
0x4df: {  	[tilespmem:s31+$0xA4B0] =	vst v1;
	v1 =	vld [tilespmem:$0x1CE30];
	_ =	sdelay $0x4  }
0x4e0: {  	[tilespmem:s31+$0xA4C0] =	vst v1;
	v1 =	vld [tilespmem:$0x1CE40];
	_ =	sdelay $0x4  }
0x4e1: {  	[tilespmem:s31+$0xA4D0] =	vst v1;
	v1 =	vld [tilespmem:$0x1CE50];
	_ =	sdelay $0x4  }
0x4e2: {  	[tilespmem:s31+$0xA4E0] =	vst v1;
	v1 =	vld [tilespmem:$0x1CE60];
	_ =	sdelay $0x4  }
0x4e3: {  	[tilespmem:s31+$0xA4F0] =	vst v1;
	v1 =	vld [tilespmem:$0x1CE70];
	_ =	sdelay $0x4  }
0x4e4: {  	[tilespmem:s31+$0xA880] =	vst v1;
	v1 =	vld [tilespmem:$0x1CE80];
	_ =	sdelay $0x4  }
0x4e5: {  	[tilespmem:s31+$0xA890] =	vst v1;
	v1 =	vld [tilespmem:$0x1CE90];
	_ =	sdelay $0x4  }
0x4e6: {  	[tilespmem:s31+$0xA8A0] =	vst v1;
	v1 =	vld [tilespmem:$0x1CEA0];
	_ =	sdelay $0x4  }
0x4e7: {  	[tilespmem:s31+$0xA8B0] =	vst v1;
	v1 =	vld [tilespmem:$0x1CEB0];
	_ =	sdelay $0x4  }
0x4e8: {  	[tilespmem:s31+$0xA8C0] =	vst v1;
	v1 =	vld [tilespmem:$0x1CEC0];
	_ =	sdelay $0x4  }
0x4e9: {  	[tilespmem:s31+$0xA8D0] =	vst v1;
	v1 =	vld [tilespmem:$0x1CED0];
	_ =	sdelay $0x4  }
0x4ea: {  	[tilespmem:s31+$0xA8E0] =	vst v1;
	v1 =	vld [tilespmem:$0x1CEE0];
	_ =	sdelay $0x4  }
0x4eb: {  	[tilespmem:s31+$0xA8F0] =	vst v1;
	v1 =	vld [tilespmem:$0x1CEF0];
	_ =	sdelay $0x4  }
0x4ec: {  	[tilespmem:s31+$0xAC80] =	vst v1;
	v1 =	vld [tilespmem:$0x1CF00];
	_ =	sdelay $0x4  }
0x4ed: {  	[tilespmem:s31+$0xAC90] =	vst v1;
	v1 =	vld [tilespmem:$0x1CF10];
	_ =	sdelay $0x4  }
0x4ee: {  	[tilespmem:s31+$0xACA0] =	vst v1;
	v1 =	vld [tilespmem:$0x1CF20];
	_ =	sdelay $0x4  }
0x4ef: {  	[tilespmem:s31+$0xACB0] =	vst v1;
	v1 =	vld [tilespmem:$0x1CF30];
	_ =	sdelay $0x4  }
0x4f0: {  	[tilespmem:s31+$0xACC0] =	vst v1;
	v1 =	vld [tilespmem:$0x1CF40];
	_ =	sdelay $0x4  }
0x4f1: {  	[tilespmem:s31+$0xACD0] =	vst v1;
	v1 =	vld [tilespmem:$0x1CF50];
	_ =	sdelay $0x4  }
0x4f2: {  	[tilespmem:s31+$0xACE0] =	vst v1;
	v1 =	vld [tilespmem:$0x1CF60];
	_ =	sdelay $0x4  }
0x4f3: {  	[tilespmem:s31+$0xACF0] =	vst v1;
	v1 =	vld [tilespmem:$0x1CF70];
	_ =	sdelay $0x4  }
0x4f4: {  	[tilespmem:s31+$0xB080] =	vst v1;
	v1 =	vld [tilespmem:$0x1CF80];
	_ =	sdelay $0x4  }
0x4f5: {  	[tilespmem:s31+$0xB090] =	vst v1;
	v1 =	vld [tilespmem:$0x1CF90];
	_ =	sdelay $0x4  }
0x4f6: {  	[tilespmem:s31+$0xB0A0] =	vst v1;
	v1 =	vld [tilespmem:$0x1CFA0];
	_ =	sdelay $0x4  }
0x4f7: {  	[tilespmem:s31+$0xB0B0] =	vst v1;
	v1 =	vld [tilespmem:$0x1CFB0];
	_ =	sdelay $0x4  }
0x4f8: {  	[tilespmem:s31+$0xB0C0] =	vst v1;
	v1 =	vld [tilespmem:$0x1CFC0];
	_ =	sdelay $0x4  }
0x4f9: {  	[tilespmem:s31+$0xB0D0] =	vst v1;
	v1 =	vld [tilespmem:$0x1CFD0];
	_ =	sdelay $0x4  }
0x4fa: {  	[tilespmem:s31+$0xB0E0] =	vst v1;
	v1 =	vld [tilespmem:$0x1CFE0];
	_ =	sdelay $0x4  }
0x4fb: {  	[tilespmem:s31+$0xB0F0] =	vst v1;
	v1 =	vld [tilespmem:$0x1CFF0];
	_ =	sdelay $0x4  }
0x4fc: {  	[tilespmem:s31+$0xA500] =	vst v1;
	v1 =	vld [tilespmem:$0x1D000];
	_ =	sdelay $0x4  }
0x4fd: {  	[tilespmem:s31+$0xA510] =	vst v1;
	v1 =	vld [tilespmem:$0x1D010];
	_ =	sdelay $0x4  }
0x4fe: {  	[tilespmem:s31+$0xA520] =	vst v1;
	v1 =	vld [tilespmem:$0x1D020];
	_ =	sdelay $0x4  }
0x4ff: {  	[tilespmem:s31+$0xA530] =	vst v1;
	v1 =	vld [tilespmem:$0x1D030];
	_ =	sdelay $0x4  }
0x500: {  	[tilespmem:s31+$0xA540] =	vst v1;
	v1 =	vld [tilespmem:$0x1D040];
	_ =	sdelay $0x4  }
0x501: {  	[tilespmem:s31+$0xA550] =	vst v1;
	v1 =	vld [tilespmem:$0x1D050];
	_ =	sdelay $0x4  }
0x502: {  	[tilespmem:s31+$0xA560] =	vst v1;
	v1 =	vld [tilespmem:$0x1D060];
	_ =	sdelay $0x4  }
0x503: {  	[tilespmem:s31+$0xA570] =	vst v1;
	v1 =	vld [tilespmem:$0x1D070];
	_ =	sdelay $0x4  }
0x504: {  	[tilespmem:s31+$0xA900] =	vst v1;
	v1 =	vld [tilespmem:$0x1D080];
	_ =	sdelay $0x4  }
0x505: {  	[tilespmem:s31+$0xA910] =	vst v1;
	v1 =	vld [tilespmem:$0x1D090];
	_ =	sdelay $0x4  }
0x506: {  	[tilespmem:s31+$0xA920] =	vst v1;
	v1 =	vld [tilespmem:$0x1D0A0];
	_ =	sdelay $0x4  }
0x507: {  	[tilespmem:s31+$0xA930] =	vst v1;
	v1 =	vld [tilespmem:$0x1D0B0];
	_ =	sdelay $0x4  }
0x508: {  	[tilespmem:s31+$0xA940] =	vst v1;
	v1 =	vld [tilespmem:$0x1D0C0];
	_ =	sdelay $0x4  }
0x509: {  	[tilespmem:s31+$0xA950] =	vst v1;
	v1 =	vld [tilespmem:$0x1D0D0];
	_ =	sdelay $0x4  }
0x50a: {  	[tilespmem:s31+$0xA960] =	vst v1;
	v1 =	vld [tilespmem:$0x1D0E0];
	_ =	sdelay $0x4  }
0x50b: {  	[tilespmem:s31+$0xA970] =	vst v1;
	v1 =	vld [tilespmem:$0x1D0F0];
	_ =	sdelay $0x4  }
0x50c: {  	[tilespmem:s31+$0xAD00] =	vst v1;
	v1 =	vld [tilespmem:$0x1D100];
	_ =	sdelay $0x4  }
0x50d: {  	[tilespmem:s31+$0xAD10] =	vst v1;
	v1 =	vld [tilespmem:$0x1D110];
	_ =	sdelay $0x4  }
0x50e: {  	[tilespmem:s31+$0xAD20] =	vst v1;
	v1 =	vld [tilespmem:$0x1D120];
	_ =	sdelay $0x4  }
0x50f: {  	[tilespmem:s31+$0xAD30] =	vst v1;
	v1 =	vld [tilespmem:$0x1D130];
	_ =	sdelay $0x4  }
0x510: {  	[tilespmem:s31+$0xAD40] =	vst v1;
	v1 =	vld [tilespmem:$0x1D140];
	_ =	sdelay $0x4  }
0x511: {  	[tilespmem:s31+$0xAD50] =	vst v1;
	v1 =	vld [tilespmem:$0x1D150];
	_ =	sdelay $0x4  }
0x512: {  	[tilespmem:s31+$0xAD60] =	vst v1;
	v1 =	vld [tilespmem:$0x1D160];
	_ =	sdelay $0x4  }
0x513: {  	[tilespmem:s31+$0xAD70] =	vst v1;
	v1 =	vld [tilespmem:$0x1D170];
	_ =	sdelay $0x4  }
0x514: {  	[tilespmem:s31+$0xB100] =	vst v1;
	v1 =	vld [tilespmem:$0x1D180];
	_ =	sdelay $0x4  }
0x515: {  	[tilespmem:s31+$0xB110] =	vst v1;
	v1 =	vld [tilespmem:$0x1D190];
	_ =	sdelay $0x4  }
0x516: {  	[tilespmem:s31+$0xB120] =	vst v1;
	v1 =	vld [tilespmem:$0x1D1A0];
	_ =	sdelay $0x4  }
0x517: {  	[tilespmem:s31+$0xB130] =	vst v1;
	v1 =	vld [tilespmem:$0x1D1B0];
	_ =	sdelay $0x4  }
0x518: {  	[tilespmem:s31+$0xB140] =	vst v1;
	v1 =	vld [tilespmem:$0x1D1C0];
	_ =	sdelay $0x4  }
0x519: {  	[tilespmem:s31+$0xB150] =	vst v1;
	v1 =	vld [tilespmem:$0x1D1D0];
	_ =	sdelay $0x4  }
0x51a: {  	[tilespmem:s31+$0xB160] =	vst v1;
	v1 =	vld [tilespmem:$0x1D1E0];
	_ =	sdelay $0x4  }
0x51b: {  	[tilespmem:s31+$0xB170] =	vst v1;
	v1 =	vld [tilespmem:$0x1D1F0];
	_ =	sdelay $0x4  }
0x51c: {  	[tilespmem:s31+$0xA580] =	vst v1;
	v1 =	vld [tilespmem:$0x1D200];
	_ =	sdelay $0x4  }
0x51d: {  	[tilespmem:s31+$0xA590] =	vst v1;
	v1 =	vld [tilespmem:$0x1D210];
	_ =	sdelay $0x4  }
0x51e: {  	[tilespmem:s31+$0xA5A0] =	vst v1;
	v1 =	vld [tilespmem:$0x1D220];
	_ =	sdelay $0x4  }
0x51f: {  	[tilespmem:s31+$0xA5B0] =	vst v1;
	v1 =	vld [tilespmem:$0x1D230];
	_ =	sdelay $0x4  }
0x520: {  	[tilespmem:s31+$0xA5C0] =	vst v1;
	v1 =	vld [tilespmem:$0x1D240];
	_ =	sdelay $0x4  }
0x521: {  	[tilespmem:s31+$0xA5D0] =	vst v1;
	v1 =	vld [tilespmem:$0x1D250];
	_ =	sdelay $0x4  }
0x522: {  	[tilespmem:s31+$0xA5E0] =	vst v1;
	v1 =	vld [tilespmem:$0x1D260];
	_ =	sdelay $0x4  }
0x523: {  	[tilespmem:s31+$0xA5F0] =	vst v1;
	v1 =	vld [tilespmem:$0x1D270];
	_ =	sdelay $0x4  }
0x524: {  	[tilespmem:s31+$0xA980] =	vst v1;
	v1 =	vld [tilespmem:$0x1D280];
	_ =	sdelay $0x4  }
0x525: {  	[tilespmem:s31+$0xA990] =	vst v1;
	v1 =	vld [tilespmem:$0x1D290];
	_ =	sdelay $0x4  }
0x526: {  	[tilespmem:s31+$0xA9A0] =	vst v1;
	v1 =	vld [tilespmem:$0x1D2A0];
	_ =	sdelay $0x4  }
0x527: {  	[tilespmem:s31+$0xA9B0] =	vst v1;
	v1 =	vld [tilespmem:$0x1D2B0];
	_ =	sdelay $0x4  }
0x528: {  	[tilespmem:s31+$0xA9C0] =	vst v1;
	v1 =	vld [tilespmem:$0x1D2C0];
	_ =	sdelay $0x4  }
0x529: {  	[tilespmem:s31+$0xA9D0] =	vst v1;
	v1 =	vld [tilespmem:$0x1D2D0];
	_ =	sdelay $0x4  }
0x52a: {  	[tilespmem:s31+$0xA9E0] =	vst v1;
	v1 =	vld [tilespmem:$0x1D2E0];
	_ =	sdelay $0x4  }
0x52b: {  	[tilespmem:s31+$0xA9F0] =	vst v1;
	v1 =	vld [tilespmem:$0x1D2F0];
	_ =	sdelay $0x4  }
0x52c: {  	[tilespmem:s31+$0xAD80] =	vst v1;
	v1 =	vld [tilespmem:$0x1D300];
	_ =	sdelay $0x4  }
0x52d: {  	[tilespmem:s31+$0xAD90] =	vst v1;
	v1 =	vld [tilespmem:$0x1D310];
	_ =	sdelay $0x4  }
0x52e: {  	[tilespmem:s31+$0xADA0] =	vst v1;
	v1 =	vld [tilespmem:$0x1D320];
	_ =	sdelay $0x4  }
0x52f: {  	[tilespmem:s31+$0xADB0] =	vst v1;
	v1 =	vld [tilespmem:$0x1D330];
	_ =	sdelay $0x4  }
0x530: {  	[tilespmem:s31+$0xADC0] =	vst v1  }
0x531: {  	v1 =	vld [tilespmem:$0x1D340];
	_ =	sdelay $0x4  }
0x532: {  	[tilespmem:s31+$0xADD0] =	vst v1;
	v1 =	vld [tilespmem:$0x1D350];
	_ =	sdelay $0x4  }
0x533: {  	[tilespmem:s31+$0xADE0] =	vst v1;
	v1 =	vld [tilespmem:$0x1D360];
	_ =	sdelay $0x4  }
0x534: {  	[tilespmem:s31+$0xADF0] =	vst v1;
	v1 =	vld [tilespmem:$0x1D370];
	_ =	sdelay $0x4  }
0x535: {  	[tilespmem:s31+$0xB180] =	vst v1;
	v1 =	vld [tilespmem:$0x1D380];
	_ =	sdelay $0x4  }
0x536: {  	[tilespmem:s31+$0xB190] =	vst v1;
	v1 =	vld [tilespmem:$0x1D390];
	_ =	sdelay $0x4  }
0x537: {  	[tilespmem:s31+$0xB1A0] =	vst v1;
	v1 =	vld [tilespmem:$0x1D3A0];
	_ =	sdelay $0x4  }
0x538: {  	[tilespmem:s31+$0xB1B0] =	vst v1;
	v1 =	vld [tilespmem:$0x1D3B0];
	_ =	sdelay $0x4  }
0x539: {  	[tilespmem:s31+$0xB1C0] =	vst v1;
	v1 =	vld [tilespmem:$0x1D3C0];
	_ =	sdelay $0x4  }
0x53a: {  	[tilespmem:s31+$0xB1D0] =	vst v1;
	v1 =	vld [tilespmem:$0x1D3D0];
	_ =	sdelay $0x4  }
0x53b: {  	[tilespmem:s31+$0xB1E0] =	vst v1;
	v1 =	vld [tilespmem:$0x1D3E0];
	_ =	sdelay $0x4  }
0x53c: {  	[tilespmem:s31+$0xB1F0] =	vst v1;
	v1 =	vld [tilespmem:$0x1D3F0];
	_ =	sdelay $0x4  }
0x53d: {  	[tilespmem:s31+$0xB200] =	vst v1;
	v1 =	vld [tilespmem:$0x1D400];
	_ =	sdelay $0x4  }
0x53e: {  	[tilespmem:s31+$0xB210] =	vst v1;
	v1 =	vld [tilespmem:$0x1D410];
	_ =	sdelay $0x4  }
0x53f: {  	[tilespmem:s31+$0xB220] =	vst v1;
	v1 =	vld [tilespmem:$0x1D420];
	_ =	sdelay $0x4  }
0x540: {  	[tilespmem:s31+$0xB230] =	vst v1;
	v1 =	vld [tilespmem:$0x1D430];
	_ =	sdelay $0x4  }
0x541: {  	[tilespmem:s31+$0xB240] =	vst v1;
	v1 =	vld [tilespmem:$0x1D440];
	_ =	sdelay $0x4  }
0x542: {  	[tilespmem:s31+$0xB250] =	vst v1;
	v1 =	vld [tilespmem:$0x1D450];
	_ =	sdelay $0x4  }
0x543: {  	[tilespmem:s31+$0xB260] =	vst v1;
	v1 =	vld [tilespmem:$0x1D460];
	_ =	sdelay $0x4  }
0x544: {  	[tilespmem:s31+$0xB270] =	vst v1;
	v1 =	vld [tilespmem:$0x1D470];
	_ =	sdelay $0x4  }
0x545: {  	[tilespmem:s31+$0xB600] =	vst v1;
	v1 =	vld [tilespmem:$0x1D480];
	_ =	sdelay $0x4  }
0x546: {  	[tilespmem:s31+$0xB610] =	vst v1;
	v1 =	vld [tilespmem:$0x1D490];
	_ =	sdelay $0x4  }
0x547: {  	[tilespmem:s31+$0xB620] =	vst v1;
	v1 =	vld [tilespmem:$0x1D4A0];
	_ =	sdelay $0x4  }
0x548: {  	[tilespmem:s31+$0xB630] =	vst v1;
	v1 =	vld [tilespmem:$0x1D4B0];
	_ =	sdelay $0x4  }
0x549: {  	[tilespmem:s31+$0xB640] =	vst v1;
	v1 =	vld [tilespmem:$0x1D4C0];
	_ =	sdelay $0x4  }
0x54a: {  	[tilespmem:s31+$0xB650] =	vst v1;
	v1 =	vld [tilespmem:$0x1D4D0];
	_ =	sdelay $0x4  }
0x54b: {  	[tilespmem:s31+$0xB660] =	vst v1;
	v1 =	vld [tilespmem:$0x1D4E0];
	_ =	sdelay $0x4  }
0x54c: {  	[tilespmem:s31+$0xB670] =	vst v1;
	v1 =	vld [tilespmem:$0x1D4F0];
	_ =	sdelay $0x4  }
0x54d: {  	[tilespmem:s31+$0xBA00] =	vst v1;
	v1 =	vld [tilespmem:$0x1D500];
	_ =	sdelay $0x4  }
0x54e: {  	[tilespmem:s31+$0xBA10] =	vst v1;
	v1 =	vld [tilespmem:$0x1D510];
	_ =	sdelay $0x4  }
0x54f: {  	[tilespmem:s31+$0xBA20] =	vst v1;
	v1 =	vld [tilespmem:$0x1D520];
	_ =	sdelay $0x4  }
0x550: {  	[tilespmem:s31+$0xBA30] =	vst v1;
	v1 =	vld [tilespmem:$0x1D530];
	_ =	sdelay $0x4  }
0x551: {  	[tilespmem:s31+$0xBA40] =	vst v1;
	v1 =	vld [tilespmem:$0x1D540];
	_ =	sdelay $0x4  }
0x552: {  	[tilespmem:s31+$0xBA50] =	vst v1;
	v1 =	vld [tilespmem:$0x1D550];
	_ =	sdelay $0x4  }
0x553: {  	[tilespmem:s31+$0xBA60] =	vst v1;
	v1 =	vld [tilespmem:$0x1D560];
	_ =	sdelay $0x4  }
0x554: {  	[tilespmem:s31+$0xBA70] =	vst v1;
	v1 =	vld [tilespmem:$0x1D570];
	_ =	sdelay $0x4  }
0x555: {  	[tilespmem:s31+$0xBE00] =	vst v1;
	v1 =	vld [tilespmem:$0x1D580];
	_ =	sdelay $0x4  }
0x556: {  	[tilespmem:s31+$0xBE10] =	vst v1;
	v1 =	vld [tilespmem:$0x1D590];
	_ =	sdelay $0x4  }
0x557: {  	[tilespmem:s31+$0xBE20] =	vst v1;
	v1 =	vld [tilespmem:$0x1D5A0];
	_ =	sdelay $0x4  }
0x558: {  	[tilespmem:s31+$0xBE30] =	vst v1;
	v1 =	vld [tilespmem:$0x1D5B0];
	_ =	sdelay $0x4  }
0x559: {  	[tilespmem:s31+$0xC660] =	vst v1;
	v1 =	vld [tilespmem:$0x1D5C0];
	_ =	sdelay $0x4  }
0x55a: {  	[tilespmem:s31+$0xC650] =	vst v1;
	v1 =	vld [tilespmem:$0x1D5D0];
	_ =	sdelay $0x4  }
0x55b: {  	[tilespmem:s31+$0xC640] =	vst v1;
	v1 =	vld [tilespmem:$0x1D5E0];
	_ =	sdelay $0x4  }
0x55c: {  	[tilespmem:s31+$0xC630] =	vst v1;
	v1 =	vld [tilespmem:$0x1D5F0];
	_ =	sdelay $0x4  }
0x55d: {  	[tilespmem:s31+$0xC620] =	vst v1;
	v1 =	vld [tilespmem:$0x1D600];
	_ =	sdelay $0x4  }
0x55e: {  	[tilespmem:s31+$0xC610] =	vst v1;
	v1 =	vld [tilespmem:$0x1D610];
	_ =	sdelay $0x4  }
0x55f: {  	[tilespmem:s31+$0xC600] =	vst v1;
	v1 =	vld [tilespmem:$0x1D620];
	_ =	sdelay $0x4  }
0x560: {  	[tilespmem:s31+$0xC270] =	vst v1;
	v1 =	vld [tilespmem:$0x1D630];
	_ =	sdelay $0x4  }
0x561: {  	[tilespmem:s31+$0xC260] =	vst v1;
	v1 =	vld [tilespmem:$0x1D640];
	_ =	sdelay $0x4  }
0x562: {  	[tilespmem:s31+$0xC250] =	vst v1;
	v1 =	vld [tilespmem:$0x1D650];
	_ =	sdelay $0x4  }
0x563: {  	[tilespmem:s31+$0xC240] =	vst v1;
	v1 =	vld [tilespmem:$0x1D660];
	_ =	sdelay $0x4  }
0x564: {  	[tilespmem:s31+$0xC230] =	vst v1;
	v1 =	vld [tilespmem:$0x1D670];
	_ =	sdelay $0x4  }
0x565: {  	[tilespmem:s31+$0xC220] =	vst v1;
	v1 =	vld [tilespmem:$0x1D680];
	_ =	sdelay $0x4  }
0x566: {  	[tilespmem:s31+$0xC210] =	vst v1;
	v1 =	vld [tilespmem:$0x1D690];
	_ =	sdelay $0x4  }
0x567: {  	[tilespmem:s31+$0xC200] =	vst v1;
	v1 =	vld [tilespmem:$0x1D6A0];
	_ =	sdelay $0x4  }
0x568: {  	[tilespmem:s31+$0xC1F0] =	vst v1;
	v1 =	vld [tilespmem:$0x1D6B0];
	_ =	sdelay $0x4  }
0x569: {  	[tilespmem:s31+$0xC1E0] =	vst v1;
	v1 =	vld [tilespmem:$0x1D6C0];
	_ =	sdelay $0x4  }
0x56a: {  	[tilespmem:s31+$0xC1D0] =	vst v1;
	v1 =	vld [tilespmem:$0x1D6D0];
	_ =	sdelay $0x4  }
0x56b: {  	[tilespmem:s31+$0xC1C0] =	vst v1;
	v1 =	vld [tilespmem:$0x1D6E0];
	_ =	sdelay $0x4  }
0x56c: {  	[tilespmem:s31+$0xC1B0] =	vst v1;
	v1 =	vld [tilespmem:$0x1D6F0];
	_ =	sdelay $0x4  }
0x56d: {  	[tilespmem:s31+$0xC1A0] =	vst v1;
	v1 =	vld [tilespmem:$0x1D700];
	_ =	sdelay $0x4  }
0x56e: {  	[tilespmem:s31+$0xC190] =	vst v1;
	v1 =	vld [tilespmem:$0x1D710];
	_ =	sdelay $0x4  }
0x56f: {  	[tilespmem:s31+$0xC180] =	vst v1;
	v1 =	vld [tilespmem:$0x1D720];
	_ =	sdelay $0x4  }
0x570: {  	[tilespmem:s31+$0xBDF0] =	vst v1;
	v1 =	vld [tilespmem:$0x1D730];
	_ =	sdelay $0x4  }
0x571: {  	[tilespmem:s31+$0xBDE0] =	vst v1;
	v1 =	vld [tilespmem:$0x1D740];
	_ =	sdelay $0x4  }
0x572: {  	[tilespmem:s31+$0xBDD0] =	vst v1;
	v1 =	vld [tilespmem:$0x1D750];
	_ =	sdelay $0x4  }
0x573: {  	[tilespmem:s31+$0xBDC0] =	vst v1;
	v1 =	vld [tilespmem:$0x1D760];
	_ =	sdelay $0x4  }
0x574: {  	[tilespmem:s31+$0xBDB0] =	vst v1;
	v1 =	vld [tilespmem:$0x1D770];
	_ =	sdelay $0x4  }
0x575: {  	[tilespmem:s31+$0xBDA0] =	vst v1;
	v1 =	vld [tilespmem:$0x1D780];
	_ =	sdelay $0x4  }
0x576: {  	[tilespmem:s31+$0xBD90] =	vst v1;
	v1 =	vld [tilespmem:$0x1D790];
	_ =	sdelay $0x4  }
0x577: {  	[tilespmem:s31+$0xBD80] =	vst v1;
	v1 =	vld [tilespmem:$0x1D7A0];
	_ =	sdelay $0x4  }
0x578: {  	[tilespmem:s31+$0xB9F0] =	vst v1;
	v1 =	vld [tilespmem:$0x1D7B0];
	_ =	sdelay $0x4  }
0x579: {  	[tilespmem:s31+$0xB9E0] =	vst v1;
	v1 =	vld [tilespmem:$0x1D7C0];
	_ =	sdelay $0x4  }
0x57a: {  	[tilespmem:s31+$0xB9D0] =	vst v1;
	v1 =	vld [tilespmem:$0x1D7D0];
	_ =	sdelay $0x4  }
0x57b: {  	[tilespmem:s31+$0xB9C0] =	vst v1;
	v1 =	vld [tilespmem:$0x1D7E0];
	_ =	sdelay $0x4  }
0x57c: {  	[tilespmem:s31+$0xB9B0] =	vst v1;
	v1 =	vld [tilespmem:$0x1D7F0];
	_ =	sdelay $0x4  }
0x57d: {  	[tilespmem:s31+$0xB9A0] =	vst v1;
	v1 =	vld [tilespmem:$0x1D800];
	_ =	sdelay $0x4  }
0x57e: {  	[tilespmem:s31+$0xB990] =	vst v1;
	v1 =	vld [tilespmem:$0x1D810];
	_ =	sdelay $0x4  }
0x57f: {  	[tilespmem:s31+$0xB980] =	vst v1;
	v1 =	vld [tilespmem:$0x1D820];
	_ =	sdelay $0x4  }
0x580: {  	[tilespmem:s31+$0xB5F0] =	vst v1;
	v1 =	vld [tilespmem:$0x1D830];
	_ =	sdelay $0x4  }
0x581: {  	[tilespmem:s31+$0xB5E0] =	vst v1;
	v1 =	vld [tilespmem:$0x1D840];
	_ =	sdelay $0x4  }
0x582: {  	[tilespmem:s31+$0xB5D0] =	vst v1;
	v1 =	vld [tilespmem:$0x1D850];
	_ =	sdelay $0x4  }
0x583: {  	[tilespmem:s31+$0xB5C0] =	vst v1;
	v1 =	vld [tilespmem:$0x1D860];
	_ =	sdelay $0x4  }
0x584: {  	[tilespmem:s31+$0xB5B0] =	vst v1;
	v1 =	vld [tilespmem:$0x1D870];
	_ =	sdelay $0x4  }
0x585: {  	[tilespmem:s31+$0xB5A0] =	vst v1;
	v1 =	vld [tilespmem:$0x1D880];
	_ =	sdelay $0x4  }
0x586: {  	[tilespmem:s31+$0xB590] =	vst v1;
	v1 =	vld [tilespmem:$0x1D890];
	_ =	sdelay $0x4  }
0x587: {  	[tilespmem:s31+$0xB580] =	vst v1;
	v1 =	vld [tilespmem:$0x1D8A0];
	_ =	sdelay $0x4  }
0x588: {  	[tilespmem:s31+$0xC170] =	vst v1;
	v1 =	vld [tilespmem:$0x1D8B0];
	_ =	sdelay $0x4  }
0x589: {  	[tilespmem:s31+$0xC160] =	vst v1;
	v1 =	vld [tilespmem:$0x1D8C0];
	_ =	sdelay $0x4  }
0x58a: {  	[tilespmem:s31+$0xC150] =	vst v1;
	v1 =	vld [tilespmem:$0x1D8D0];
	_ =	sdelay $0x4  }
0x58b: {  	[tilespmem:s31+$0xC140] =	vst v1;
	v1 =	vld [tilespmem:$0x1D8E0];
	_ =	sdelay $0x4  }
0x58c: {  	[tilespmem:s31+$0xC130] =	vst v1;
	v1 =	vld [tilespmem:$0x1D8F0];
	_ =	sdelay $0x4  }
0x58d: {  	[tilespmem:s31+$0xC120] =	vst v1;
	v1 =	vld [tilespmem:$0x1D900];
	_ =	sdelay $0x4  }
0x58e: {  	[tilespmem:s31+$0xC110] =	vst v1;
	v1 =	vld [tilespmem:$0x1D910];
	_ =	sdelay $0x4  }
0x58f: {  	[tilespmem:s31+$0xC100] =	vst v1;
	v1 =	vld [tilespmem:$0x1D920];
	_ =	sdelay $0x4  }
0x590: {  	[tilespmem:s31+$0xBD70] =	vst v1;
	v1 =	vld [tilespmem:$0x1D930];
	_ =	sdelay $0x4  }
0x591: {  	[tilespmem:s31+$0xBD60] =	vst v1;
	v1 =	vld [tilespmem:$0x1D940];
	_ =	sdelay $0x4  }
0x592: {  	[tilespmem:s31+$0xBD50] =	vst v1;
	v1 =	vld [tilespmem:$0x1D950];
	_ =	sdelay $0x4  }
0x593: {  	[tilespmem:s31+$0xBD40] =	vst v1;
	v1 =	vld [tilespmem:$0x1D960];
	_ =	sdelay $0x4  }
0x594: {  	[tilespmem:s31+$0xBD30] =	vst v1;
	v1 =	vld [tilespmem:$0x1D970];
	_ =	sdelay $0x4  }
0x595: {  	[tilespmem:s31+$0xBD20] =	vst v1;
	v1 =	vld [tilespmem:$0x1D980];
	_ =	sdelay $0x4  }
0x596: {  	[tilespmem:s31+$0xBD10] =	vst v1;
	v1 =	vld [tilespmem:$0x1D990];
	_ =	sdelay $0x4  }
0x597: {  	[tilespmem:s31+$0xBD00] =	vst v1;
	v1 =	vld [tilespmem:$0x1D9A0];
	_ =	sdelay $0x4  }
0x598: {  	[tilespmem:s31+$0xB970] =	vst v1;
	v1 =	vld [tilespmem:$0x1D9B0];
	_ =	sdelay $0x4  }
0x599: {  	[tilespmem:s31+$0xB960] =	vst v1;
	v1 =	vld [tilespmem:$0x1D9C0];
	_ =	sdelay $0x4  }
0x59a: {  	[tilespmem:s31+$0xB950] =	vst v1;
	v1 =	vld [tilespmem:$0x1D9D0];
	_ =	sdelay $0x4  }
0x59b: {  	[tilespmem:s31+$0xB940] =	vst v1;
	v1 =	vld [tilespmem:$0x1D9E0];
	_ =	sdelay $0x4  }
0x59c: {  	[tilespmem:s31+$0xB930] =	vst v1;
	v1 =	vld [tilespmem:$0x1D9F0];
	_ =	sdelay $0x4  }
0x59d: {  	[tilespmem:s31+$0xB920] =	vst v1;
	v1 =	vld [tilespmem:$0x1DA00];
	_ =	sdelay $0x4  }
0x59e: {  	[tilespmem:s31+$0xB910] =	vst v1;
	v1 =	vld [tilespmem:$0x1DA10];
	_ =	sdelay $0x4  }
0x59f: {  	[tilespmem:s31+$0xB900] =	vst v1;
	v1 =	vld [tilespmem:$0x1DA20];
	_ =	sdelay $0x4  }
0x5a0: {  	[tilespmem:s31+$0xB570] =	vst v1;
	v1 =	vld [tilespmem:$0x1DA30];
	_ =	sdelay $0x4  }
0x5a1: {  	[tilespmem:s31+$0xB560] =	vst v1;
	v1 =	vld [tilespmem:$0x1DA40];
	_ =	sdelay $0x4  }
0x5a2: {  	[tilespmem:s31+$0xB550] =	vst v1;
	v1 =	vld [tilespmem:$0x1DA50];
	_ =	sdelay $0x4  }
0x5a3: {  	[tilespmem:s31+$0xB540] =	vst v1;
	v1 =	vld [tilespmem:$0x1DA60];
	_ =	sdelay $0x4  }
0x5a4: {  	[tilespmem:s31+$0xB530] =	vst v1;
	v1 =	vld [tilespmem:$0x1DA70];
	_ =	sdelay $0x4  }
0x5a5: {  	[tilespmem:s31+$0xB520] =	vst v1;
	v1 =	vld [tilespmem:$0x1DA80];
	_ =	sdelay $0x4  }
0x5a6: {  	[tilespmem:s31+$0xB510] =	vst v1;
	v1 =	vld [tilespmem:$0x1DA90];
	_ =	sdelay $0x4  }
0x5a7: {  	[tilespmem:s31+$0xB500] =	vst v1;
	v1 =	vld [tilespmem:$0x1DAA0];
	_ =	sdelay $0x4  }
0x5a8: {  	[tilespmem:s31+$0xC0F0] =	vst v1;
	v1 =	vld [tilespmem:$0x1DAB0];
	_ =	sdelay $0x4  }
0x5a9: {  	[tilespmem:s31+$0xC0E0] =	vst v1;
	v1 =	vld [tilespmem:$0x1DAC0];
	_ =	sdelay $0x4  }
0x5aa: {  	[tilespmem:s31+$0xC0D0] =	vst v1;
	v1 =	vld [tilespmem:$0x1DAD0];
	_ =	sdelay $0x4  }
0x5ab: {  	[tilespmem:s31+$0xC0C0] =	vst v1;
	v1 =	vld [tilespmem:$0x1DAE0];
	_ =	sdelay $0x4  }
0x5ac: {  	[tilespmem:s31+$0xC0B0] =	vst v1;
	v1 =	vld [tilespmem:$0x1DAF0];
	_ =	sdelay $0x4  }
0x5ad: {  	[tilespmem:s31+$0xC0A0] =	vst v1;
	v1 =	vld [tilespmem:$0x1DB00];
	_ =	sdelay $0x4  }
0x5ae: {  	[tilespmem:s31+$0xC090] =	vst v1;
	v1 =	vld [tilespmem:$0x1DB10];
	_ =	sdelay $0x4  }
0x5af: {  	[tilespmem:s31+$0xC080] =	vst v1;
	v1 =	vld [tilespmem:$0x1DB20];
	_ =	sdelay $0x4  }
0x5b0: {  	[tilespmem:s31+$0xBCF0] =	vst v1;
	v1 =	vld [tilespmem:$0x1DB30];
	_ =	sdelay $0x4  }
0x5b1: {  	[tilespmem:s31+$0xBCE0] =	vst v1;
	v1 =	vld [tilespmem:$0x1DB40];
	_ =	sdelay $0x4  }
0x5b2: {  	[tilespmem:s31+$0xBCD0] =	vst v1;
	v1 =	vld [tilespmem:$0x1DB50];
	_ =	sdelay $0x4  }
0x5b3: {  	[tilespmem:s31+$0xBCC0] =	vst v1;
	v1 =	vld [tilespmem:$0x1DB60];
	_ =	sdelay $0x4  }
0x5b4: {  	[tilespmem:s31+$0xBCB0] =	vst v1;
	v1 =	vld [tilespmem:$0x1DB70];
	_ =	sdelay $0x4  }
0x5b5: {  	[tilespmem:s31+$0xBCA0] =	vst v1;
	v1 =	vld [tilespmem:$0x1DB80];
	_ =	sdelay $0x4  }
0x5b6: {  	[tilespmem:s31+$0xBC90] =	vst v1;
	v1 =	vld [tilespmem:$0x1DB90];
	_ =	sdelay $0x4  }
0x5b7: {  	[tilespmem:s31+$0xBC80] =	vst v1;
	v1 =	vld [tilespmem:$0x1DBA0];
	_ =	sdelay $0x4  }
0x5b8: {  	[tilespmem:s31+$0xB8F0] =	vst v1;
	v1 =	vld [tilespmem:$0x1DBB0];
	_ =	sdelay $0x4  }
0x5b9: {  	[tilespmem:s31+$0xB8E0] =	vst v1;
	v1 =	vld [tilespmem:$0x1DBC0];
	_ =	sdelay $0x4  }
0x5ba: {  	[tilespmem:s31+$0xB8D0] =	vst v1;
	v1 =	vld [tilespmem:$0x1DBD0];
	_ =	sdelay $0x4  }
0x5bb: {  	[tilespmem:s31+$0xB8C0] =	vst v1;
	v1 =	vld [tilespmem:$0x1DBE0];
	_ =	sdelay $0x4  }
0x5bc: {  	[tilespmem:s31+$0xB8B0] =	vst v1;
	v1 =	vld [tilespmem:$0x1DBF0];
	_ =	sdelay $0x4  }
0x5bd: {  	[tilespmem:s31+$0xB8A0] =	vst v1;
	v1 =	vld [tilespmem:$0x1DC00];
	_ =	sdelay $0x4  }
0x5be: {  	[tilespmem:s31+$0xB890] =	vst v1;
	v1 =	vld [tilespmem:$0x1DC10];
	_ =	sdelay $0x4  }
0x5bf: {  	[tilespmem:s31+$0xB880] =	vst v1;
	v1 =	vld [tilespmem:$0x1DC20];
	_ =	sdelay $0x4  }
0x5c0: {  	[tilespmem:s31+$0xB4F0] =	vst v1;
	v1 =	vld [tilespmem:$0x1DC30];
	_ =	sdelay $0x4  }
0x5c1: {  	[tilespmem:s31+$0xB4E0] =	vst v1;
	v1 =	vld [tilespmem:$0x1DC40];
	_ =	sdelay $0x4  }
0x5c2: {  	[tilespmem:s31+$0xB4D0] =	vst v1;
	v1 =	vld [tilespmem:$0x1DC50];
	_ =	sdelay $0x4  }
0x5c3: {  	[tilespmem:s31+$0xB4C0] =	vst v1;
	v1 =	vld [tilespmem:$0x1DC60];
	_ =	sdelay $0x4  }
0x5c4: {  	[tilespmem:s31+$0xB4B0] =	vst v1;
	v1 =	vld [tilespmem:$0x1DC70];
	_ =	sdelay $0x4  }
0x5c5: {  	[tilespmem:s31+$0xB4A0] =	vst v1;
	v1 =	vld [tilespmem:$0x1DC80];
	_ =	sdelay $0x4  }
0x5c6: {  	[tilespmem:s31+$0xB490] =	vst v1;
	v1 =	vld [tilespmem:$0x1DC90];
	_ =	sdelay $0x4  }
0x5c7: {  	[tilespmem:s31+$0xB480] =	vst v1;
	v1 =	vld [tilespmem:$0x1DCA0];
	_ =	sdelay $0x4  }
0x5c8: {  	[tilespmem:s31+$0xC070] =	vst v1;
	v1 =	vld [tilespmem:$0x1DCB0];
	_ =	sdelay $0x4  }
0x5c9: {  	[tilespmem:s31+$0xC060] =	vst v1;
	v1 =	vld [tilespmem:$0x1DCC0];
	_ =	sdelay $0x4  }
0x5ca: {  	[tilespmem:s31+$0xC050] =	vst v1;
	v1 =	vld [tilespmem:$0x1DCD0];
	_ =	sdelay $0x4  }
0x5cb: {  	[tilespmem:s31+$0xC040] =	vst v1;
	v1 =	vld [tilespmem:$0x1DCE0];
	_ =	sdelay $0x4  }
0x5cc: {  	[tilespmem:s31+$0xC030] =	vst v1;
	v1 =	vld [tilespmem:$0x1DCF0];
	_ =	sdelay $0x4  }
0x5cd: {  	[tilespmem:s31+$0xC020] =	vst v1;
	v1 =	vld [tilespmem:$0x1DD00];
	_ =	sdelay $0x4  }
0x5ce: {  	[tilespmem:s31+$0xC010] =	vst v1;
	v1 =	vld [tilespmem:$0x1DD10];
	_ =	sdelay $0x4  }
0x5cf: {  	[tilespmem:s31+$0xC000] =	vst v1;
	v1 =	vld [tilespmem:$0x1DD20];
	_ =	sdelay $0x4  }
0x5d0: {  	[tilespmem:s31+$0xBC70] =	vst v1;
	v1 =	vld [tilespmem:$0x1DD30];
	_ =	sdelay $0x4  }
0x5d1: {  	[tilespmem:s31+$0xBC60] =	vst v1;
	v1 =	vld [tilespmem:$0x1DD40];
	_ =	sdelay $0x4  }
0x5d2: {  	[tilespmem:s31+$0xBC50] =	vst v1;
	v1 =	vld [tilespmem:$0x1DD50];
	_ =	sdelay $0x4  }
0x5d3: {  	[tilespmem:s31+$0xBC40] =	vst v1;
	v1 =	vld [tilespmem:$0x1DD60];
	_ =	sdelay $0x4  }
0x5d4: {  	[tilespmem:s31+$0xBC30] =	vst v1;
	v1 =	vld [tilespmem:$0x1DD70];
	_ =	sdelay $0x4  }
0x5d5: {  	[tilespmem:s31+$0xBC20] =	vst v1;
	v1 =	vld [tilespmem:$0x1DD80];
	_ =	sdelay $0x4  }
0x5d6: {  	[tilespmem:s31+$0xBC10] =	vst v1;
	v1 =	vld [tilespmem:$0x1DD90];
	_ =	sdelay $0x4  }
0x5d7: {  	[tilespmem:s31+$0xBC00] =	vst v1;
	v1 =	vld [tilespmem:$0x1DDA0];
	_ =	sdelay $0x4  }
0x5d8: {  	[tilespmem:s31+$0xB870] =	vst v1;
	v1 =	vld [tilespmem:$0x1DDB0];
	_ =	sdelay $0x4  }
0x5d9: {  	[tilespmem:s31+$0xB860] =	vst v1;
	v1 =	vld [tilespmem:$0x1DDC0];
	_ =	sdelay $0x4  }
0x5da: {  	[tilespmem:s31+$0xB850] =	vst v1;
	v1 =	vld [tilespmem:$0x1DDD0];
	_ =	sdelay $0x4  }
0x5db: {  	[tilespmem:s31+$0xB840] =	vst v1;
	v1 =	vld [tilespmem:$0x1DDE0];
	_ =	sdelay $0x4  }
0x5dc: {  	[tilespmem:s31+$0xB830] =	vst v1;
	v1 =	vld [tilespmem:$0x1DDF0];
	_ =	sdelay $0x4  }
0x5dd: {  	[tilespmem:s31+$0xB820] =	vst v1;
	v1 =	vld [tilespmem:$0x1DE00];
	_ =	sdelay $0x2  }
0x5de: {  	[tilespmem:s31+$0xBBB0] =	vst v63  }
0x5df: {  	[tilespmem:s31+$0xBBA0] =	vst v62  }
0x5e0: {  	[tilespmem:s31+$0xB810] =	vst v1;
	v1 =	vld [tilespmem:$0x1DE10]  }
0x5e1: {  	[tilespmem:s31+$0xBB90] =	vst v61  }
0x5e2: {  	[tilespmem:s31+$0xBB80] =	vst v60  }
0x5e3: {  	[tilespmem:s31+$0xB7F0] =	vst v59  }
0x5e4: {  	[tilespmem:s31+$0xB7E0] =	vst v58  }
0x5e5: {  	[tilespmem:s31+$0xB800] =	vst v1;
	v1 =	vld [tilespmem:$0x1DE20]  }
0x5e6: {  	[tilespmem:s31+$0xB7D0] =	vst v57  }
0x5e7: {  	[tilespmem:s31+$0xB7C0] =	vst v56  }
0x5e8: {  	[tilespmem:s31+$0xB7B0] =	vst v55  }
0x5e9: {  	[tilespmem:s31+$0xB7A0] =	vst v54  }
0x5ea: {  	[tilespmem:s31+$0xB470] =	vst v1;
	v1 =	vld [tilespmem:$0x1DE30]  }
0x5eb: {  	[tilespmem:s31+$0xB790] =	vst v53  }
0x5ec: {  	[tilespmem:s31+$0xB780] =	vst v52  }
0x5ed: {  	[tilespmem:s31+$0xB3F0] =	vst v51  }
0x5ee: {  	[tilespmem:s31+$0xB3E0] =	vst v50  }
0x5ef: {  	[tilespmem:s31+$0xB460] =	vst v1;
	v1 =	vld [tilespmem:$0x1DE40]  }
0x5f0: {  	[tilespmem:s31+$0xB3D0] =	vst v49  }
0x5f1: {  	[tilespmem:s31+$0xB3C0] =	vst v48  }
0x5f2: {  	[tilespmem:s31+$0xB3B0] =	vst v47  }
0x5f3: {  	[tilespmem:s31+$0xB3A0] =	vst v46  }
0x5f4: {  	[tilespmem:s31+$0xB450] =	vst v1;
	v1 =	vld [tilespmem:$0x1DE50]  }
0x5f5: {  	[tilespmem:s31+$0xB390] =	vst v45  }
0x5f6: {  	[tilespmem:s31+$0xB380] =	vst v44  }
0x5f7: {  	[tilespmem:s31+$0xBF70] =	vst v43  }
0x5f8: {  	[tilespmem:s31+$0xBF60] =	vst v42  }
0x5f9: {  	[tilespmem:s31+$0xB440] =	vst v1;
	v1 =	vld [tilespmem:$0x1DE60]  }
0x5fa: {  	[tilespmem:s31+$0xBF50] =	vst v41  }
0x5fb: {  	[tilespmem:s31+$0xBF40] =	vst v40  }
0x5fc: {  	[tilespmem:s31+$0xBF30] =	vst v39  }
0x5fd: {  	[tilespmem:s31+$0xBF20] =	vst v38  }
0x5fe: {  	[tilespmem:s31+$0xB430] =	vst v1;
	v1 =	vld [tilespmem:$0x1DE70]  }
0x5ff: {  	[tilespmem:s31+$0xBF10] =	vst v37  }
0x600: {  	[tilespmem:s31+$0xBF00] =	vst v36  }
0x601: {  	[tilespmem:s31+$0xBB70] =	vst v35  }
0x602: {  	[tilespmem:s31+$0xBB60] =	vst v34  }
0x603: {  	[tilespmem:s31+$0xB420] =	vst v1;
	v1 =	vld [tilespmem:$0x1DE80]  }
0x604: {  	[tilespmem:s31+$0xBB50] =	vst v33  }
0x605: {  	[tilespmem:s31+$0xBB40] =	vst v32  }
0x606: {  	[tilespmem:s31+$0xBB30] =	vst v31  }
0x607: {  	[tilespmem:s31+$0xBB20] =	vst v30  }
0x608: {  	[tilespmem:s31+$0xB410] =	vst v1;
	v1 =	vld [tilespmem:$0x1DE90]  }
0x609: {  	[tilespmem:s31+$0xBB10] =	vst v29  }
0x60a: {  	[tilespmem:s31+$0xBB00] =	vst v28  }
0x60b: {  	[tilespmem:s31+$0xB770] =	vst v27  }
0x60c: {  	[tilespmem:s31+$0xB760] =	vst v26  }
0x60d: {  	[tilespmem:s31+$0xB400] =	vst v1;
	v1 =	vld [tilespmem:$0x1DEA0]  }
0x60e: {  	[tilespmem:s31+$0xB750] =	vst v25  }
0x60f: {  	[tilespmem:s31+$0xB740] =	vst v24  }
0x610: {  	[tilespmem:s31+$0xB730] =	vst v23  }
0x611: {  	[tilespmem:s31+$0xB720] =	vst v22  }
0x612: {  	[tilespmem:s31+$0xBFF0] =	vst v1;
	v1 =	vld [tilespmem:$0x1DEB0]  }
0x613: {  	[tilespmem:s31+$0xB710] =	vst v21  }
0x614: {  	[tilespmem:s31+$0xB700] =	vst v20  }
0x615: {  	[tilespmem:s31+$0xB370] =	vst v19  }
0x616: {  	[tilespmem:s31+$0xB360] =	vst v18  }
0x617: {  	[tilespmem:s31+$0xBFE0] =	vst v1;
	v1 =	vld [tilespmem:$0x1DEC0]  }
0x618: {  	[tilespmem:s31+$0xB350] =	vst v17  }
0x619: {  	[tilespmem:s31+$0xB340] =	vst v16  }
0x61a: {  	[tilespmem:s31+$0xB330] =	vst v15  }
0x61b: {  	[tilespmem:s31+$0xB320] =	vst v14  }
0x61c: {  	[tilespmem:s31+$0xBFD0] =	vst v1;
	v1 =	vld [tilespmem:$0x1DED0]  }
0x61d: {  	[tilespmem:s31+$0xB310] =	vst v13  }
0x61e: {  	[tilespmem:s31+$0xB300] =	vst v12  }
0x61f: {  	[tilespmem:s31+$0xBEF0] =	vst v11  }
0x620: {  	[tilespmem:s31+$0xBEE0] =	vst v10  }
0x621: {  	[tilespmem:s31+$0xBFC0] =	vst v1;
	v1 =	vld [tilespmem:$0x1DEE0]  }
0x622: {  	[tilespmem:s31+$0xBED0] =	vst v9  }
0x623: {  	[tilespmem:s31+$0xBEC0] =	vst v8  }
0x624: {  	[tilespmem:s31+$0xBEB0] =	vst v7  }
0x625: {  	[tilespmem:s31+$0xBEA0] =	vst v6  }
0x626: {  	[tilespmem:s31+$0xBFB0] =	vst v1;
	v1 =	vld [tilespmem:$0x1DEF0]  }
0x627: {  	v24 =	vld [tilespmem:$0x1DF60];
	[tilespmem:s31+$0xBE90] =	vst v5  }
0x628: {  	v25 =	vld [tilespmem:$0x1DF70];
	[tilespmem:s31+$0xBE80] =	vst v4  }
0x629: {  	v26 =	vld [tilespmem:$0x1DF80];
	[tilespmem:s31+$0xBAF0] =	vst v3  }
0x62a: {  	v27 =	vld [tilespmem:$0x1DF90];
	[tilespmem:s31+$0xBAE0] =	vst v2  }
0x62b: {  	[tilespmem:s31+$0xBFA0] =	vst v1;
	v1 =	vld [tilespmem:$0x1DF00]  }
0x62c: {  	v28 =	vld [tilespmem:$0x1DFA0];
	[tilespmem:s31+$0xBAD0] =	vst v24  }
0x62d: {  	v29 =	vld [tilespmem:$0x1DFB0];
	[tilespmem:s31+$0xBAC0] =	vst v25  }
0x62e: {  	v30 =	vld [tilespmem:$0x1DFC0];
	[tilespmem:s31+$0xBAB0] =	vst v26  }
0x62f: {  	v31 =	vld [tilespmem:$0x1DFD0];
	[tilespmem:s31+$0xBAA0] =	vst v27  }
0x630: {  	[tilespmem:s31+$0xBF90] =	vst v1;
	v1 =	vld [tilespmem:$0x1DF10]  }
0x631: {  	v32 =	vld [tilespmem:$0x1DFE0];
	[tilespmem:s31+$0xBA90] =	vst v28  }
0x632: {  	v33 =	vld [tilespmem:$0x1DFF0];
	[tilespmem:s31+$0xBA80] =	vst v29  }
0x633: {  	v34 =	vld [tilespmem:$0x1E000];
	[tilespmem:s31+$0xB6F0] =	vst v30  }
0x634: {  	v35 =	vld [tilespmem:$0x1E010];
	[tilespmem:s31+$0xB6E0] =	vst v31  }
0x635: {  	[tilespmem:s31+$0xBF80] =	vst v1;
	v1 =	vld [tilespmem:$0x1DF20]  }
0x636: {  	v36 =	vld [tilespmem:$0x1E020];
	[tilespmem:s31+$0xB6D0] =	vst v32  }
0x637: {  	v37 =	vld [tilespmem:$0x1E030];
	[tilespmem:s31+$0xB6C0] =	vst v33  }
0x638: {  	v38 =	vld [tilespmem:$0x1E040];
	[tilespmem:s31+$0xB6B0] =	vst v34  }
0x639: {  	v39 =	vld [tilespmem:$0x1E050];
	[tilespmem:s31+$0xB6A0] =	vst v35  }
0x63a: {  	[tilespmem:s31+$0xBBF0] =	vst v1;
	v1 =	vld [tilespmem:$0x1DF30]  }
0x63b: {  	v40 =	vld [tilespmem:$0x1E060];
	[tilespmem:s31+$0xB690] =	vst v36  }
0x63c: {  	v41 =	vld [tilespmem:$0x1E070];
	[tilespmem:s31+$0xB680] =	vst v37  }
0x63d: {  	v42 =	vld [tilespmem:$0x1E080];
	[tilespmem:s31+$0xB2F0] =	vst v38  }
0x63e: {  	v43 =	vld [tilespmem:$0x1E090];
	[tilespmem:s31+$0xB2E0] =	vst v39  }
0x63f: {  	[tilespmem:s31+$0xBBE0] =	vst v1;
	v1 =	vld [tilespmem:$0x1DF40]  }
0x640: {  	v44 =	vld [tilespmem:$0x1E0A0];
	[tilespmem:s31+$0xB2D0] =	vst v40  }
0x641: {  	v45 =	vld [tilespmem:$0x1E0B0];
	[tilespmem:s31+$0xB2C0] =	vst v41  }
0x642: {  	v46 =	vld [tilespmem:$0x1E0C0];
	[tilespmem:s31+$0xB2B0] =	vst v42  }
0x643: {  	v47 =	vld [tilespmem:$0x1E0D0];
	[tilespmem:s31+$0xB2A0] =	vst v43  }
0x644: {  	[tilespmem:s31+$0xBBD0] =	vst v1;
	v1 =	vld [tilespmem:$0x1DF50]  }
0x645: {  	v48 =	vld [tilespmem:$0x1E0E0];
	[tilespmem:s31+$0xB290] =	vst v44  }
0x646: {  	[tilespmem:s31+$0xB280] =	vst v45  }
0x647: {  	[tilespmem:s31+$0xBE70] =	vst v46  }
0x648: {  	[tilespmem:s31+$0xBE60] =	vst v47  }
0x649: {  	[tilespmem:s31+$0xBBC0] =	vst v1  }
0x64a: {  	[tilespmem:s31+$0xBE50] =	vst v48  }
0x64b: {  	v1 =	vld [tilespmem:$0x1E0F0]  }
0x64c: {  	v49 =	vld [tilespmem:$0x1E100]  }
0x64d: {  	v50 =	vld [tilespmem:$0x1E110]  }
0x64e: {  	v51 =	vld [tilespmem:$0x1E120]  }
0x64f: {  	v52 =	vld [tilespmem:$0x1E130]  }
0x650: {  	v53 =	vld [tilespmem:$0x1E140];
	[tilespmem:s31+$0xBE40] =	vst v1  }
0x651: {  	v54 =	vld [tilespmem:$0x1E150];
	[tilespmem:s31+$0xC670] =	vst v49  }
0x652: {  	v55 =	vld [tilespmem:$0x1E160];
	[tilespmem:s31+$0xCA00] =	vst v50  }
0x653: {  	v56 =	vld [tilespmem:$0x1E170];
	[tilespmem:s31+$0xCA10] =	vst v51  }
0x654: {  	v57 =	vld [tilespmem:$0x1E180];
	[tilespmem:s31+$0xCA20] =	vst v52  }
0x655: {  	v58 =	vld [tilespmem:$0x1E190];
	[tilespmem:s31+$0xCA30] =	vst v53  }
0x656: {  	v59 =	vld [tilespmem:$0x1E1A0];
	[tilespmem:s31+$0xCA40] =	vst v54  }
0x657: {  	v60 =	vld [tilespmem:$0x1E1B0];
	[tilespmem:s31+$0xCA50] =	vst v55  }
0x658: {  	v61 =	vld [tilespmem:$0x1E1C0];
	[tilespmem:s31+$0xCA60] =	vst v56  }
0x659: {  	v62 =	vld [tilespmem:$0x1E1D0];
	[tilespmem:s31+$0xCA70] =	vst v57  }
0x65a: {  	v63 =	vld [tilespmem:$0x1E1E0];
	[tilespmem:s31+$0xCE00] =	vst v58  }
0x65b: {  	v4 =	vld [tilespmem:$0x1E1F0];
	[tilespmem:s31+$0xCE10] =	vst v59  }
0x65c: {  	v5 =	vld [tilespmem:$0x1E200];
	[tilespmem:s31+$0xCE20] =	vst v60  }
0x65d: {  	v6 =	vld [tilespmem:$0x1E210];
	[tilespmem:s31+$0xCE30] =	vst v61  }
0x65e: {  	v7 =	vld [tilespmem:$0x1E220];
	[tilespmem:s31+$0xCE40] =	vst v62  }
0x65f: {  	v8 =	vld [tilespmem:$0x1E230];
	[tilespmem:s31+$0xCE50] =	vst v63  }
0x660: {  	v9 =	vld [tilespmem:$0x1E240];
	[tilespmem:s31+$0xCE60] =	vst v4  }
0x661: {  	v10 =	vld [tilespmem:$0x1E250];
	[tilespmem:s31+$0xCE70] =	vst v5  }
0x662: {  	v11 =	vld [tilespmem:$0x1E260];
	[tilespmem:s31+$0xC280] =	vst v6  }
0x663: {  	v12 =	vld [tilespmem:$0x1E270];
	[tilespmem:s31+$0xC290] =	vst v7  }
0x664: {  	v13 =	vld [tilespmem:$0x1E280];
	[tilespmem:s31+$0xC2A0] =	vst v8  }
0x665: {  	v14 =	vld [tilespmem:$0x1E290];
	[tilespmem:s31+$0xC2B0] =	vst v9  }
0x666: {  	v15 =	vld [tilespmem:$0x1E2A0];
	[tilespmem:s31+$0xC2C0] =	vst v10  }
0x667: {  	v16 =	vld [tilespmem:$0x1E2B0];
	[tilespmem:s31+$0xC2D0] =	vst v11  }
0x668: {  	v17 =	vld [tilespmem:$0x1E2C0];
	[tilespmem:s31+$0xC2E0] =	vst v12  }
0x669: {  	v18 =	vld [tilespmem:$0x1E2D0];
	[tilespmem:s31+$0xC2F0] =	vst v13  }
0x66a: {  	v19 =	vld [tilespmem:$0x1E2E0];
	[tilespmem:s31+$0xC680] =	vst v14  }
0x66b: {  	v20 =	vld [tilespmem:$0x1E2F0];
	[tilespmem:s31+$0xC690] =	vst v15  }
0x66c: {  	v21 =	vld [tilespmem:$0x1E300];
	[tilespmem:s31+$0xC6A0] =	vst v16  }
0x66d: {  	v22 =	vld [tilespmem:$0x1E310];
	[tilespmem:s31+$0xC6B0] =	vst v17  }
0x66e: {  	v23 =	vld [tilespmem:$0x1E320];
	[tilespmem:s31+$0xC6C0] =	vst v18  }
0x66f: {  	v24 =	vld [tilespmem:$0x1E330];
	[tilespmem:s31+$0xC6D0] =	vst v19  }
0x670: {  	v25 =	vld [tilespmem:$0x1E340];
	[tilespmem:s31+$0xC6E0] =	vst v20  }
0x671: {  	v26 =	vld [tilespmem:$0x1E350];
	[tilespmem:s31+$0xC6F0] =	vst v21  }
0x672: {  	v27 =	vld [tilespmem:$0x1E360];
	[tilespmem:s31+$0xCA80] =	vst v22  }
0x673: {  	v28 =	vld [tilespmem:$0x1E370];
	[tilespmem:s31+$0xCA90] =	vst v23  }
0x674: {  	v29 =	vld [tilespmem:$0x1E380];
	[tilespmem:s31+$0xCAA0] =	vst v24  }
0x675: {  	v30 =	vld [tilespmem:$0x1E390];
	[tilespmem:s31+$0xCAB0] =	vst v25  }
0x676: {  	v31 =	vld [tilespmem:$0x1E3A0];
	[tilespmem:s31+$0xCAC0] =	vst v26  }
0x677: {  	v32 =	vld [tilespmem:$0x1E3B0];
	[tilespmem:s31+$0xCAD0] =	vst v27  }
0x678: {  	v33 =	vld [tilespmem:$0x1E3C0];
	[tilespmem:s31+$0xCAE0] =	vst v28  }
0x679: {  	v34 =	vld [tilespmem:$0x1E3D0];
	[tilespmem:s31+$0xCAF0] =	vst v29  }
0x67a: {  	v35 =	vld [tilespmem:$0x1E3E0];
	[tilespmem:s31+$0xCE80] =	vst v30  }
0x67b: {  	v36 =	vld [tilespmem:$0x1E3F0];
	[tilespmem:s31+$0xCE90] =	vst v31  }
0x67c: {  	v37 =	vld [tilespmem:$0x1E400];
	[tilespmem:s31+$0xCEA0] =	vst v32  }
0x67d: {  	v38 =	vld [tilespmem:$0x1E410];
	[tilespmem:s31+$0xCEB0] =	vst v33  }
0x67e: {  	v39 =	vld [tilespmem:$0x1E420];
	[tilespmem:s31+$0xCEC0] =	vst v34  }
0x67f: {  	v40 =	vld [tilespmem:$0x1E430];
	[tilespmem:s31+$0xCED0] =	vst v35  }
0x680: {  	v41 =	vld [tilespmem:$0x1E440];
	[tilespmem:s31+$0xCEE0] =	vst v36  }
0x681: {  	v42 =	vld [tilespmem:$0x1E450];
	[tilespmem:s31+$0xCEF0] =	vst v37  }
0x682: {  	v43 =	vld [tilespmem:$0x1E460];
	[tilespmem:s31+$0xC300] =	vst v38  }
0x683: {  	v44 =	vld [tilespmem:$0x1E470];
	[tilespmem:s31+$0xC310] =	vst v39  }
0x684: {  	v45 =	vld [tilespmem:$0x1E480];
	[tilespmem:s31+$0xC320] =	vst v40  }
0x685: {  	v46 =	vld [tilespmem:$0x1E490];
	[tilespmem:s31+$0xC330] =	vst v41  }
0x686: {  	v47 =	vld [tilespmem:$0x1E4A0];
	[tilespmem:s31+$0xC340] =	vst v42  }
0x687: {  	v48 =	vld [tilespmem:$0x1E4B0];
	[tilespmem:s31+$0xC350] =	vst v43  }
0x688: {  	[tilespmem:s31+$0xC360] =	vst v44;
	v49 =	vld [tilespmem:$0x1E4C0]  }
0x689: {  	[tilespmem:s31+$0xC370] =	vst v45;
	v50 =	vld [tilespmem:$0x1E4D0]  }
0x68a: {  	[tilespmem:s31+$0xC700] =	vst v46;
	v51 =	vld [tilespmem:$0x1E4E0]  }
0x68b: {  	[tilespmem:s31+$0xC710] =	vst v47;
	v52 =	vld [tilespmem:$0x1E4F0]  }
0x68c: {  	[tilespmem:s31+$0xC720] =	vst v48;
	v53 =	vld [tilespmem:$0x1E500]  }
0x68d: {  	v54 =	vld [tilespmem:$0x1E510];
	[tilespmem:s31+$0xC730] =	vst v49  }
0x68e: {  	v55 =	vld [tilespmem:$0x1E520];
	[tilespmem:s31+$0xC740] =	vst v50  }
0x68f: {  	v56 =	vld [tilespmem:$0x1E530];
	[tilespmem:s31+$0xC750] =	vst v51  }
0x690: {  	v57 =	vld [tilespmem:$0x1E540];
	[tilespmem:s31+$0xC760] =	vst v52  }
0x691: {  	v58 =	vld [tilespmem:$0x1E550];
	[tilespmem:s31+$0xC770] =	vst v53  }
0x692: {  	v59 =	vld [tilespmem:$0x1E560];
	[tilespmem:s31+$0xCB00] =	vst v54  }
0x693: {  	v60 =	vld [tilespmem:$0x1E570];
	[tilespmem:s31+$0xCB10] =	vst v55  }
0x694: {  	v61 =	vld [tilespmem:$0x1E580];
	[tilespmem:s31+$0xCB20] =	vst v56  }
0x695: {  	v62 =	vld [tilespmem:$0x1E590];
	[tilespmem:s31+$0xCB30] =	vst v57  }
0x696: {  	v63 =	vld [tilespmem:$0x1E5A0];
	[tilespmem:s31+$0xCB40] =	vst v58  }
0x697: {  	v4 =	vld [tilespmem:$0x1E5B0];
	[tilespmem:s31+$0xCB50] =	vst v59  }
0x698: {  	v5 =	vld [tilespmem:$0x1E5C0];
	[tilespmem:s31+$0xCB60] =	vst v60  }
0x699: {  	v6 =	vld [tilespmem:$0x1E5D0];
	[tilespmem:s31+$0xCB70] =	vst v61  }
0x69a: {  	v7 =	vld [tilespmem:$0x1E5E0];
	[tilespmem:s31+$0xCF00] =	vst v62  }
0x69b: {  	v8 =	vld [tilespmem:$0x1E5F0];
	[tilespmem:s31+$0xCF10] =	vst v63  }
0x69c: {  	v9 =	vld [tilespmem:$0x1E600];
	[tilespmem:s31+$0xCF20] =	vst v4  }
0x69d: {  	v10 =	vld [tilespmem:$0x1E610];
	[tilespmem:s31+$0xCF30] =	vst v5  }
0x69e: {  	v11 =	vld [tilespmem:$0x1E620];
	[tilespmem:s31+$0xCF40] =	vst v6  }
0x69f: {  	v12 =	vld [tilespmem:$0x1E630];
	[tilespmem:s31+$0xCF50] =	vst v7  }
0x6a0: {  	v13 =	vld [tilespmem:$0x1E640];
	[tilespmem:s31+$0xCF60] =	vst v8  }
0x6a1: {  	v14 =	vld [tilespmem:$0x1E650];
	[tilespmem:s31+$0xCF70] =	vst v9  }
0x6a2: {  	v15 =	vld [tilespmem:$0x1E660];
	[tilespmem:s31+$0xC380] =	vst v10  }
0x6a3: {  	v16 =	vld [tilespmem:$0x1E670];
	[tilespmem:s31+$0xC390] =	vst v11  }
0x6a4: {  	v17 =	vld [tilespmem:$0x1E680];
	[tilespmem:s31+$0xC3A0] =	vst v12  }
0x6a5: {  	v18 =	vld [tilespmem:$0x1E690];
	[tilespmem:s31+$0xC3B0] =	vst v13  }
0x6a6: {  	v19 =	vld [tilespmem:$0x1E6A0];
	[tilespmem:s31+$0xC3C0] =	vst v14  }
0x6a7: {  	v20 =	vld [tilespmem:$0x1E6B0];
	[tilespmem:s31+$0xC3D0] =	vst v15  }
0x6a8: {  	v21 =	vld [tilespmem:$0x1E6C0];
	[tilespmem:s31+$0xC3E0] =	vst v16  }
0x6a9: {  	v22 =	vld [tilespmem:$0x1E6D0];
	[tilespmem:s31+$0xC3F0] =	vst v17  }
0x6aa: {  	v23 =	vld [tilespmem:$0x1E6E0];
	[tilespmem:s31+$0xC780] =	vst v18  }
0x6ab: {  	v24 =	vld [tilespmem:$0x1E6F0];
	[tilespmem:s31+$0xC790] =	vst v19  }
0x6ac: {  	v25 =	vld [tilespmem:$0x1E700];
	[tilespmem:s31+$0xC7A0] =	vst v20  }
0x6ad: {  	v26 =	vld [tilespmem:$0x1E710];
	[tilespmem:s31+$0xC7B0] =	vst v21  }
0x6ae: {  	v27 =	vld [tilespmem:$0x1E720];
	[tilespmem:s31+$0xC7C0] =	vst v22  }
0x6af: {  	v28 =	vld [tilespmem:$0x1E730];
	[tilespmem:s31+$0xC7D0] =	vst v23  }
0x6b0: {  	v29 =	vld [tilespmem:$0x1E740];
	[tilespmem:s31+$0xC7E0] =	vst v24  }
0x6b1: {  	v30 =	vld [tilespmem:$0x1E750];
	[tilespmem:s31+$0xC7F0] =	vst v25  }
0x6b2: {  	v31 =	vld [tilespmem:$0x1E760];
	[tilespmem:s31+$0xCB80] =	vst v26  }
0x6b3: {  	v32 =	vld [tilespmem:$0x1E770];
	[tilespmem:s31+$0xCB90] =	vst v27  }
0x6b4: {  	v33 =	vld [tilespmem:$0x1E780];
	[tilespmem:s31+$0xCBA0] =	vst v28  }
0x6b5: {  	v34 =	vld [tilespmem:$0x1E790];
	[tilespmem:s31+$0xCBB0] =	vst v29  }
0x6b6: {  	v35 =	vld [tilespmem:$0x1E7A0];
	[tilespmem:s31+$0xCBC0] =	vst v30  }
0x6b7: {  	v36 =	vld [tilespmem:$0x1E7B0];
	[tilespmem:s31+$0xCBD0] =	vst v31  }
0x6b8: {  	v37 =	vld [tilespmem:$0x1E7C0];
	[tilespmem:s31+$0xCBE0] =	vst v32  }
0x6b9: {  	v38 =	vld [tilespmem:$0x1E7D0];
	[tilespmem:s31+$0xCBF0] =	vst v33  }
0x6ba: {  	v39 =	vld [tilespmem:$0x1E7E0];
	[tilespmem:s31+$0xCF80] =	vst v34  }
0x6bb: {  	v40 =	vld [tilespmem:$0x1E7F0];
	[tilespmem:s31+$0xCF90] =	vst v35  }
0x6bc: {  	v41 =	vld [tilespmem:$0x1E800];
	[tilespmem:s31+$0xCFA0] =	vst v36  }
0x6bd: {  	v42 =	vld [tilespmem:$0x1E810];
	[tilespmem:s31+$0xCFB0] =	vst v37  }
0x6be: {  	v43 =	vld [tilespmem:$0x1E820];
	[tilespmem:s31+$0xCFC0] =	vst v38  }
0x6bf: {  	v44 =	vld [tilespmem:$0x1E830];
	[tilespmem:s31+$0xCFD0] =	vst v39  }
0x6c0: {  	v45 =	vld [tilespmem:$0x1E840];
	[tilespmem:s31+$0xCFE0] =	vst v40  }
0x6c1: {  	v46 =	vld [tilespmem:$0x1E850];
	[tilespmem:s31+$0xCFF0] =	vst v41  }
0x6c2: {  	v47 =	vld [tilespmem:$0x1E860];
	[tilespmem:s31+$0xC400] =	vst v42  }
0x6c3: {  	v48 =	vld [tilespmem:$0x1E870];
	[tilespmem:s31+$0xC410] =	vst v43  }
0x6c4: {  	[tilespmem:s31+$0xC420] =	vst v44;
	v49 =	vld [tilespmem:$0x1E880]  }
0x6c5: {  	[tilespmem:s31+$0xC430] =	vst v45;
	v50 =	vld [tilespmem:$0x1E890]  }
0x6c6: {  	[tilespmem:s31+$0xC440] =	vst v46;
	v51 =	vld [tilespmem:$0x1E8A0]  }
0x6c7: {  	[tilespmem:s31+$0xC450] =	vst v47;
	v52 =	vld [tilespmem:$0x1E8B0]  }
0x6c8: {  	[tilespmem:s31+$0xC460] =	vst v48;
	v53 =	vld [tilespmem:$0x1E8C0]  }
0x6c9: {  	v54 =	vld [tilespmem:$0x1E8D0];
	[tilespmem:s31+$0xC470] =	vst v49  }
0x6ca: {  	v55 =	vld [tilespmem:$0x1E8E0];
	[tilespmem:s31+$0xC800] =	vst v50  }
0x6cb: {  	v56 =	vld [tilespmem:$0x1E8F0];
	[tilespmem:s31+$0xC810] =	vst v51  }
0x6cc: {  	v57 =	vld [tilespmem:$0x1E900];
	[tilespmem:s31+$0xC820] =	vst v52  }
0x6cd: {  	v58 =	vld [tilespmem:$0x1E910];
	[tilespmem:s31+$0xC830] =	vst v53  }
0x6ce: {  	v59 =	vld [tilespmem:$0x1E920];
	[tilespmem:s31+$0xC840] =	vst v54  }
0x6cf: {  	v60 =	vld [tilespmem:$0x1E930];
	[tilespmem:s31+$0xC850] =	vst v55  }
0x6d0: {  	v61 =	vld [tilespmem:$0x1E940];
	[tilespmem:s31+$0xC860] =	vst v56  }
0x6d1: {  	v62 =	vld [tilespmem:$0x1E950];
	[tilespmem:s31+$0xC870] =	vst v57  }
0x6d2: {  	v63 =	vld [tilespmem:$0x1E960];
	[tilespmem:s31+$0xCC00] =	vst v58  }
0x6d3: {  	v4 =	vld [tilespmem:$0x1E970];
	[tilespmem:s31+$0xCC10] =	vst v59  }
0x6d4: {  	v5 =	vld [tilespmem:$0x1E980];
	[tilespmem:s31+$0xCC20] =	vst v60  }
0x6d5: {  	v6 =	vld [tilespmem:$0x1E990];
	[tilespmem:s31+$0xCC30] =	vst v61  }
0x6d6: {  	v7 =	vld [tilespmem:$0x1E9A0];
	[tilespmem:s31+$0xCC40] =	vst v62  }
0x6d7: {  	v8 =	vld [tilespmem:$0x1E9B0];
	[tilespmem:s31+$0xCC50] =	vst v63  }
0x6d8: {  	v9 =	vld [tilespmem:$0x1E9C0];
	[tilespmem:s31+$0xCC60] =	vst v4  }
0x6d9: {  	v10 =	vld [tilespmem:$0x1E9D0];
	[tilespmem:s31+$0xCC70] =	vst v5  }
0x6da: {  	v11 =	vld [tilespmem:$0x1E9E0];
	[tilespmem:s31+$0xD000] =	vst v6  }
0x6db: {  	v12 =	vld [tilespmem:$0x1E9F0];
	[tilespmem:s31+$0xD010] =	vst v7  }
0x6dc: {  	v13 =	vld [tilespmem:$0x1EA00];
	[tilespmem:s31+$0xD020] =	vst v8  }
0x6dd: {  	v14 =	vld [tilespmem:$0x1EA10];
	[tilespmem:s31+$0xD030] =	vst v9  }
0x6de: {  	v15 =	vld [tilespmem:$0x1EA20];
	[tilespmem:s31+$0xD040] =	vst v10  }
0x6df: {  	v16 =	vld [tilespmem:$0x1EA30];
	[tilespmem:s31+$0xD050] =	vst v11  }
0x6e0: {  	v17 =	vld [tilespmem:$0x1EA40];
	[tilespmem:s31+$0xD060] =	vst v12  }
0x6e1: {  	v18 =	vld [tilespmem:$0x1EA50];
	[tilespmem:s31+$0xD070] =	vst v13  }
0x6e2: {  	v19 =	vld [tilespmem:$0x1EA60];
	[tilespmem:s31+$0xC480] =	vst v14  }
0x6e3: {  	v20 =	vld [tilespmem:$0x1EA70];
	[tilespmem:s31+$0xC490] =	vst v15  }
0x6e4: {  	v21 =	vld [tilespmem:$0x1EA80];
	[tilespmem:s31+$0xC4A0] =	vst v16  }
0x6e5: {  	v22 =	vld [tilespmem:$0x1EA90];
	[tilespmem:s31+$0xC4B0] =	vst v17  }
0x6e6: {  	v23 =	vld [tilespmem:$0x1EAA0];
	[tilespmem:s31+$0xC4C0] =	vst v18  }
0x6e7: {  	v24 =	vld [tilespmem:$0x1EAB0];
	[tilespmem:s31+$0xC4D0] =	vst v19  }
0x6e8: {  	v25 =	vld [tilespmem:$0x1EAC0];
	[tilespmem:s31+$0xC4E0] =	vst v20  }
0x6e9: {  	v26 =	vld [tilespmem:$0x1EAD0];
	[tilespmem:s31+$0xC4F0] =	vst v21  }
0x6ea: {  	v27 =	vld [tilespmem:$0x1EAE0];
	[tilespmem:s31+$0xC880] =	vst v22  }
0x6eb: {  	v28 =	vld [tilespmem:$0x1EAF0];
	[tilespmem:s31+$0xC890] =	vst v23  }
0x6ec: {  	v29 =	vld [tilespmem:$0x1EB00];
	[tilespmem:s31+$0xC8A0] =	vst v24  }
0x6ed: {  	v30 =	vld [tilespmem:$0x1EB10];
	[tilespmem:s31+$0xC8B0] =	vst v25  }
0x6ee: {  	v31 =	vld [tilespmem:$0x1EB20];
	[tilespmem:s31+$0xC8C0] =	vst v26  }
0x6ef: {  	v32 =	vld [tilespmem:$0x1EB30];
	[tilespmem:s31+$0xC8D0] =	vst v27  }
0x6f0: {  	v33 =	vld [tilespmem:$0x1EB40];
	[tilespmem:s31+$0xC8E0] =	vst v28  }
0x6f1: {  	v34 =	vld [tilespmem:$0x1EB50];
	[tilespmem:s31+$0xC8F0] =	vst v29  }
0x6f2: {  	v35 =	vld [tilespmem:$0x1EB60];
	[tilespmem:s31+$0xCC80] =	vst v30  }
0x6f3: {  	v36 =	vld [tilespmem:$0x1EB70];
	[tilespmem:s31+$0xCC90] =	vst v31  }
0x6f4: {  	v37 =	vld [tilespmem:$0x1EB80];
	[tilespmem:s31+$0xCCA0] =	vst v32  }
0x6f5: {  	v38 =	vld [tilespmem:$0x1EB90];
	[tilespmem:s31+$0xCCB0] =	vst v33  }
0x6f6: {  	v39 =	vld [tilespmem:$0x1EBA0];
	[tilespmem:s31+$0xCCC0] =	vst v34  }
0x6f7: {  	v40 =	vld [tilespmem:$0x1EBB0];
	[tilespmem:s31+$0xCCD0] =	vst v35  }
0x6f8: {  	v41 =	vld [tilespmem:$0x1EBC0];
	[tilespmem:s31+$0xCCE0] =	vst v36  }
0x6f9: {  	v42 =	vld [tilespmem:$0x1EBD0];
	[tilespmem:s31+$0xCCF0] =	vst v37  }
0x6fa: {  	v43 =	vld [tilespmem:$0x1EBE0];
	[tilespmem:s31+$0xD080] =	vst v38  }
0x6fb: {  	v44 =	vld [tilespmem:$0x1EBF0];
	[tilespmem:s31+$0xD090] =	vst v39  }
0x6fc: {  	v45 =	vld [tilespmem:$0x1EC00];
	[tilespmem:s31+$0xD0A0] =	vst v40  }
0x6fd: {  	v46 =	vld [tilespmem:$0x1EC10];
	[tilespmem:s31+$0xD0B0] =	vst v41  }
0x6fe: {  	v47 =	vld [tilespmem:$0x1EC20];
	[tilespmem:s31+$0xD0C0] =	vst v42  }
0x6ff: {  	v48 =	vld [tilespmem:$0x1EC30];
	[tilespmem:s31+$0xD0D0] =	vst v43  }
0x700: {  	[tilespmem:s31+$0xD0E0] =	vst v44;
	v49 =	vld [tilespmem:$0x1EC40]  }
0x701: {  	[tilespmem:s31+$0xD0F0] =	vst v45;
	v50 =	vld [tilespmem:$0x1EC50]  }
0x702: {  	[tilespmem:s31+$0xC500] =	vst v46;
	v51 =	vld [tilespmem:$0x1EC60]  }
0x703: {  	[tilespmem:s31+$0xC510] =	vst v47;
	v52 =	vld [tilespmem:$0x1EC70]  }
0x704: {  	[tilespmem:s31+$0xC520] =	vst v48;
	v53 =	vld [tilespmem:$0x1EC80]  }
0x705: {  	v54 =	vld [tilespmem:$0x1EC90];
	[tilespmem:s31+$0xC530] =	vst v49  }
0x706: {  	v55 =	vld [tilespmem:$0x1ECA0];
	[tilespmem:s31+$0xC540] =	vst v50  }
0x707: {  	v56 =	vld [tilespmem:$0x1ECB0];
	[tilespmem:s31+$0xC550] =	vst v51  }
0x708: {  	v57 =	vld [tilespmem:$0x1ECC0];
	[tilespmem:s31+$0xC560] =	vst v52  }
0x709: {  	v58 =	vld [tilespmem:$0x1ECD0];
	[tilespmem:s31+$0xC570] =	vst v53  }
0x70a: {  	v59 =	vld [tilespmem:$0x1ECE0];
	[tilespmem:s31+$0xC900] =	vst v54  }
0x70b: {  	v60 =	vld [tilespmem:$0x1ECF0];
	[tilespmem:s31+$0xC910] =	vst v55  }
0x70c: {  	v61 =	vld [tilespmem:$0x1ED00];
	[tilespmem:s31+$0xC920] =	vst v56  }
0x70d: {  	v62 =	vld [tilespmem:$0x1ED10];
	[tilespmem:s31+$0xC930] =	vst v57  }
0x70e: {  	v63 =	vld [tilespmem:$0x1ED20];
	[tilespmem:s31+$0xC940] =	vst v58  }
0x70f: {  	v4 =	vld [tilespmem:$0x1ED30];
	[tilespmem:s31+$0xC950] =	vst v59  }
0x710: {  	v5 =	vld [tilespmem:$0x1ED40];
	[tilespmem:s31+$0xC960] =	vst v60  }
0x711: {  	v6 =	vld [tilespmem:$0x1ED50];
	[tilespmem:s31+$0xC970] =	vst v61  }
0x712: {  	v7 =	vld [tilespmem:$0x1ED60];
	[tilespmem:s31+$0xCD00] =	vst v62  }
0x713: {  	v8 =	vld [tilespmem:$0x1ED70];
	[tilespmem:s31+$0xCD10] =	vst v63  }
0x714: {  	v9 =	vld [tilespmem:$0x1ED80];
	[tilespmem:s31+$0xCD20] =	vst v4  }
0x715: {  	v10 =	vld [tilespmem:$0x1ED90];
	[tilespmem:s31+$0xCD30] =	vst v5  }
0x716: {  	v11 =	vld [tilespmem:$0x1EDA0];
	[tilespmem:s31+$0xCD40] =	vst v6  }
0x717: {  	v12 =	vld [tilespmem:$0x1EDB0];
	[tilespmem:s31+$0xCD50] =	vst v7  }
0x718: {  	v13 =	vld [tilespmem:$0x1EDC0];
	[tilespmem:s31+$0xCD60] =	vst v8  }
0x719: {  	v14 =	vld [tilespmem:$0x1EDD0];
	[tilespmem:s31+$0xCD70] =	vst v9  }
0x71a: {  	v15 =	vld [tilespmem:$0x1EDE0];
	[tilespmem:s31+$0xD100] =	vst v10  }
0x71b: {  	v16 =	vld [tilespmem:$0x1EDF0];
	[tilespmem:s31+$0xD110] =	vst v11  }
0x71c: {  	v17 =	vld [tilespmem:$0x1EE00];
	[tilespmem:s31+$0xD120] =	vst v12  }
0x71d: {  	v18 =	vld [tilespmem:$0x1EE10];
	[tilespmem:s31+$0xD130] =	vst v13  }
0x71e: {  	v19 =	vld [tilespmem:$0x1EE20];
	[tilespmem:s31+$0xD140] =	vst v14  }
0x71f: {  	v20 =	vld [tilespmem:$0x1EE30];
	[tilespmem:s31+$0xD150] =	vst v15  }
0x720: {  	v21 =	vld [tilespmem:$0x1EE40];
	[tilespmem:s31+$0xD160] =	vst v16  }
0x721: {  	v22 =	vld [tilespmem:$0x1EE50];
	[tilespmem:s31+$0xD170] =	vst v17  }
0x722: {  	v23 =	vld [tilespmem:$0x1EE60];
	[tilespmem:s31+$0xC580] =	vst v18  }
0x723: {  	v24 =	vld [tilespmem:$0x1EE70];
	[tilespmem:s31+$0xC590] =	vst v19  }
0x724: {  	v25 =	vld [tilespmem:$0x1EE80];
	[tilespmem:s31+$0xC5A0] =	vst v20  }
0x725: {  	v26 =	vld [tilespmem:$0x1EE90];
	[tilespmem:s31+$0xC5B0] =	vst v21  }
0x726: {  	v27 =	vld [tilespmem:$0x1EEA0];
	[tilespmem:s31+$0xC5C0] =	vst v22  }
0x727: {  	v28 =	vld [tilespmem:$0x1EEB0];
	[tilespmem:s31+$0xC5D0] =	vst v23  }
0x728: {  	v29 =	vld [tilespmem:$0x1EEC0];
	[tilespmem:s31+$0xC5E0] =	vst v24  }
0x729: {  	v30 =	vld [tilespmem:$0x1EED0];
	[tilespmem:s31+$0xC5F0] =	vst v25  }
0x72a: {  	v31 =	vld [tilespmem:$0x1EEE0];
	[tilespmem:s31+$0xC980] =	vst v26  }
0x72b: {  	v32 =	vld [tilespmem:$0x1EEF0];
	[tilespmem:s31+$0xC990] =	vst v27  }
0x72c: {  	v33 =	vld [tilespmem:$0x1EF00];
	[tilespmem:s31+$0xC9A0] =	vst v28  }
0x72d: {  	v34 =	vld [tilespmem:$0x1EF10];
	[tilespmem:s31+$0xC9B0] =	vst v29  }
0x72e: {  	v35 =	vld [tilespmem:$0x1EF20];
	[tilespmem:s31+$0xC9C0] =	vst v30  }
0x72f: {  	v36 =	vld [tilespmem:$0x1EF30];
	[tilespmem:s31+$0xC9D0] =	vst v31  }
0x730: {  	v37 =	vld [tilespmem:$0x1EF40];
	[tilespmem:s31+$0xC9E0] =	vst v32  }
0x731: {  	v38 =	vld [tilespmem:$0x1EF50];
	[tilespmem:s31+$0xC9F0] =	vst v33  }
0x732: {  	v39 =	vld [tilespmem:$0x1EF60];
	[tilespmem:s31+$0xCD80] =	vst v34  }
0x733: {  	v40 =	vld [tilespmem:$0x1EF70];
	[tilespmem:s31+$0xCD90] =	vst v35  }
0x734: {  	v41 =	vld [tilespmem:$0x1EF80];
	[tilespmem:s31+$0xCDA0] =	vst v36  }
0x735: {  	v42 =	vld [tilespmem:$0x1EF90];
	[tilespmem:s31+$0xCDB0] =	vst v37  }
0x736: {  	v43 =	vld [tilespmem:$0x1EFA0];
	[tilespmem:s31+$0xCDC0] =	vst v38  }
0x737: {  	v44 =	vld [tilespmem:$0x1EFB0];
	[tilespmem:s31+$0xCDD0] =	vst v39  }
0x738: {  	v45 =	vld [tilespmem:$0x1EFC0];
	[tilespmem:s31+$0xCDE0] =	vst v40  }
0x739: {  	v46 =	vld [tilespmem:$0x1EFD0];
	[tilespmem:s31+$0xCDF0] =	vst v41  }
0x73a: {  	v47 =	vld [tilespmem:$0x1EFE0];
	[tilespmem:s31+$0xD180] =	vst v42  }
0x73b: {  	v48 =	vld [tilespmem:$0x1EFF0];
	[tilespmem:s31+$0xD190] =	vst v43  }
0x73c: {  	[tilespmem:s31+$0xD1A0] =	vst v44;
	v49 =	vld [tilespmem:$0x1F000]  }
0x73d: {  	[tilespmem:s31+$0xD1B0] =	vst v45;
	v50 =	vld [tilespmem:$0x1F010]  }
0x73e: {  	[tilespmem:s31+$0xD1C0] =	vst v46;
	v51 =	vld [tilespmem:$0x1F020]  }
0x73f: {  	[tilespmem:s31+$0xD1D0] =	vst v47;
	v52 =	vld [tilespmem:$0x1F030]  }
0x740: {  	[tilespmem:s31+$0xD1E0] =	vst v48;
	v53 =	vld [tilespmem:$0x1F040]  }
0x741: {  	v54 =	vld [tilespmem:$0x1F050];
	[tilespmem:s31+$0xD1F0] =	vst v49  }
0x742: {  	v55 =	vld [tilespmem:$0x1F060];
	[tilespmem:s31+$0xD200] =	vst v50  }
0x743: {  	v56 =	vld [tilespmem:$0x1F070];
	[tilespmem:s31+$0xD210] =	vst v51  }
0x744: {  	v57 =	vld [tilespmem:$0x1F080];
	[tilespmem:s31+$0xD220] =	vst v52  }
0x745: {  	[tilespmem:s31+$0xD230] =	vst v53  }
0x746: {  	[tilespmem:s31+$0xD240] =	vst v54  }
0x747: {  	[tilespmem:s31+$0xD250] =	vst v55  }
0x748: {  	[tilespmem:s31+$0xD260] =	vst v56  }
0x749: {  	[tilespmem:s31+$0xD270] =	vst v57  }
0x74a: {  	v1 =	vld [tilespmem:$0x1F090]  }
0x74b: {  	v58 =	vld [tilespmem:$0x1F0A0]  }
0x74c: {  	v59 =	vld [tilespmem:$0x1F0B0]  }
0x74d: {  	v60 =	vld [tilespmem:$0x1F0C0]  }
0x74e: {  	[tilespmem:s31+$0xE1F0] =	vst v0;
	v61 =	vld [tilespmem:$0x1F0D0]  }
0x74f: {  	v62 =	vld [tilespmem:$0x1F0E0];
	[tilespmem:s31+$0xD600] =	vst v1  }
0x750: {  	v63 =	vld [tilespmem:$0x1F0F0];
	[tilespmem:s31+$0xD610] =	vst v58  }
0x751: {  	v4 =	vld [tilespmem:$0x1F100];
	[tilespmem:s31+$0xD620] =	vst v59  }
0x752: {  	v5 =	vld [tilespmem:$0x1F110];
	[tilespmem:s31+$0xD630] =	vst v60  }
0x753: {  	v6 =	vld [tilespmem:$0x1F120];
	[tilespmem:s31+$0xD640] =	vst v61  }
0x754: {  	v7 =	vld [tilespmem:$0x1F130];
	[tilespmem:s31+$0xD650] =	vst v62  }
0x755: {  	v8 =	vld [tilespmem:$0x1F140];
	[tilespmem:s31+$0xD660] =	vst v63  }
0x756: {  	v9 =	vld [tilespmem:$0x1F150];
	[tilespmem:s31+$0xD670] =	vst v4  }
0x757: {  	v10 =	vld [tilespmem:$0x1F160];
	[tilespmem:s31+$0xE1E0] =	vst v5  }
0x758: {  	v11 =	vld [tilespmem:$0x1F170];
	[tilespmem:s31+$0xE1D0] =	vst v6  }
0x759: {  	v12 =	vld [tilespmem:$0x1F180];
	[tilespmem:s31+$0xE1C0] =	vst v7  }
0x75a: {  	v13 =	vld [tilespmem:$0x1F190];
	[tilespmem:s31+$0xE1B0] =	vst v8  }
0x75b: {  	v14 =	vld [tilespmem:$0x1F1A0];
	[tilespmem:s31+$0xE1A0] =	vst v9  }
0x75c: {  	v15 =	vld [tilespmem:$0x1F1B0];
	[tilespmem:s31+$0xE190] =	vst v10  }
0x75d: {  	v16 =	vld [tilespmem:$0x1F1C0];
	[tilespmem:s31+$0xE180] =	vst v11  }
0x75e: {  	v17 =	vld [tilespmem:$0x1F1D0];
	[tilespmem:s31+$0xDDF0] =	vst v12  }
0x75f: {  	v18 =	vld [tilespmem:$0x1F1E0];
	[tilespmem:s31+$0xDDE0] =	vst v13  }
0x760: {  	v19 =	vld [tilespmem:$0x1F1F0];
	[tilespmem:s31+$0xDDD0] =	vst v14  }
0x761: {  	v20 =	vld [tilespmem:$0x1F200];
	[tilespmem:s31+$0xDDC0] =	vst v15  }
0x762: {  	v21 =	vld [tilespmem:$0x1F210];
	[tilespmem:s31+$0xDDB0] =	vst v16  }
0x763: {  	v22 =	vld [tilespmem:$0x1F220];
	[tilespmem:s31+$0xDDA0] =	vst v17  }
0x764: {  	v23 =	vld [tilespmem:$0x1F230];
	[tilespmem:s31+$0xDD90] =	vst v18  }
0x765: {  	v24 =	vld [tilespmem:$0x1F240];
	[tilespmem:s31+$0xDD80] =	vst v19  }
0x766: {  	v25 =	vld [tilespmem:$0x1F250];
	[tilespmem:s31+$0xD9F0] =	vst v20  }
0x767: {  	v26 =	vld [tilespmem:$0x1F260];
	[tilespmem:s31+$0xD9E0] =	vst v21  }
0x768: {  	v27 =	vld [tilespmem:$0x1F270];
	[tilespmem:s31+$0xD9D0] =	vst v22  }
0x769: {  	v28 =	vld [tilespmem:$0x1F280];
	[tilespmem:s31+$0xD9C0] =	vst v23  }
0x76a: {  	v29 =	vld [tilespmem:$0x1F290];
	[tilespmem:s31+$0xD9B0] =	vst v24  }
0x76b: {  	v30 =	vld [tilespmem:$0x1F2A0];
	[tilespmem:s31+$0xD9A0] =	vst v25  }
0x76c: {  	v31 =	vld [tilespmem:$0x1F2B0];
	[tilespmem:s31+$0xD990] =	vst v26  }
0x76d: {  	v32 =	vld [tilespmem:$0x1F2C0];
	[tilespmem:s31+$0xD980] =	vst v27  }
0x76e: {  	v33 =	vld [tilespmem:$0x1F2D0];
	[tilespmem:s31+$0xD5F0] =	vst v28  }
0x76f: {  	v34 =	vld [tilespmem:$0x1F2E0];
	[tilespmem:s31+$0xD5E0] =	vst v29  }
0x770: {  	v35 =	vld [tilespmem:$0x1F2F0];
	[tilespmem:s31+$0xD5D0] =	vst v30  }
0x771: {  	v36 =	vld [tilespmem:$0x1F300];
	[tilespmem:s31+$0xD5C0] =	vst v31  }
0x772: {  	v37 =	vld [tilespmem:$0x1F310];
	[tilespmem:s31+$0xD5B0] =	vst v32  }
0x773: {  	v38 =	vld [tilespmem:$0x1F320];
	[tilespmem:s31+$0xD5A0] =	vst v33  }
0x774: {  	v39 =	vld [tilespmem:$0x1F330];
	[tilespmem:s31+$0xD590] =	vst v34  }
0x775: {  	v40 =	vld [tilespmem:$0x1F340];
	[tilespmem:s31+$0xD580] =	vst v35  }
0x776: {  	v41 =	vld [tilespmem:$0x1F350];
	[tilespmem:s31+$0xE170] =	vst v36  }
0x777: {  	v42 =	vld [tilespmem:$0x1F360];
	[tilespmem:s31+$0xE160] =	vst v37  }
0x778: {  	v43 =	vld [tilespmem:$0x1F370];
	[tilespmem:s31+$0xE150] =	vst v38  }
0x779: {  	v44 =	vld [tilespmem:$0x1F380];
	[tilespmem:s31+$0xE140] =	vst v39  }
0x77a: {  	v45 =	vld [tilespmem:$0x1F390];
	[tilespmem:s31+$0xE130] =	vst v40  }
0x77b: {  	v46 =	vld [tilespmem:$0x1F3A0];
	[tilespmem:s31+$0xE120] =	vst v41  }
0x77c: {  	v47 =	vld [tilespmem:$0x1F3B0];
	[tilespmem:s31+$0xE110] =	vst v42  }
0x77d: {  	v48 =	vld [tilespmem:$0x1F3C0];
	[tilespmem:s31+$0xE100] =	vst v43  }
0x77e: {  	v49 =	vld [tilespmem:$0x1F3D0];
	[tilespmem:s31+$0xDD70] =	vst v44  }
0x77f: {  	v50 =	vld [tilespmem:$0x1F3E0];
	[tilespmem:s31+$0xDD60] =	vst v45  }
0x780: {  	v51 =	vld [tilespmem:$0x1F3F0];
	[tilespmem:s31+$0xDD50] =	vst v46  }
0x781: {  	v52 =	vld [tilespmem:$0x1F400];
	[tilespmem:s31+$0xDD40] =	vst v47  }
0x782: {  	v53 =	vld [tilespmem:$0x1F410];
	[tilespmem:s31+$0xDD30] =	vst v48  }
0x783: {  	v54 =	vld [tilespmem:$0x1F420];
	[tilespmem:s31+$0xDD20] =	vst v49  }
0x784: {  	v55 =	vld [tilespmem:$0x1F430];
	[tilespmem:s31+$0xDD10] =	vst v50  }
0x785: {  	v56 =	vld [tilespmem:$0x1F440];
	[tilespmem:s31+$0xDD00] =	vst v51  }
0x786: {  	v57 =	vld [tilespmem:$0x1F450];
	[tilespmem:s31+$0xD970] =	vst v52  }
0x787: {  	[tilespmem:s31+$0xD960] =	vst v53;
	v58 =	vld [tilespmem:$0x1F460]  }
0x788: {  	[tilespmem:s31+$0xD950] =	vst v54;
	v59 =	vld [tilespmem:$0x1F470]  }
0x789: {  	[tilespmem:s31+$0xD940] =	vst v55;
	v60 =	vld [tilespmem:$0x1F480]  }
0x78a: {  	[tilespmem:s31+$0xD930] =	vst v56;
	v61 =	vld [tilespmem:$0x1F490]  }
0x78b: {  	[tilespmem:s31+$0xD920] =	vst v57;
	v62 =	vld [tilespmem:$0x1F4A0]  }
0x78c: {  	v63 =	vld [tilespmem:$0x1F4B0];
	[tilespmem:s31+$0xD910] =	vst v58  }
0x78d: {  	v4 =	vld [tilespmem:$0x1F4C0];
	[tilespmem:s31+$0xD900] =	vst v59  }
0x78e: {  	v5 =	vld [tilespmem:$0x1F4D0];
	[tilespmem:s31+$0xD570] =	vst v60  }
0x78f: {  	v6 =	vld [tilespmem:$0x1F4E0];
	[tilespmem:s31+$0xD560] =	vst v61  }
0x790: {  	v7 =	vld [tilespmem:$0x1F4F0];
	[tilespmem:s31+$0xD550] =	vst v62  }
0x791: {  	v8 =	vld [tilespmem:$0x1F500];
	[tilespmem:s31+$0xD540] =	vst v63  }
0x792: {  	v9 =	vld [tilespmem:$0x1F510];
	[tilespmem:s31+$0xD530] =	vst v4  }
0x793: {  	v10 =	vld [tilespmem:$0x1F520];
	[tilespmem:s31+$0xD520] =	vst v5  }
0x794: {  	v11 =	vld [tilespmem:$0x1F530];
	[tilespmem:s31+$0xD510] =	vst v6  }
0x795: {  	v12 =	vld [tilespmem:$0x1F540];
	[tilespmem:s31+$0xD500] =	vst v7  }
0x796: {  	v13 =	vld [tilespmem:$0x1F550];
	[tilespmem:s31+$0xE0F0] =	vst v8  }
0x797: {  	v14 =	vld [tilespmem:$0x1F560];
	[tilespmem:s31+$0xE0E0] =	vst v9  }
0x798: {  	v15 =	vld [tilespmem:$0x1F570];
	[tilespmem:s31+$0xE0D0] =	vst v10  }
0x799: {  	v16 =	vld [tilespmem:$0x1F580];
	[tilespmem:s31+$0xE0C0] =	vst v11  }
0x79a: {  	v17 =	vld [tilespmem:$0x1F590];
	[tilespmem:s31+$0xE0B0] =	vst v12  }
0x79b: {  	v18 =	vld [tilespmem:$0x1F5A0];
	[tilespmem:s31+$0xE0A0] =	vst v13  }
0x79c: {  	v19 =	vld [tilespmem:$0x1F5B0];
	[tilespmem:s31+$0xE090] =	vst v14  }
0x79d: {  	v20 =	vld [tilespmem:$0x1F5C0];
	[tilespmem:s31+$0xE080] =	vst v15  }
0x79e: {  	v21 =	vld [tilespmem:$0x1F5D0];
	[tilespmem:s31+$0xDCF0] =	vst v16  }
0x79f: {  	v22 =	vld [tilespmem:$0x1F5E0];
	[tilespmem:s31+$0xDCE0] =	vst v17  }
0x7a0: {  	v23 =	vld [tilespmem:$0x1F5F0];
	[tilespmem:s31+$0xDCD0] =	vst v18  }
0x7a1: {  	v24 =	vld [tilespmem:$0x1F600];
	[tilespmem:s31+$0xDCC0] =	vst v19  }
0x7a2: {  	v25 =	vld [tilespmem:$0x1F610];
	[tilespmem:s31+$0xDCB0] =	vst v20  }
0x7a3: {  	v26 =	vld [tilespmem:$0x1F620];
	[tilespmem:s31+$0xDCA0] =	vst v21  }
0x7a4: {  	v27 =	vld [tilespmem:$0x1F630];
	[tilespmem:s31+$0xDC90] =	vst v22  }
0x7a5: {  	v28 =	vld [tilespmem:$0x1F640];
	[tilespmem:s31+$0xDC80] =	vst v23  }
0x7a6: {  	v29 =	vld [tilespmem:$0x1F650];
	[tilespmem:s31+$0xD8F0] =	vst v24  }
0x7a7: {  	v30 =	vld [tilespmem:$0x1F660];
	[tilespmem:s31+$0xD8E0] =	vst v25  }
0x7a8: {  	v31 =	vld [tilespmem:$0x1F670];
	[tilespmem:s31+$0xD8D0] =	vst v26  }
0x7a9: {  	v32 =	vld [tilespmem:$0x1F680];
	[tilespmem:s31+$0xD8C0] =	vst v27  }
0x7aa: {  	v33 =	vld [tilespmem:$0x1F690];
	[tilespmem:s31+$0xD8B0] =	vst v28  }
0x7ab: {  	v34 =	vld [tilespmem:$0x1F6A0];
	[tilespmem:s31+$0xD8A0] =	vst v29  }
0x7ac: {  	v35 =	vld [tilespmem:$0x1F6B0];
	[tilespmem:s31+$0xD890] =	vst v30  }
0x7ad: {  	v36 =	vld [tilespmem:$0x1F6C0];
	[tilespmem:s31+$0xD880] =	vst v31  }
0x7ae: {  	v37 =	vld [tilespmem:$0x1F6D0];
	[tilespmem:s31+$0xD4F0] =	vst v32  }
0x7af: {  	v38 =	vld [tilespmem:$0x1F6E0];
	[tilespmem:s31+$0xD4E0] =	vst v33  }
0x7b0: {  	v39 =	vld [tilespmem:$0x1F6F0];
	[tilespmem:s31+$0xD4D0] =	vst v34  }
0x7b1: {  	v40 =	vld [tilespmem:$0x1F700];
	[tilespmem:s31+$0xD4C0] =	vst v35  }
0x7b2: {  	v41 =	vld [tilespmem:$0x1F710];
	[tilespmem:s31+$0xD4B0] =	vst v36  }
0x7b3: {  	v42 =	vld [tilespmem:$0x1F720];
	[tilespmem:s31+$0xD4A0] =	vst v37  }
0x7b4: {  	v43 =	vld [tilespmem:$0x1F730];
	[tilespmem:s31+$0xD490] =	vst v38  }
0x7b5: {  	v44 =	vld [tilespmem:$0x1F740];
	[tilespmem:s31+$0xD480] =	vst v39  }
0x7b6: {  	v45 =	vld [tilespmem:$0x1F750];
	[tilespmem:s31+$0xE070] =	vst v40  }
0x7b7: {  	v46 =	vld [tilespmem:$0x1F760];
	[tilespmem:s31+$0xE060] =	vst v41  }
0x7b8: {  	v47 =	vld [tilespmem:$0x1F770];
	[tilespmem:s31+$0xE050] =	vst v42  }
0x7b9: {  	v48 =	vld [tilespmem:$0x1F780];
	[tilespmem:s31+$0xE040] =	vst v43  }
0x7ba: {  	v49 =	vld [tilespmem:$0x1F790];
	[tilespmem:s31+$0xE030] =	vst v44  }
0x7bb: {  	v50 =	vld [tilespmem:$0x1F7A0];
	[tilespmem:s31+$0xE020] =	vst v45  }
0x7bc: {  	v51 =	vld [tilespmem:$0x1F7B0];
	[tilespmem:s31+$0xE010] =	vst v46  }
0x7bd: {  	v52 =	vld [tilespmem:$0x1F7C0];
	[tilespmem:s31+$0xE000] =	vst v47  }
0x7be: {  	v53 =	vld [tilespmem:$0x1F7D0];
	[tilespmem:s31+$0xDC70] =	vst v48  }
0x7bf: {  	v54 =	vld [tilespmem:$0x1F7E0];
	[tilespmem:s31+$0xDC60] =	vst v49  }
0x7c0: {  	v55 =	vld [tilespmem:$0x1F7F0];
	[tilespmem:s31+$0xDC50] =	vst v50  }
0x7c1: {  	v56 =	vld [tilespmem:$0x1F800];
	[tilespmem:s31+$0xDC40] =	vst v51  }
0x7c2: {  	v57 =	vld [tilespmem:$0x1F810];
	[tilespmem:s31+$0xDC30] =	vst v52  }
0x7c3: {  	[tilespmem:s31+$0xDC20] =	vst v53;
	v58 =	vld [tilespmem:$0x1F820]  }
0x7c4: {  	[tilespmem:s31+$0xDC10] =	vst v54;
	v59 =	vld [tilespmem:$0x1F830]  }
0x7c5: {  	[tilespmem:s31+$0xDC00] =	vst v55;
	v60 =	vld [tilespmem:$0x1F840]  }
0x7c6: {  	[tilespmem:s31+$0xD870] =	vst v56;
	v61 =	vld [tilespmem:$0x1F850]  }
0x7c7: {  	[tilespmem:s31+$0xD860] =	vst v57;
	v62 =	vld [tilespmem:$0x1F860]  }
0x7c8: {  	v63 =	vld [tilespmem:$0x1F870];
	[tilespmem:s31+$0xD850] =	vst v58  }
0x7c9: {  	v4 =	vld [tilespmem:$0x1F880];
	[tilespmem:s31+$0xD840] =	vst v59  }
0x7ca: {  	v5 =	vld [tilespmem:$0x1F890];
	[tilespmem:s31+$0xD830] =	vst v60  }
0x7cb: {  	v6 =	vld [tilespmem:$0x1F8A0];
	[tilespmem:s31+$0xD820] =	vst v61  }
0x7cc: {  	v7 =	vld [tilespmem:$0x1F8B0];
	[tilespmem:s31+$0xD810] =	vst v62  }
0x7cd: {  	v8 =	vld [tilespmem:$0x1F8C0];
	[tilespmem:s31+$0xD800] =	vst v63  }
0x7ce: {  	v9 =	vld [tilespmem:$0x1F8D0];
	[tilespmem:s31+$0xD470] =	vst v4  }
0x7cf: {  	v10 =	vld [tilespmem:$0x1F8E0];
	[tilespmem:s31+$0xD460] =	vst v5  }
0x7d0: {  	v11 =	vld [tilespmem:$0x1F8F0];
	[tilespmem:s31+$0xD450] =	vst v6  }
0x7d1: {  	v12 =	vld [tilespmem:$0x1F900];
	[tilespmem:s31+$0xD440] =	vst v7  }
0x7d2: {  	v13 =	vld [tilespmem:$0x1F910];
	[tilespmem:s31+$0xD430] =	vst v8  }
0x7d3: {  	v14 =	vld [tilespmem:$0x1F920];
	[tilespmem:s31+$0xD420] =	vst v9  }
0x7d4: {  	v15 =	vld [tilespmem:$0x1F930];
	[tilespmem:s31+$0xD410] =	vst v10  }
0x7d5: {  	v16 =	vld [tilespmem:$0x1F940];
	[tilespmem:s31+$0xD400] =	vst v11  }
0x7d6: {  	v17 =	vld [tilespmem:$0x1F950];
	[tilespmem:s31+$0xDFF0] =	vst v12  }
0x7d7: {  	v18 =	vld [tilespmem:$0x1F960];
	[tilespmem:s31+$0xDFE0] =	vst v13  }
0x7d8: {  	v19 =	vld [tilespmem:$0x1F970];
	[tilespmem:s31+$0xDFD0] =	vst v14  }
0x7d9: {  	v20 =	vld [tilespmem:$0x1F980];
	[tilespmem:s31+$0xDFC0] =	vst v15  }
0x7da: {  	v21 =	vld [tilespmem:$0x1F990];
	[tilespmem:s31+$0xDFB0] =	vst v16  }
0x7db: {  	v22 =	vld [tilespmem:$0x1F9A0];
	[tilespmem:s31+$0xDFA0] =	vst v17  }
0x7dc: {  	v23 =	vld [tilespmem:$0x1F9B0];
	[tilespmem:s31+$0xDF90] =	vst v18  }
0x7dd: {  	v24 =	vld [tilespmem:$0x1F9C0];
	[tilespmem:s31+$0xDF80] =	vst v19  }
0x7de: {  	v25 =	vld [tilespmem:$0x1F9D0];
	[tilespmem:s31+$0xDBF0] =	vst v20  }
0x7df: {  	v26 =	vld [tilespmem:$0x1F9E0];
	[tilespmem:s31+$0xDBE0] =	vst v21  }
0x7e0: {  	v27 =	vld [tilespmem:$0x1F9F0];
	[tilespmem:s31+$0xDBD0] =	vst v22  }
0x7e1: {  	v28 =	vld [tilespmem:$0x1FA00];
	[tilespmem:s31+$0xDBC0] =	vst v23  }
0x7e2: {  	v29 =	vld [tilespmem:$0x1FA10];
	[tilespmem:s31+$0xDBB0] =	vst v24  }
0x7e3: {  	v30 =	vld [tilespmem:$0x1FA20];
	[tilespmem:s31+$0xDBA0] =	vst v25  }
0x7e4: {  	v31 =	vld [tilespmem:$0x1FA30];
	[tilespmem:s31+$0xDB90] =	vst v26  }
0x7e5: {  	v32 =	vld [tilespmem:$0x1FA40];
	[tilespmem:s31+$0xDB80] =	vst v27  }
0x7e6: {  	v33 =	vld [tilespmem:$0x1FA50];
	[tilespmem:s31+$0xD7F0] =	vst v28  }
0x7e7: {  	v34 =	vld [tilespmem:$0x1FA60];
	[tilespmem:s31+$0xD7E0] =	vst v29  }
0x7e8: {  	v35 =	vld [tilespmem:$0x1FA70];
	[tilespmem:s31+$0xD7D0] =	vst v30  }
0x7e9: {  	v36 =	vld [tilespmem:$0x1FA80];
	[tilespmem:s31+$0xD7C0] =	vst v31  }
0x7ea: {  	v37 =	vld [tilespmem:$0x1FA90];
	[tilespmem:s31+$0xD7B0] =	vst v32  }
0x7eb: {  	v38 =	vld [tilespmem:$0x1FAA0];
	[tilespmem:s31+$0xD7A0] =	vst v33  }
0x7ec: {  	v39 =	vld [tilespmem:$0x1FAB0];
	[tilespmem:s31+$0xD790] =	vst v34  }
0x7ed: {  	v40 =	vld [tilespmem:$0x1FAC0];
	[tilespmem:s31+$0xD780] =	vst v35  }
0x7ee: {  	v41 =	vld [tilespmem:$0x1FAD0];
	[tilespmem:s31+$0xD3F0] =	vst v36  }
0x7ef: {  	v42 =	vld [tilespmem:$0x1FAE0];
	[tilespmem:s31+$0xD3E0] =	vst v37  }
0x7f0: {  	v43 =	vld [tilespmem:$0x1FAF0];
	[tilespmem:s31+$0xD3D0] =	vst v38  }
0x7f1: {  	v44 =	vld [tilespmem:$0x1FB00];
	[tilespmem:s31+$0xD3C0] =	vst v39  }
0x7f2: {  	v45 =	vld [tilespmem:$0x1FB10];
	[tilespmem:s31+$0xD3B0] =	vst v40  }
0x7f3: {  	v46 =	vld [tilespmem:$0x1FB20];
	[tilespmem:s31+$0xD3A0] =	vst v41  }
0x7f4: {  	v47 =	vld [tilespmem:$0x1FB30];
	[tilespmem:s31+$0xD390] =	vst v42  }
0x7f5: {  	v48 =	vld [tilespmem:$0x1FB40];
	[tilespmem:s31+$0xD380] =	vst v43  }
0x7f6: {  	v49 =	vld [tilespmem:$0x1FB50];
	[tilespmem:s31+$0xDF70] =	vst v44  }
0x7f7: {  	v50 =	vld [tilespmem:$0x1FB60];
	[tilespmem:s31+$0xDF60] =	vst v45  }
0x7f8: {  	v51 =	vld [tilespmem:$0x1FB70];
	[tilespmem:s31+$0xDF50] =	vst v46  }
0x7f9: {  	v52 =	vld [tilespmem:$0x1FB80];
	[tilespmem:s31+$0xDF40] =	vst v47  }
0x7fa: {  	v53 =	vld [tilespmem:$0x1FB90];
	[tilespmem:s31+$0xDF30] =	vst v48  }
0x7fb: {  	v54 =	vld [tilespmem:$0x1FBA0];
	[tilespmem:s31+$0xDF20] =	vst v49  }
0x7fc: {  	v55 =	vld [tilespmem:$0x1FBB0];
	[tilespmem:s31+$0xDF10] =	vst v50  }
0x7fd: {  	v56 =	vld [tilespmem:$0x1FBC0];
	[tilespmem:s31+$0xDF00] =	vst v51  }
0x7fe: {  	v57 =	vld [tilespmem:$0x1FBD0];
	[tilespmem:s31+$0xDB70] =	vst v52  }
0x7ff: {  	[tilespmem:s31+$0xDB60] =	vst v53;
	v58 =	vld [tilespmem:$0x1FBE0]  }
0x800: {  	[tilespmem:s31+$0xDB50] =	vst v54;
	v59 =	vld [tilespmem:$0x1FBF0]  }
0x801: {  	[tilespmem:s31+$0xDB40] =	vst v55;
	v60 =	vld [tilespmem:$0x1FC00]  }
0x802: {  	[tilespmem:s31+$0xDB30] =	vst v56;
	v61 =	vld [tilespmem:$0x1FC10]  }
0x803: {  	[tilespmem:s31+$0xDB20] =	vst v57;
	v62 =	vld [tilespmem:$0x1FC20]  }
0x804: {  	v63 =	vld [tilespmem:$0x1FC30];
	[tilespmem:s31+$0xDB10] =	vst v58  }
0x805: {  	v4 =	vld [tilespmem:$0x1FC40];
	[tilespmem:s31+$0xDB00] =	vst v59  }
0x806: {  	v5 =	vld [tilespmem:$0x1FC50];
	[tilespmem:s31+$0xD770] =	vst v60  }
0x807: {  	v6 =	vld [tilespmem:$0x1FC60];
	[tilespmem:s31+$0xD760] =	vst v61  }
0x808: {  	v7 =	vld [tilespmem:$0x1FC70];
	[tilespmem:s31+$0xD750] =	vst v62  }
0x809: {  	v8 =	vld [tilespmem:$0x1FC80];
	[tilespmem:s31+$0xD740] =	vst v63  }
0x80a: {  	v9 =	vld [tilespmem:$0x1FC90];
	[tilespmem:s31+$0xD730] =	vst v4  }
0x80b: {  	v10 =	vld [tilespmem:$0x1FCA0];
	[tilespmem:s31+$0xD720] =	vst v5  }
0x80c: {  	v11 =	vld [tilespmem:$0x1FCB0];
	[tilespmem:s31+$0xD710] =	vst v6  }
0x80d: {  	v12 =	vld [tilespmem:$0x1FCC0];
	[tilespmem:s31+$0xD700] =	vst v7  }
0x80e: {  	v13 =	vld [tilespmem:$0x1FCD0];
	[tilespmem:s31+$0xD370] =	vst v8  }
0x80f: {  	v14 =	vld [tilespmem:$0x1FCE0];
	[tilespmem:s31+$0xD360] =	vst v9  }
0x810: {  	v15 =	vld [tilespmem:$0x1FCF0];
	[tilespmem:s31+$0xD350] =	vst v10  }
0x811: {  	v16 =	vld [tilespmem:$0x1FD00];
	[tilespmem:s31+$0xD340] =	vst v11  }
0x812: {  	v17 =	vld [tilespmem:$0x1FD10];
	[tilespmem:s31+$0xD330] =	vst v12  }
0x813: {  	v18 =	vld [tilespmem:$0x1FD20];
	[tilespmem:s31+$0xD320] =	vst v13  }
0x814: {  	v19 =	vld [tilespmem:$0x1FD30];
	[tilespmem:s31+$0xD310] =	vst v14  }
0x815: {  	v20 =	vld [tilespmem:$0x1FD40];
	[tilespmem:s31+$0xD300] =	vst v15  }
0x816: {  	v21 =	vld [tilespmem:$0x1FD50];
	[tilespmem:s31+$0xDEF0] =	vst v16  }
0x817: {  	v22 =	vld [tilespmem:$0x1FD60];
	[tilespmem:s31+$0xDEE0] =	vst v17  }
0x818: {  	v23 =	vld [tilespmem:$0x1FD70];
	[tilespmem:s31+$0xDED0] =	vst v18  }
0x819: {  	v24 =	vld [tilespmem:$0x1FD80];
	[tilespmem:s31+$0xDEC0] =	vst v19  }
0x81a: {  	v25 =	vld [tilespmem:$0x1FD90];
	[tilespmem:s31+$0xDEB0] =	vst v20  }
0x81b: {  	v26 =	vld [tilespmem:$0x1FDA0];
	[tilespmem:s31+$0xDEA0] =	vst v21  }
0x81c: {  	v27 =	vld [tilespmem:$0x1FDB0];
	[tilespmem:s31+$0xDE90] =	vst v22  }
0x81d: {  	v28 =	vld [tilespmem:$0x1FDC0];
	[tilespmem:s31+$0xDE80] =	vst v23  }
0x81e: {  	v29 =	vld [tilespmem:$0x1FDD0];
	[tilespmem:s31+$0xDAF0] =	vst v24  }
0x81f: {  	v30 =	vld [tilespmem:$0x1FDE0];
	[tilespmem:s31+$0xDAE0] =	vst v25  }
0x820: {  	v31 =	vld [tilespmem:$0x1FDF0];
	[tilespmem:s31+$0xDAD0] =	vst v26  }
0x821: {  	v32 =	vld [tilespmem:$0x1FE00];
	[tilespmem:s31+$0xDAC0] =	vst v27  }
0x822: {  	v33 =	vld [tilespmem:$0x1FE10];
	[tilespmem:s31+$0xDAB0] =	vst v28  }
0x823: {  	v34 =	vld [tilespmem:$0x1FE20];
	[tilespmem:s31+$0xDAA0] =	vst v29  }
0x824: {  	v35 =	vld [tilespmem:$0x1FE30];
	[tilespmem:s31+$0xDA90] =	vst v30  }
0x825: {  	v36 =	vld [tilespmem:$0x1FE40];
	[tilespmem:s31+$0xDA80] =	vst v31  }
0x826: {  	v37 =	vld [tilespmem:$0x1FE50];
	[tilespmem:s31+$0xD6F0] =	vst v32  }
0x827: {  	v38 =	vld [tilespmem:$0x1FE60];
	[tilespmem:s31+$0xD6E0] =	vst v33  }
0x828: {  	v39 =	vld [tilespmem:$0x1FE70];
	[tilespmem:s31+$0xD6D0] =	vst v34  }
0x829: {  	v40 =	vld [tilespmem:$0x1FE80];
	[tilespmem:s31+$0xD6C0] =	vst v35  }
0x82a: {  	v41 =	vld [tilespmem:$0x1FE90];
	[tilespmem:s31+$0xD6B0] =	vst v36  }
0x82b: {  	v42 =	vld [tilespmem:$0x1FEA0];
	[tilespmem:s31+$0xD6A0] =	vst v37  }
0x82c: {  	v43 =	vld [tilespmem:$0x1FEB0];
	[tilespmem:s31+$0xD690] =	vst v38  }
0x82d: {  	v44 =	vld [tilespmem:$0x1FEC0];
	[tilespmem:s31+$0xD680] =	vst v39  }
0x82e: {  	v45 =	vld [tilespmem:$0x1FED0];
	[tilespmem:s31+$0xD2F0] =	vst v40  }
0x82f: {  	v46 =	vld [tilespmem:$0x1FEE0];
	[tilespmem:s31+$0xD2E0] =	vst v41  }
0x830: {  	v47 =	vld [tilespmem:$0x1FEF0];
	[tilespmem:s31+$0xD2D0] =	vst v42  }
0x831: {  	v48 =	vld [tilespmem:$0x1FF00];
	[tilespmem:s31+$0xD2C0] =	vst v43  }
0x832: {  	v49 =	vld [tilespmem:$0x1FF10];
	[tilespmem:s31+$0xD2B0] =	vst v44  }
0x833: {  	v50 =	vld [tilespmem:$0x1FF20];
	[tilespmem:s31+$0xD2A0] =	vst v45  }
0x834: {  	v51 =	vld [tilespmem:$0x1FF30];
	[tilespmem:s31+$0xD290] =	vst v46  }
0x835: {  	v52 =	vld [tilespmem:$0x1FF40];
	[tilespmem:s31+$0xD280] =	vst v47  }
0x836: {  	v53 =	vld [tilespmem:$0x1FF50];
	[tilespmem:s31+$0xDE70] =	vst v48  }
0x837: {  	v54 =	vld [tilespmem:$0x1FF60];
	[tilespmem:s31+$0xDE60] =	vst v49  }
0x838: {  	v55 =	vld [tilespmem:$0x1FF70];
	[tilespmem:s31+$0xDE50] =	vst v50  }
0x839: {  	v56 =	vld [tilespmem:$0x1FF80];
	[tilespmem:s31+$0xDE40] =	vst v51  }
0x83a: {  	v57 =	vld [tilespmem:$0x1FF90];
	[tilespmem:s31+$0xDE30] =	vst v52  }
0x83b: {  	[tilespmem:s31+$0xDE20] =	vst v53;
	v58 =	vld [tilespmem:$0x1FFA0]  }
0x83c: {  	[tilespmem:s31+$0xDE10] =	vst v54;
	v59 =	vld [tilespmem:$0x1FFB0]  }
0x83d: {  	[tilespmem:s31+$0xDE00] =	vst v55;
	v60 =	vld [tilespmem:$0x1FFC0]  }
0x83e: {  	[tilespmem:s31+$0xDA70] =	vst v56;
	v61 =	vld [tilespmem:$0x1FFD0]  }
0x83f: {  	[tilespmem:s31+$0xDA60] =	vst v57;
	v62 =	vld [tilespmem:$0x1FFE0]  }
0x840: {  	v63 =	vld [tilespmem:$0x1FFF0];
	[tilespmem:s31+$0xDA50] =	vst v58  }
0x841: {  	[tilespmem:s31+$0xDA40] =	vst v59  }
0x842: {  	[tilespmem:s31+$0xDA30] =	vst v60  }
0x843: {  	[tilespmem:s31+$0xDA20] =	vst v61  }
0x844: {  	p3 =	seq.s32 s13, $0x1;
	[tilespmem:s31+$0xDA10] =	vst v62  }
0x845: {  	s19 =	sadd.s32 s5, s19;
	p2 =	por p3, p2;
	[tilespmem:s31+$0xDA00] =	vst v63  }
0x846: {  	s19 =	sshll.u32 @p2 s19, $0xB;
	s23 =	simm.s32 $0x1;
	_ =	strace $0x9000004B  }
0x847: {  	s19 =	sand.u32 @p2 $0x1FFFF800, s19;
	s23 =	simm.s32 @!p1 $0x0;
	_ =	strace @p2 $0x8000004C  }
0x848: {  	p1 =	seq.s32 s13, $0x8;
	s20 =	sadd.s32 @p2 $0x3, s20;
	s22 =	rddreg [dreg:$0x6]  }
0x849: {  	s21 =	sor.u32 $0xA200, s31;
	s19 =	sadd.s32 @p2 s22, s19;
	s22 =	simm.s32 @p2 $0x0  }
0x84a: {  	[hbm4b:s19+s22] =	stream.linear.scatter @p2 [tilespmem:s21], [sflag:s20], $0x4000, $0x200038;
	[tilespmem:$0x12200] =	vst v63  }
0x84b: {  	s19 =	simm.s32 $0x1;
	s21 =	simm.s32 $0x1;
	_ =	strace @p2 $0x9000004C  }
0x84c: {  	s19 =	simm.s32 @!p2 $0x0;
	p2 =	sne.s32 s13, $0x8;
	s13 =	sadd.s32 $0xFFFFFFFF, s13  }
0x84d: {  	s20 =	sand.u32 @!p1 $0x1, s15;
	s21 =	simm.s32 @!p2 $0x0;
	p2 =	sne.s32 s13, $0x0  }
.Ltmp0:
0x84e: {  	s20 =	sadd.s32 @!p1 $0x3, s20;
	_ =	strace @!p1 $0x8000004D;
	(pc) =	sbr.rel @p2 .LBB2_2-.Ltmp0, $4  }
0x84f: {  	_ =	swait.ge @!p1 [sflag:s20], $0x4000  }
0x850: {  	[sflag:s20] =	ssyncset.done @!p1 $0x0  }
0x851: {  	s18 =	sadd.s32 s23, s18;
	s16 =	sadd.s32 s19, s16;
	[sflag:s20] =	ssyncadd.s32 @!p1 $0xFFFFC000  }
0x852: {  	s17 =	sadd.s32 s19, s17;
	s15 =	sadd.s32 s21, s15;
	_ =	strace @!p1 $0x9000004D  }
0x853: {  	s12 =	sadd.s32 $0x1, s12  }
0x854: {  	p1 =	sne.s32 s12, s7  }
.Ltmp1:
0x855: {  	_ =	strace $0x8000004E;
	(pc) =	sbr.rel @p1 .LBB2_1-.Ltmp1, $4  }
0x856: {  	_ =	swait.ge [sflag:s11], $0x4000  }
0x857: {  	[sflag:s11] =	ssyncset.done $0x0  }
0x858: {  	[sflag:s11] =	ssyncadd.s32 $0xFFFFC000  }
0x859: {  	_ =	strace $0x9000004E  }
0x85a: {  	_ =	sfence.sel $0x180000  }
0x85b: {  	[bflag:$0x0] =	sbarrier.arrive $0xFFFF  }
0x85c: {  	_ =	strace $0x90000047  }
0x85d: {  	s0 =	sadd.s32 @!p0 $0x100000, s0;
	[bflag:$0x2] =	sbarrier.arrive $0xFFFF  }
0x85e: {  	[sflag:s0] =	ssyncadd.tile.s32 @!p0 $0x1;
	_ =	shalt  }
.Lfunc_end2:
_tile_overlayer_lowered:
.L_overlay_start_2:
0x85f: {  	(tag) =	ssettag $0x2  }
0x860: {  	s0 =	rddreg [dreg:$0x0];
	s2 =	stileid.u32  }
0x861: {  	s1 =	rddreg [dreg:$0x1];
	p0 =	sne.s32 s2, $0x0  }
0x862: {  	s3 =	rddreg [dreg:$0x2];
	[bflag:$0x3] =	sbarrier.arrive $0xFFFF;
	s2 =	simm.s32 @!p0 $0x1C01  }
0x863: {  	[timem:s3], [sflag:s2] =	dma.local @!p0 [hbm:s0], s1  }
0x864: {  	s0 =	simm.s32 @!p0 $0x1  }
0x865: {  	_ =	swait.ge @!p0 [sflag:s0], s1  }
0x866: {  	s1 =	ssub.s32 @!p0 $0x0, s1;
	[sflag:s0] =	ssyncset.done @!p0 $0x0  }
0x867: {  	[sflag:s0] =	ssyncadd.s32 @!p0 s1  }
0x868: {  	[bflag:$0x3] =	sbarrier.arrive $0xFFFF  }
0x869: {  	_ =	shalt  }

</sc_bundles>
